<compile_context>
chip_gen: v7x
topology: tpu7x:2x2x1
jax: 0.10.2.dev20260603
libtpu: 0.0.44.dev20260713+nightly
codegen_flags: <defaults>
</compile_context>

<pallas_src>
import functools

import jax
import jax.numpy as jnp
from jax import lax
from jax.experimental import pallas as pl
from jax.experimental.pallas import tpu as pltpu
from jax.experimental.pallas import tpu_sc as plsc

TOP_K = 8


def _router_block_kernel(x_ref, w_ref, scores_ref, sel_ref, rank_ref,
                         hist_ref, offs_ref, acc_ref):
    T = x_ref.shape[0]
    E = w_ref.shape[0]

    @pl.when(pl.program_id(0) == 0)
    def _init():
        acc_ref[...] = jnp.zeros_like(acc_ref)

    scores = lax.dot_general(x_ref[...], w_ref[...], (((1,), (1,)), ((), ())),
                             preferred_element_type=jnp.float32)
    m = jnp.max(scores, axis=1, keepdims=True)
    ex = jnp.exp(scores - m)
    p = ex / jnp.sum(ex, axis=1, keepdims=True)

    lanes = lax.broadcasted_iota(jnp.int32, (T, E), 1)
    s = p
    ohs = []
    cols_score = []
    cols_sel = []
    tokhot = jnp.zeros((T, E), jnp.float32)
    for _ in range(TOP_K):
        mx = jnp.max(s, axis=1, keepdims=True)
        idx = jnp.min(jnp.where(s == mx, lanes, E), axis=1, keepdims=True)
        oh = lanes == idx
        ohf = oh.astype(jnp.float32)
        ohs.append(ohf)
        cols_score.append(mx)
        cols_sel.append(idx)
        tokhot = tokhot + ohf
        s = jnp.where(oh, -jnp.inf, s)

    ri = lax.broadcasted_iota(jnp.int32, (T, T), 0)
    ci = lax.broadcasted_iota(jnp.int32, (T, T), 1)
    ltri = (ri > ci).astype(jnp.float32)
    excl = lax.dot_general(ltri, tokhot, (((1,), (0,)), ((), ())),
                           preferred_element_type=jnp.float32)
    base = excl + acc_ref[0:1, 0:E]
    cols_rank = [jnp.sum(base * ohs[k], axis=1, keepdims=True)
                 for k in range(TOP_K)]

    scores_ref[...] = jnp.concatenate(cols_score, axis=1)
    sel_ref[...] = jnp.concatenate(cols_sel, axis=1)
    rank_ref[...] = jnp.concatenate(cols_rank, axis=1).astype(jnp.int32)

    new_acc = acc_ref[0:1, 0:E] + jnp.sum(tokhot, axis=0, keepdims=True)
    acc_ref[0:1, 0:E] = new_acc
    hist_ref[...] = jnp.broadcast_to(new_acc, hist_ref.shape).astype(jnp.int32)

    ei = lax.broadcasted_iota(jnp.int32, (E, E), 0)
    ej = lax.broadcasted_iota(jnp.int32, (E, E), 1)
    utri = (ei < ej).astype(jnp.float32)
    offs = lax.dot_general(new_acc, utri, (((1,), (0,)), ((), ())),
                           preferred_element_type=jnp.float32,
                           precision=lax.Precision.HIGHEST)
    offs_ref[...] = jnp.broadcast_to(offs, offs_ref.shape).astype(jnp.int32)


def _router_tc(x, gate_weight, block_t):
    n, d = x.shape
    e = gate_weight.shape[0]
    grid = (n // block_t,)
    return pl.pallas_call(
        _router_block_kernel,
        grid=grid,
        in_specs=[
            pl.BlockSpec((block_t, d), lambda i: (i, 0)),
            pl.BlockSpec((e, d), lambda i: (0, 0)),
        ],
        out_specs=[
            pl.BlockSpec((block_t, TOP_K), lambda i: (i, 0)),
            pl.BlockSpec((block_t, TOP_K), lambda i: (i, 0)),
            pl.BlockSpec((block_t, TOP_K), lambda i: (i, 0)),
            pl.BlockSpec((8, e), lambda i: (0, 0)),
            pl.BlockSpec((8, e), lambda i: (0, 0)),
        ],
        out_shape=[
            jax.ShapeDtypeStruct((n, TOP_K), jnp.float32),
            jax.ShapeDtypeStruct((n, TOP_K), jnp.int32),
            jax.ShapeDtypeStruct((n, TOP_K), jnp.int32),
            jax.ShapeDtypeStruct((8, e), jnp.int32),
            jax.ShapeDtypeStruct((8, e), jnp.int32),
        ],
        scratch_shapes=[pltpu.VMEM((8, 128), jnp.float32)],
    )(x, gate_weight)


def _dispatch_sc(scores_f, sel_f, rank_f, offs):
    total = scores_f.shape[0]
    e = offs.shape[0]
    info = plsc.get_sparse_core_info()
    nw = info.num_cores * info.num_subcores
    ch = total // nw
    nrow = ch // 128
    mesh = plsc.VectorSubcoreMesh(core_axis_name="c", subcore_axis_name="s")

    @functools.partial(
        pl.kernel,
        mesh=mesh,
        compiler_params=pltpu.CompilerParams(needs_layout_passes=False),
        out_type=[
            jax.ShapeDtypeStruct((total,), jnp.float32),
            jax.ShapeDtypeStruct((total,), jnp.int32),
        ],
        scratch_types=[
            pltpu.VMEM((e,), jnp.int32),
            pltpu.VMEM((ch,), jnp.int32),
            pltpu.VMEM((ch,), jnp.int32),
            pltpu.VMEM((ch,), jnp.float32),
            pltpu.VMEM((ch,), jnp.int32),
            pltpu.VMEM((nrow, 128), jnp.int32),
            pltpu.SemaphoreType.DMA,
        ],
    )
    def dispatch(scores_hbm, sel_hbm, rank_hbm, offs_hbm,
                 out_s_hbm, out_t_hbm,
                 offs_v, sel_v, rank_v, sc_v, tok_v, pos_v, sem):
        wid = lax.axis_index("s") * info.num_cores + lax.axis_index("c")
        chunk_base = wid * ch

        pltpu.sync_copy(offs_hbm, offs_v)
        pltpu.sync_copy(sel_hbm.at[pl.ds(chunk_base, ch)], sel_v)
        pltpu.sync_copy(rank_hbm.at[pl.ds(chunk_base, ch)], rank_v)
        pltpu.sync_copy(scores_hbm.at[pl.ds(chunk_base, ch)], sc_v)

        lane = lax.iota(jnp.int32, 16)

        def row(c, _):
            for u in range(8):
                start = (c * 8 + u) * 16
                k16 = sel_v[pl.ds(start, 16)]
                r16 = rank_v[pl.ds(start, 16)]
                off16 = plsc.load_gather(offs_v, [k16])
                pos_v[c, pl.ds(u * 16, 16)] = off16 + r16
                flat = chunk_base + start + lane
                tok_v[pl.ds(start, 16)] = flat // TOP_K
            return 0

        lax.fori_loop(0, nrow, row, 0)

        waits = []
        for c in range(nrow):
            waits.append(pltpu.async_copy(
                sc_v.at[pl.ds(c * 128, 128)], out_s_hbm.at[pos_v.at[c]], sem))
        for c in range(nrow):
            waits.append(pltpu.async_copy(
                tok_v.at[pl.ds(c * 128, 128)], out_t_hbm.at[pos_v.at[c]], sem))
        for w in waits:
            w.wait()

    return dispatch(scores_f, sel_f, rank_f, offs)


def kernel(x, gate_weight):
    n, _ = x.shape
    scores, sel, rank, hist8, offs8 = _router_tc(x, gate_weight, block_t=256)
    hist = hist8[0]
    out_s, out_t = _dispatch_sc(scores.reshape(-1), sel.reshape(-1),
                                rank.reshape(-1), offs8[0])
    return out_s, out_t, hist

# --- scband reference (transcript-rebuilt; emitter-appended) ---
"""Pipeline reference for scband-token-choice-top-krouter-11991548691213 (READ-ONLY COPY).

The authoritative reference and input builder live on the scoring server;
editing this copy changes nothing except your own understanding.
"""

import jax, jax.numpy as jnp
import numpy as np

DIM = 4096
NUM_EXPERTS = 64
TOP_K = 8
SCALE = 1.0
N_TOKENS = 16384


def setup_inputs(seed: int = 0) -> dict:
    key = jax.random.key(seed)
    k1, k2 = jax.random.split(key)
    x = jax.random.normal(k1, (N_TOKENS, DIM), dtype=jnp.float32)
    gate_weight = jax.random.normal(k2, (NUM_EXPERTS, DIM), dtype=jnp.float32) * 0.02
    return {"x": x, "gate_weight": gate_weight}


def reference(x, gate_weight):
    # gate: nn.Linear(dim, num_experts, bias=False) -> x @ W.T
    scores = x @ gate_weight.T
    # softmax in float32 (use_sigmoid=False path)
    scores = jax.nn.softmax(scores.astype(jnp.float32), axis=1)
    # topk over experts per token (expert_bias is None)
    top_scores, selected_experts_indices = jax.lax.top_k(scores, TOP_K)
    sel_flat = selected_experts_indices.reshape(-1)
    # histc(bins=num_experts, min=0, max=num_experts) == bincount over expert ids
    num_tokens_per_expert = jnp.bincount(sel_flat, length=NUM_EXPERTS)
    # stable argsort to group tokens by expert
    token_indices_experts_sorted = jnp.argsort(sel_flat, stable=True)
    top_scores_sorted = top_scores.reshape(-1)[token_indices_experts_sorted]
    token_indices = token_indices_experts_sorted // TOP_K
    top_scores_sorted = top_scores_sorted * SCALE
    return (top_scores_sorted, token_indices, num_tokens_per_expert)

if __name__ == "__main__":
    import jax
    _d = setup_inputs()
    print(jax.jit(kernel)(*tuple(_d.values())))

</pallas_src>

<mosaic_0001>
#map = affine_map<(d0, d1) -> (0)>
module attributes {stable_mosaic.version = 14 : i64} {
  func.func @dispatch(%arg0: i32, %arg1: i32, %arg2: memref<131072xf32, #tpu.memory_space<hbm>>, %arg3: memref<131072xi32, #tpu.memory_space<hbm>>, %arg4: memref<131072xi32, #tpu.memory_space<hbm>>, %arg5: memref<64xi32, #tpu.memory_space<hbm>>, %arg6: memref<131072xf32, #tpu.memory_space<hbm>>, %arg7: memref<131072xi32, #tpu.memory_space<hbm>>, %arg8: memref<64xi32, #tpu.memory_space<vmem>>, %arg9: memref<4096xi32, #tpu.memory_space<vmem>>, %arg10: memref<4096xi32, #tpu.memory_space<vmem>>, %arg11: memref<4096xf32, #tpu.memory_space<vmem>>, %arg12: memref<4096xi32, #tpu.memory_space<vmem>>, %arg13: memref<32x128xi32, #tpu.memory_space<vmem>>, %arg14: memref<!tpu.dma_semaphore, #tpu.memory_space<semaphore_mem>>) attributes {dimension_semantics = [#tpu.dimension_semantics<core_parallel>, #tpu.dimension_semantics<subcore_parallel>], iteration_bounds = array<i64: 2, 16>, scalar_prefetch = 0 : i64, scratch_operands = 7 : i64, tpu.core_type = #tpu.core_type<sc_vector_subcore>, window_params = [{transform_indices = #map}, {transform_indices = #map}, {transform_indices = #map}, {transform_indices = #map}, {transform_indices = #map}, {transform_indices = #map}]} {
    %mul3A = arith.constant 2 : i32
    %mul3A_0 = arith.muli %arg1, %mul3A : i32
    %add3A = arith.addi %mul3A_0, %arg0 : i32
    %mul3A_1 = arith.constant 4096 : i32
    %mul3A_2 = arith.muli %add3A, %mul3A_1 : i32
    "tpu.region"() ({
      %run_scoped3A = tpu.sem_alloc : memref<!tpu.dma_semaphore, #tpu.memory_space<semaphore_mem>>
      tpu.enqueue_dma source(%arg5 : memref<64xi32, #tpu.memory_space<hbm>>) target(%arg8 : memref<64xi32, #tpu.memory_space<vmem>>) target_semaphore(%run_scoped3A : memref<!tpu.dma_semaphore, #tpu.memory_space<semaphore_mem>>)
      tpu.wait_dma2 semaphore(%run_scoped3A : memref<!tpu.dma_semaphore, #tpu.memory_space<semaphore_mem>>) src(%arg5 : memref<64xi32, #tpu.memory_space<hbm>>) dst(%arg8 : memref<64xi32, #tpu.memory_space<vmem>>)
      tpu.yield
    }) : () -> ()
    "tpu.region"() ({
      %run_scoped3A = tpu.sem_alloc : memref<!tpu.dma_semaphore, #tpu.memory_space<semaphore_mem>>
      %dma_start3A_1031 = tpu.memref_slice %arg3[%mul3A_2] : memref<131072xi32, #tpu.memory_space<hbm>> -> memref<4096xi32, #tpu.memory_space<hbm>>
      %dma_start3A_1032 = tpu.memref_slice %arg3[%mul3A_2] : memref<131072xi32, #tpu.memory_space<hbm>> -> memref<4096xi32, #tpu.memory_space<hbm>>
      tpu.enqueue_dma source(%dma_start3A_1032 : memref<4096xi32, #tpu.memory_space<hbm>>) target(%arg9 : memref<4096xi32, #tpu.memory_space<vmem>>) target_semaphore(%run_scoped3A : memref<!tpu.dma_semaphore, #tpu.memory_space<semaphore_mem>>)
      %dma_wait3A_1033 = tpu.memref_slice %arg3[%mul3A_2] : memref<131072xi32, #tpu.memory_space<hbm>> -> memref<4096xi32, #tpu.memory_space<hbm>>
      %dma_wait3A_1034 = tpu.memref_slice %arg3[%mul3A_2] : memref<131072xi32, #tpu.memory_space<hbm>> -> memref<4096xi32, #tpu.memory_space<hbm>>
      tpu.wait_dma2 semaphore(%run_scoped3A : memref<!tpu.dma_semaphore, #tpu.memory_space<semaphore_mem>>) src(%dma_wait3A_1034 : memref<4096xi32, #tpu.memory_space<hbm>>) dst(%arg9 : memref<4096xi32, #tpu.memory_space<vmem>>)
      tpu.yield
    }) : () -> ()
    "tpu.region"() ({
      %run_scoped3A = tpu.sem_alloc : memref<!tpu.dma_semaphore, #tpu.memory_space<semaphore_mem>>
      %dma_start3A_1031 = tpu.memref_slice %arg4[%mul3A_2] : memref<131072xi32, #tpu.memory_space<hbm>> -> memref<4096xi32, #tpu.memory_space<hbm>>
      %dma_start3A_1032 = tpu.memref_slice %arg4[%mul3A_2] : memref<131072xi32, #tpu.memory_space<hbm>> -> memref<4096xi32, #tpu.memory_space<hbm>>
      tpu.enqueue_dma source(%dma_start3A_1032 : memref<4096xi32, #tpu.memory_space<hbm>>) target(%arg10 : memref<4096xi32, #tpu.memory_space<vmem>>) target_semaphore(%run_scoped3A : memref<!tpu.dma_semaphore, #tpu.memory_space<semaphore_mem>>)
      %dma_wait3A_1033 = tpu.memref_slice %arg4[%mul3A_2] : memref<131072xi32, #tpu.memory_space<hbm>> -> memref<4096xi32, #tpu.memory_space<hbm>>
      %dma_wait3A_1034 = tpu.memref_slice %arg4[%mul3A_2] : memref<131072xi32, #tpu.memory_space<hbm>> -> memref<4096xi32, #tpu.memory_space<hbm>>
      tpu.wait_dma2 semaphore(%run_scoped3A : memref<!tpu.dma_semaphore, #tpu.memory_space<semaphore_mem>>) src(%dma_wait3A_1034 : memref<4096xi32, #tpu.memory_space<hbm>>) dst(%arg10 : memref<4096xi32, #tpu.memory_space<vmem>>)
      tpu.yield
    }) : () -> ()
    "tpu.region"() ({
      %run_scoped3A = tpu.sem_alloc : memref<!tpu.dma_semaphore, #tpu.memory_space<semaphore_mem>>
      %dma_start3A_1031 = tpu.memref_slice %arg2[%mul3A_2] : memref<131072xf32, #tpu.memory_space<hbm>> -> memref<4096xf32, #tpu.memory_space<hbm>>
      %dma_start3A_1032 = tpu.memref_slice %arg2[%mul3A_2] : memref<131072xf32, #tpu.memory_space<hbm>> -> memref<4096xf32, #tpu.memory_space<hbm>>
      tpu.enqueue_dma source(%dma_start3A_1032 : memref<4096xf32, #tpu.memory_space<hbm>>) target(%arg11 : memref<4096xf32, #tpu.memory_space<vmem>>) target_semaphore(%run_scoped3A : memref<!tpu.dma_semaphore, #tpu.memory_space<semaphore_mem>>)
      %dma_wait3A_1033 = tpu.memref_slice %arg2[%mul3A_2] : memref<131072xf32, #tpu.memory_space<hbm>> -> memref<4096xf32, #tpu.memory_space<hbm>>
      %dma_wait3A_1034 = tpu.memref_slice %arg2[%mul3A_2] : memref<131072xf32, #tpu.memory_space<hbm>> -> memref<4096xf32, #tpu.memory_space<hbm>>
      tpu.wait_dma2 semaphore(%run_scoped3A : memref<!tpu.dma_semaphore, #tpu.memory_space<semaphore_mem>>) src(%dma_wait3A_1034 : memref<4096xf32, #tpu.memory_space<hbm>>) dst(%arg11 : memref<4096xf32, #tpu.memory_space<vmem>>)
      tpu.yield
    }) : () -> ()
    %iota3A = tpu.iota {dimensions = array<i32: 0>} : vector<16xi32>
    %scan3A = arith.constant 0 : i32
    %scan3A_3 = arith.constant 0 : i32
    %scan3A_4 = arith.constant 32 : i32
    %scan3A_5 = arith.addi %scan3A_3, %scan3A_4 : i32
    %scan3A_6 = arith.constant 1 : i32
    %scan3A_7 = scf.for %scan3A_1031 = %scan3A_3 to %scan3A_5 step %scan3A_6 iter_args(%scan3A_1032 = %scan3A) -> (i32)  : i32 {
      %mul3A_1033 = arith.constant 8 : i32
      %mul3A_1034 = arith.muli %scan3A_1031, %mul3A_1033 : i32
      %add3A_1035 = arith.constant 0 : i32
      %add3A_1036 = arith.addi %mul3A_1034, %add3A_1035 : i32
      %mul3A_1037 = arith.constant 16 : i32
      %mul3A_1038 = arith.muli %add3A_1036, %mul3A_1037 : i32
      %get3A = arith.index_cast %mul3A_1038 : i32 to index
      %get3A_1039 = tpu.vector_load %arg9[%get3A] {strides = array<i32>} : memref<4096xi32, #tpu.memory_space<vmem>>, vector<16xi32>,
      %get3A_1040 = arith.index_cast %mul3A_1038 : i32 to index
      %get3A_1041 = tpu.vector_load %arg10[%get3A_1040] {strides = array<i32>} : memref<4096xi32, #tpu.memory_space<vmem>>, vector<16xi32>,
      %gather3A = tpu.vector_load_idx %arg8[%get3A_1039] : memref<64xi32, #tpu.memory_space<vmem>>[vector<16xi32>], vector<16xi32>,
      %add3A_1042 = arith.addi %gather3A, %get3A_1041 : vector<16xi32>
      %swap3A = arith.index_cast %scan3A_1031 : i32 to index
      %swap3A_1043 = arith.constant 0 : index
      %swap3A_1044 = tpu.vector_load %arg13[%swap3A, %swap3A_1043] {strides = array<i32>} : memref<32x128xi32, #tpu.memory_space<vmem>>, vector<16xi32>,
      tpu.vector_store %arg13[%swap3A, %swap3A_1043], %add3A_1042 {strides = array<i32>} : memref<32x128xi32, #tpu.memory_space<vmem>>, vector<16xi32>,
      %add3A_1045 = arith.addi %mul3A_2, %mul3A_1038 : i32
      %add3A_1046 = vector.broadcast %add3A_1045 : i32 to vector<16xi32>
      %add3A_1047 = arith.addi %add3A_1046, %iota3A : vector<16xi32>
      %jit3A = arith.constant 8 : i32
      %div3A = vector.broadcast %jit3A : i32 to vector<16xi32>
      %div3A_1048 = arith.divsi %add3A_1047, %div3A : vector<16xi32>
      %sign3A = arith.constant 0 : i32
      %sign3A_1049 = vector.broadcast %sign3A : i32 to vector<16xi32>
      %sign3A_1050 = arith.cmpi sgt, %add3A_1047, %sign3A_1049 : vector<16xi32>
      %sign3A_1051 = arith.extui %sign3A_1050 : vector<16xi1> to vector<16xi32>
      %sign3A_1052 = arith.constant 0 : i32
      %sign3A_1053 = vector.broadcast %sign3A_1052 : i32 to vector<16xi32>
      %sign3A_1054 = arith.cmpi slt, %add3A_1047, %sign3A_1053 : vector<16xi32>
      %sign3A_1055 = arith.extui %sign3A_1054 : vector<16xi1> to vector<16xi32>
      %sign3A_1056 = arith.subi %sign3A_1051, %sign3A_1055 : vector<16xi32>
      %sign3A_1057 = arith.constant 0 : i32
      %sign3A_1058 = arith.cmpi sgt, %jit3A, %sign3A_1057 : i32
      %sign3A_1059 = arith.extui %sign3A_1058 : i1 to i32
      %sign3A_1060 = arith.constant 0 : i32
      %sign3A_1061 = arith.cmpi slt, %jit3A, %sign3A_1060 : i32
      %sign3A_1062 = arith.extui %sign3A_1061 : i1 to i32
      %sign3A_1063 = arith.subi %sign3A_1059, %sign3A_1062 : i32
      %ne3A = vector.broadcast %sign3A_1063 : i32 to vector<16xi32>
      %ne3A_1064 = arith.cmpi ne, %sign3A_1056, %ne3A : vector<16xi32>
      %rem3A = vector.broadcast %jit3A : i32 to vector<16xi32>
      %rem3A_1065 = arith.remsi %add3A_1047, %rem3A : vector<16xi32>
      %ne3A_1066 = arith.constant 0 : i32
      %ne3A_1067 = vector.broadcast %ne3A_1066 : i32 to vector<16xi32>
      %ne3A_1068 = arith.cmpi ne, %rem3A_1065, %ne3A_1067 : vector<16xi32>
      %and3A = arith.andi %ne3A_1064, %ne3A_1068 : vector<16xi1>
      %sub3A = arith.constant 1 : i32
      %sub3A_1069 = vector.broadcast %sub3A : i32 to vector<16xi32>
      %sub3A_1070 = arith.subi %div3A_1048, %sub3A_1069 : vector<16xi32>
      %select_n3A = arith.select %and3A, %sub3A_1070, %div3A_1048 : vector<16xi1>, vector<16xi32>
      %swap3A_1071 = arith.index_cast %mul3A_1038 : i32 to index
      %swap3A_1072 = tpu.vector_load %arg12[%swap3A_1071] {strides = array<i32>} : memref<4096xi32, #tpu.memory_space<vmem>>, vector<16xi32>,
      tpu.vector_store %arg12[%swap3A_1071], %select_n3A {strides = array<i32>} : memref<4096xi32, #tpu.memory_space<vmem>>, vector<16xi32>,
      %mul3A_1073 = arith.constant 8 : i32
      %mul3A_1074 = arith.muli %scan3A_1031, %mul3A_1073 : i32
      %add3A_1075 = arith.constant 1 : i32
      %add3A_1076 = arith.addi %mul3A_1074, %add3A_1075 : i32
      %mul3A_1077 = arith.constant 16 : i32
      %mul3A_1078 = arith.muli %add3A_1076, %mul3A_1077 : i32
      %get3A_1079 = arith.index_cast %mul3A_1078 : i32 to index
      %get3A_1080 = tpu.vector_load %arg9[%get3A_1079] {strides = array<i32>} : memref<4096xi32, #tpu.memory_space<vmem>>, vector<16xi32>,
      %get3A_1081 = arith.index_cast %mul3A_1078 : i32 to index
      %get3A_1082 = tpu.vector_load %arg10[%get3A_1081] {strides = array<i32>} : memref<4096xi32, #tpu.memory_space<vmem>>, vector<16xi32>,
      %gather3A_1083 = tpu.vector_load_idx %arg8[%get3A_1080] : memref<64xi32, #tpu.memory_space<vmem>>[vector<16xi32>], vector<16xi32>,
      %add3A_1084 = arith.addi %gather3A_1083, %get3A_1082 : vector<16xi32>
      %swap3A_1085 = arith.index_cast %scan3A_1031 : i32 to index
      %swap3A_1086 = arith.constant 16 : index
      %swap3A_1087 = tpu.vector_load %arg13[%swap3A_1085, %swap3A_1086] {strides = array<i32>} : memref<32x128xi32, #tpu.memory_space<vmem>>, vector<16xi32>,
      tpu.vector_store %arg13[%swap3A_1085, %swap3A_1086], %add3A_1084 {strides = array<i32>} : memref<32x128xi32, #tpu.memory_space<vmem>>, vector<16xi32>,
      %add3A_1088 = arith.addi %mul3A_2, %mul3A_1078 : i32
      %add3A_1089 = vector.broadcast %add3A_1088 : i32 to vector<16xi32>
      %add3A_1090 = arith.addi %add3A_1089, %iota3A : vector<16xi32>
      %jit3A_1091 = arith.constant 8 : i32
      %div3A_1092 = vector.broadcast %jit3A_1091 : i32 to vector<16xi32>
      %div3A_1093 = arith.divsi %add3A_1090, %div3A_1092 : vector<16xi32>
      %sign3A_1094 = arith.constant 0 : i32
      %sign3A_1095 = vector.broadcast %sign3A_1094 : i32 to vector<16xi32>
      %sign3A_1096 = arith.cmpi sgt, %add3A_1090, %sign3A_1095 : vector<16xi32>
      %sign3A_1097 = arith.extui %sign3A_1096 : vector<16xi1> to vector<16xi32>
      %sign3A_1098 = arith.constant 0 : i32
      %sign3A_1099 = vector.broadcast %sign3A_1098 : i32 to vector<16xi32>
      %sign3A_1100 = arith.cmpi slt, %add3A_1090, %sign3A_1099 : vector<16xi32>
      %sign3A_1101 = arith.extui %sign3A_1100 : vector<16xi1> to vector<16xi32>
      %sign3A_1102 = arith.subi %sign3A_1097, %sign3A_1101 : vector<16xi32>
      %sign3A_1103 = arith.constant 0 : i32
      %sign3A_1104 = arith.cmpi sgt, %jit3A_1091, %sign3A_1103 : i32
      %sign3A_1105 = arith.extui %sign3A_1104 : i1 to i32
      %sign3A_1106 = arith.constant 0 : i32
      %sign3A_1107 = arith.cmpi slt, %jit3A_1091, %sign3A_1106 : i32
      %sign3A_1108 = arith.extui %sign3A_1107 : i1 to i32
      %sign3A_1109 = arith.subi %sign3A_1105, %sign3A_1108 : i32
      %ne3A_1110 = vector.broadcast %sign3A_1109 : i32 to vector<16xi32>
      %ne3A_1111 = arith.cmpi ne, %sign3A_1102, %ne3A_1110 : vector<16xi32>
      %rem3A_1112 = vector.broadcast %jit3A_1091 : i32 to vector<16xi32>
      %rem3A_1113 = arith.remsi %add3A_1090, %rem3A_1112 : vector<16xi32>
      %ne3A_1114 = arith.constant 0 : i32
      %ne3A_1115 = vector.broadcast %ne3A_1114 : i32 to vector<16xi32>
      %ne3A_1116 = arith.cmpi ne, %rem3A_1113, %ne3A_1115 : vector<16xi32>
      %and3A_1117 = arith.andi %ne3A_1111, %ne3A_1116 : vector<16xi1>
      %sub3A_1118 = arith.constant 1 : i32
      %sub3A_1119 = vector.broadcast %sub3A_1118 : i32 to vector<16xi32>
      %sub3A_1120 = arith.subi %div3A_1093, %sub3A_1119 : vector<16xi32>
      %select_n3A_1121 = arith.select %and3A_1117, %sub3A_1120, %div3A_1093 : vector<16xi1>, vector<16xi32>
      %swap3A_1122 = arith.index_cast %mul3A_1078 : i32 to index
      %swap3A_1123 = tpu.vector_load %arg12[%swap3A_1122] {strides = array<i32>} : memref<4096xi32, #tpu.memory_space<vmem>>, vector<16xi32>,
      tpu.vector_store %arg12[%swap3A_1122], %select_n3A_1121 {strides = array<i32>} : memref<4096xi32, #tpu.memory_space<vmem>>, vector<16xi32>,
      %mul3A_1124 = arith.constant 8 : i32
      %mul3A_1125 = arith.muli %scan3A_1031, %mul3A_1124 : i32
      %add3A_1126 = arith.constant 2 : i32
      %add3A_1127 = arith.addi %mul3A_1125, %add3A_1126 : i32
      %mul3A_1128 = arith.constant 16 : i32
      %mul3A_1129 = arith.muli %add3A_1127, %mul3A_1128 : i32
      %get3A_1130 = arith.index_cast %mul3A_1129 : i32 to index
      %get3A_1131 = tpu.vector_load %arg9[%get3A_1130] {strides = array<i32>} : memref<4096xi32, #tpu.memory_space<vmem>>, vector<16xi32>,
      %get3A_1132 = arith.index_cast %mul3A_1129 : i32 to index
      %get3A_1133 = tpu.vector_load %arg10[%get3A_1132] {strides = array<i32>} : memref<4096xi32, #tpu.memory_space<vmem>>, vector<16xi32>,
      %gather3A_1134 = tpu.vector_load_idx %arg8[%get3A_1131] : memref<64xi32, #tpu.memory_space<vmem>>[vector<16xi32>], vector<16xi32>,
      %add3A_1135 = arith.addi %gather3A_1134, %get3A_1133 : vector<16xi32>
      %swap3A_1136 = arith.index_cast %scan3A_1031 : i32 to index
      %swap3A_1137 = arith.constant 32 : index
      %swap3A_1138 = tpu.vector_load %arg13[%swap3A_1136, %swap3A_1137] {strides = array<i32>} : memref<32x128xi32, #tpu.memory_space<vmem>>, vector<16xi32>,
      tpu.vector_store %arg13[%swap3A_1136, %swap3A_1137], %add3A_1135 {strides = array<i32>} : memref<32x128xi32, #tpu.memory_space<vmem>>, vector<16xi32>,
      %add3A_1139 = arith.addi %mul3A_2, %mul3A_1129 : i32
      %add3A_1140 = vector.broadcast %add3A_1139 : i32 to vector<16xi32>
      %add3A_1141 = arith.addi %add3A_1140, %iota3A : vector<16xi32>
      %jit3A_1142 = arith.constant 8 : i32
      %div3A_1143 = vector.broadcast %jit3A_1142 : i32 to vector<16xi32>
      %div3A_1144 = arith.divsi %add3A_1141, %div3A_1143 : vector<16xi32>
      %sign3A_1145 = arith.constant 0 : i32
      %sign3A_1146 = vector.broadcast %sign3A_1145 : i32 to vector<16xi32>
      %sign3A_1147 = arith.cmpi sgt, %add3A_1141, %sign3A_1146 : vector<16xi32>
      %sign3A_1148 = arith.extui %sign3A_1147 : vector<16xi1> to vector<16xi32>
      %sign3A_1149 = arith.constant 0 : i32
      %sign3A_1150 = vector.broadcast %sign3A_1149 : i32 to vector<16xi32>
      %sign3A_1151 = arith.cmpi slt, %add3A_1141, %sign3A_1150 : vector<16xi32>
      %sign3A_1152 = arith.extui %sign3A_1151 : vector<16xi1> to vector<16xi32>
      %sign3A_1153 = arith.subi %sign3A_1148, %sign3A_1152 : vector<16xi32>
      %sign3A_1154 = arith.constant 0 : i32
      %sign3A_1155 = arith.cmpi sgt, %jit3A_1142, %sign3A_1154 : i32
      %sign3A_1156 = arith.extui %sign3A_1155 : i1 to i32
      %sign3A_1157 = arith.constant 0 : i32
      %sign3A_1158 = arith.cmpi slt, %jit3A_1142, %sign3A_1157 : i32
      %sign3A_1159 = arith.extui %sign3A_1158 : i1 to i32
      %sign3A_1160 = arith.subi %sign3A_1156, %sign3A_1159 : i32
      %ne3A_1161 = vector.broadcast %sign3A_1160 : i32 to vector<16xi32>
      %ne3A_1162 = arith.cmpi ne, %sign3A_1153, %ne3A_1161 : vector<16xi32>
      %rem3A_1163 = vector.broadcast %jit3A_1142 : i32 to vector<16xi32>
      %rem3A_1164 = arith.remsi %add3A_1141, %rem3A_1163 : vector<16xi32>
      %ne3A_1165 = arith.constant 0 : i32
      %ne3A_1166 = vector.broadcast %ne3A_1165 : i32 to vector<16xi32>
      %ne3A_1167 = arith.cmpi ne, %rem3A_1164, %ne3A_1166 : vector<16xi32>
      %and3A_1168 = arith.andi %ne3A_1162, %ne3A_1167 : vector<16xi1>
      %sub3A_1169 = arith.constant 1 : i32
      %sub3A_1170 = vector.broadcast %sub3A_1169 : i32 to vector<16xi32>
      %sub3A_1171 = arith.subi %div3A_1144, %sub3A_1170 : vector<16xi32>
      %select_n3A_1172 = arith.select %and3A_1168, %sub3A_1171, %div3A_1144 : vector<16xi1>, vector<16xi32>
      %swap3A_1173 = arith.index_cast %mul3A_1129 : i32 to index
      %swap3A_1174 = tpu.vector_load %arg12[%swap3A_1173] {strides = array<i32>} : memref<4096xi32, #tpu.memory_space<vmem>>, vector<16xi32>,
      tpu.vector_store %arg12[%swap3A_1173], %select_n3A_1172 {strides = array<i32>} : memref<4096xi32, #tpu.memory_space<vmem>>, vector<16xi32>,
      %mul3A_1175 = arith.constant 8 : i32
      %mul3A_1176 = arith.muli %scan3A_1031, %mul3A_1175 : i32
      %add3A_1177 = arith.constant 3 : i32
      %add3A_1178 = arith.addi %mul3A_1176, %add3A_1177 : i32
      %mul3A_1179 = arith.constant 16 : i32
      %mul3A_1180 = arith.muli %add3A_1178, %mul3A_1179 : i32
      %get3A_1181 = arith.index_cast %mul3A_1180 : i32 to index
      %get3A_1182 = tpu.vector_load %arg9[%get3A_1181] {strides = array<i32>} : memref<4096xi32, #tpu.memory_space<vmem>>, vector<16xi32>,
      %get3A_1183 = arith.index_cast %mul3A_1180 : i32 to index
      %get3A_1184 = tpu.vector_load %arg10[%get3A_1183] {strides = array<i32>} : memref<4096xi32, #tpu.memory_space<vmem>>, vector<16xi32>,
      %gather3A_1185 = tpu.vector_load_idx %arg8[%get3A_1182] : memref<64xi32, #tpu.memory_space<vmem>>[vector<16xi32>], vector<16xi32>,
      %add3A_1186 = arith.addi %gather3A_1185, %get3A_1184 : vector<16xi32>
      %swap3A_1187 = arith.index_cast %scan3A_1031 : i32 to index
      %swap3A_1188 = arith.constant 48 : index
      %swap3A_1189 = tpu.vector_load %arg13[%swap3A_1187, %swap3A_1188] {strides = array<i32>} : memref<32x128xi32, #tpu.memory_space<vmem>>, vector<16xi32>,
      tpu.vector_store %arg13[%swap3A_1187, %swap3A_1188], %add3A_1186 {strides = array<i32>} : memref<32x128xi32, #tpu.memory_space<vmem>>, vector<16xi32>,
      %add3A_1190 = arith.addi %mul3A_2, %mul3A_1180 : i32
      %add3A_1191 = vector.broadcast %add3A_1190 : i32 to vector<16xi32>
      %add3A_1192 = arith.addi %add3A_1191, %iota3A : vector<16xi32>
      %jit3A_1193 = arith.constant 8 : i32
      %div3A_1194 = vector.broadcast %jit3A_1193 : i32 to vector<16xi32>
      %div3A_1195 = arith.divsi %add3A_1192, %div3A_1194 : vector<16xi32>
      %sign3A_1196 = arith.constant 0 : i32
      %sign3A_1197 = vector.broadcast %sign3A_1196 : i32 to vector<16xi32>
      %sign3A_1198 = arith.cmpi sgt, %add3A_1192, %sign3A_1197 : vector<16xi32>
      %sign3A_1199 = arith.extui %sign3A_1198 : vector<16xi1> to vector<16xi32>
      %sign3A_1200 = arith.constant 0 : i32
      %sign3A_1201 = vector.broadcast %sign3A_1200 : i32 to vector<16xi32>
      %sign3A_1202 = arith.cmpi slt, %add3A_1192, %sign3A_1201 : vector<16xi32>
      %sign3A_1203 = arith.extui %sign3A_1202 : vector<16xi1> to vector<16xi32>
      %sign3A_1204 = arith.subi %sign3A_1199, %sign3A_1203 : vector<16xi32>
      %sign3A_1205 = arith.constant 0 : i32
      %sign3A_1206 = arith.cmpi sgt, %jit3A_1193, %sign3A_1205 : i32
      %sign3A_1207 = arith.extui %sign3A_1206 : i1 to i32
      %sign3A_1208 = arith.constant 0 : i32
      %sign3A_1209 = arith.cmpi slt, %jit3A_1193, %sign3A_1208 : i32
      %sign3A_1210 = arith.extui %sign3A_1209 : i1 to i32
      %sign3A_1211 = arith.subi %sign3A_1207, %sign3A_1210 : i32
      %ne3A_1212 = vector.broadcast %sign3A_1211 : i32 to vector<16xi32>
      %ne3A_1213 = arith.cmpi ne, %sign3A_1204, %ne3A_1212 : vector<16xi32>
      %rem3A_1214 = vector.broadcast %jit3A_1193 : i32 to vector<16xi32>
      %rem3A_1215 = arith.remsi %add3A_1192, %rem3A_1214 : vector<16xi32>
      %ne3A_1216 = arith.constant 0 : i32
      %ne3A_1217 = vector.broadcast %ne3A_1216 : i32 to vector<16xi32>
      %ne3A_1218 = arith.cmpi ne, %rem3A_1215, %ne3A_1217 : vector<16xi32>
      %and3A_1219 = arith.andi %ne3A_1213, %ne3A_1218 : vector<16xi1>
      %sub3A_1220 = arith.constant 1 : i32
      %sub3A_1221 = vector.broadcast %sub3A_1220 : i32 to vector<16xi32>
      %sub3A_1222 = arith.subi %div3A_1195, %sub3A_1221 : vector<16xi32>
      %select_n3A_1223 = arith.select %and3A_1219, %sub3A_1222, %div3A_1195 : vector<16xi1>, vector<16xi32>
      %swap3A_1224 = arith.index_cast %mul3A_1180 : i32 to index
      %swap3A_1225 = tpu.vector_load %arg12[%swap3A_1224] {strides = array<i32>} : memref<4096xi32, #tpu.memory_space<vmem>>, vector<16xi32>,
      tpu.vector_store %arg12[%swap3A_1224], %select_n3A_1223 {strides = array<i32>} : memref<4096xi32, #tpu.memory_space<vmem>>, vector<16xi32>,
      %mul3A_1226 = arith.constant 8 : i32
      %mul3A_1227 = arith.muli %scan3A_1031, %mul3A_1226 : i32
      %add3A_1228 = arith.constant 4 : i32
      %add3A_1229 = arith.addi %mul3A_1227, %add3A_1228 : i32
      %mul3A_1230 = arith.constant 16 : i32
      %mul3A_1231 = arith.muli %add3A_1229, %mul3A_1230 : i32
      %get3A_1232 = arith.index_cast %mul3A_1231 : i32 to index
      %get3A_1233 = tpu.vector_load %arg9[%get3A_1232] {strides = array<i32>} : memref<4096xi32, #tpu.memory_space<vmem>>, vector<16xi32>,
      %get3A_1234 = arith.index_cast %mul3A_1231 : i32 to index
      %get3A_1235 = tpu.vector_load %arg10[%get3A_1234] {strides = array<i32>} : memref<4096xi32, #tpu.memory_space<vmem>>, vector<16xi32>,
      %gather3A_1236 = tpu.vector_load_idx %arg8[%get3A_1233] : memref<64xi32, #tpu.memory_space<vmem>>[vector<16xi32>], vector<16xi32>,
      %add3A_1237 = arith.addi %gather3A_1236, %get3A_1235 : vector<16xi32>
      %swap3A_1238 = arith.index_cast %scan3A_1031 : i32 to index
      %swap3A_1239 = arith.constant 64 : index
      %swap3A_1240 = tpu.vector_load %arg13[%swap3A_1238, %swap3A_1239] {strides = array<i32>} : memref<32x128xi32, #tpu.memory_space<vmem>>, vector<16xi32>,
      tpu.vector_store %arg13[%swap3A_1238, %swap3A_1239], %add3A_1237 {strides = array<i32>} : memref<32x128xi32, #tpu.memory_space<vmem>>, vector<16xi32>,
      %add3A_1241 = arith.addi %mul3A_2, %mul3A_1231 : i32
      %add3A_1242 = vector.broadcast %add3A_1241 : i32 to vector<16xi32>
      %add3A_1243 = arith.addi %add3A_1242, %iota3A : vector<16xi32>
      %jit3A_1244 = arith.constant 8 : i32
      %div3A_1245 = vector.broadcast %jit3A_1244 : i32 to vector<16xi32>
      %div3A_1246 = arith.divsi %add3A_1243, %div3A_1245 : vector<16xi32>
      %sign3A_1247 = arith.constant 0 : i32
      %sign3A_1248 = vector.broadcast %sign3A_1247 : i32 to vector<16xi32>
      %sign3A_1249 = arith.cmpi sgt, %add3A_1243, %sign3A_1248 : vector<16xi32>
      %sign3A_1250 = arith.extui %sign3A_1249 : vector<16xi1> to vector<16xi32>
      %sign3A_1251 = arith.constant 0 : i32
      %sign3A_1252 = vector.broadcast %sign3A_1251 : i32 to vector<16xi32>
      %sign3A_1253 = arith.cmpi slt, %add3A_1243, %sign3A_1252 : vector<16xi32>
      %sign3A_1254 = arith.extui %sign3A_1253 : vector<16xi1> to vector<16xi32>
      %sign3A_1255 = arith.subi %sign3A_1250, %sign3A_1254 : vector<16xi32>
      %sign3A_1256 = arith.constant 0 : i32
      %sign3A_1257 = arith.cmpi sgt, %jit3A_1244, %sign3A_1256 : i32
      %sign3A_1258 = arith.extui %sign3A_1257 : i1 to i32
      %sign3A_1259 = arith.constant 0 : i32
      %sign3A_1260 = arith.cmpi slt, %jit3A_1244, %sign3A_1259 : i32
      %sign3A_1261 = arith.extui %sign3A_1260 : i1 to i32
      %sign3A_1262 = arith.subi %sign3A_1258, %sign3A_1261 : i32
      %ne3A_1263 = vector.broadcast %sign3A_1262 : i32 to vector<16xi32>
      %ne3A_1264 = arith.cmpi ne, %sign3A_1255, %ne3A_1263 : vector<16xi32>
      %rem3A_1265 = vector.broadcast %jit3A_1244 : i32 to vector<16xi32>
      %rem3A_1266 = arith.remsi %add3A_1243, %rem3A_1265 : vector<16xi32>
      %ne3A_1267 = arith.constant 0 : i32
      %ne3A_1268 = vector.broadcast %ne3A_1267 : i32 to vector<16xi32>
      %ne3A_1269 = arith.cmpi ne, %rem3A_1266, %ne3A_1268 : vector<16xi32>
      %and3A_1270 = arith.andi %ne3A_1264, %ne3A_1269 : vector<16xi1>
      %sub3A_1271 = arith.constant 1 : i32
      %sub3A_1272 = vector.broadcast %sub3A_1271 : i32 to vector<16xi32>
      %sub3A_1273 = arith.subi %div3A_1246, %sub3A_1272 : vector<16xi32>
      %select_n3A_1274 = arith.select %and3A_1270, %sub3A_1273, %div3A_1246 : vector<16xi1>, vector<16xi32>
      %swap3A_1275 = arith.index_cast %mul3A_1231 : i32 to index
      %swap3A_1276 = tpu.vector_load %arg12[%swap3A_1275] {strides = array<i32>} : memref<4096xi32, #tpu.memory_space<vmem>>, vector<16xi32>,
      tpu.vector_store %arg12[%swap3A_1275], %select_n3A_1274 {strides = array<i32>} : memref<4096xi32, #tpu.memory_space<vmem>>, vector<16xi32>,
      %mul3A_1277 = arith.constant 8 : i32
      %mul3A_1278 = arith.muli %scan3A_1031, %mul3A_1277 : i32
      %add3A_1279 = arith.constant 5 : i32
      %add3A_1280 = arith.addi %mul3A_1278, %add3A_1279 : i32
      %mul3A_1281 = arith.constant 16 : i32
      %mul3A_1282 = arith.muli %add3A_1280, %mul3A_1281 : i32
      %get3A_1283 = arith.index_cast %mul3A_1282 : i32 to index
      %get3A_1284 = tpu.vector_load %arg9[%get3A_1283] {strides = array<i32>} : memref<4096xi32, #tpu.memory_space<vmem>>, vector<16xi32>,
      %get3A_1285 = arith.index_cast %mul3A_1282 : i32 to index
      %get3A_1286 = tpu.vector_load %arg10[%get3A_1285] {strides = array<i32>} : memref<4096xi32, #tpu.memory_space<vmem>>, vector<16xi32>,
      %gather3A_1287 = tpu.vector_load_idx %arg8[%get3A_1284] : memref<64xi32, #tpu.memory_space<vmem>>[vector<16xi32>], vector<16xi32>,
      %add3A_1288 = arith.addi %gather3A_1287, %get3A_1286 : vector<16xi32>
      %swap3A_1289 = arith.index_cast %scan3A_1031 : i32 to index
      %swap3A_1290 = arith.constant 80 : index
      %swap3A_1291 = tpu.vector_load %arg13[%swap3A_1289, %swap3A_1290] {strides = array<i32>} : memref<32x128xi32, #tpu.memory_space<vmem>>, vector<16xi32>,
      tpu.vector_store %arg13[%swap3A_1289, %swap3A_1290], %add3A_1288 {strides = array<i32>} : memref<32x128xi32, #tpu.memory_space<vmem>>, vector<16xi32>,
      %add3A_1292 = arith.addi %mul3A_2, %mul3A_1282 : i32
      %add3A_1293 = vector.broadcast %add3A_1292 : i32 to vector<16xi32>
      %add3A_1294 = arith.addi %add3A_1293, %iota3A : vector<16xi32>
      %jit3A_1295 = arith.constant 8 : i32
      %div3A_1296 = vector.broadcast %jit3A_1295 : i32 to vector<16xi32>
      %div3A_1297 = arith.divsi %add3A_1294, %div3A_1296 : vector<16xi32>
      %sign3A_1298 = arith.constant 0 : i32
      %sign3A_1299 = vector.broadcast %sign3A_1298 : i32 to vector<16xi32>
      %sign3A_1300 = arith.cmpi sgt, %add3A_1294, %sign3A_1299 : vector<16xi32>
      %sign3A_1301 = arith.extui %sign3A_1300 : vector<16xi1> to vector<16xi32>
      %sign3A_1302 = arith.constant 0 : i32
      %sign3A_1303 = vector.broadcast %sign3A_1302 : i32 to vector<16xi32>
      %sign3A_1304 = arith.cmpi slt, %add3A_1294, %sign3A_1303 : vector<16xi32>
      %sign3A_1305 = arith.extui %sign3A_1304 : vector<16xi1> to vector<16xi32>
      %sign3A_1306 = arith.subi %sign3A_1301, %sign3A_1305 : vector<16xi32>
      %sign3A_1307 = arith.constant 0 : i32
      %sign3A_1308 = arith.cmpi sgt, %jit3A_1295, %sign3A_1307 : i32
      %sign3A_1309 = arith.extui %sign3A_1308 : i1 to i32
      %sign3A_1310 = arith.constant 0 : i32
      %sign3A_1311 = arith.cmpi slt, %jit3A_1295, %sign3A_1310 : i32
      %sign3A_1312 = arith.extui %sign3A_1311 : i1 to i32
      %sign3A_1313 = arith.subi %sign3A_1309, %sign3A_1312 : i32
      %ne3A_1314 = vector.broadcast %sign3A_1313 : i32 to vector<16xi32>
      %ne3A_1315 = arith.cmpi ne, %sign3A_1306, %ne3A_1314 : vector<16xi32>
      %rem3A_1316 = vector.broadcast %jit3A_1295 : i32 to vector<16xi32>
      %rem3A_1317 = arith.remsi %add3A_1294, %rem3A_1316 : vector<16xi32>
      %ne3A_1318 = arith.constant 0 : i32
      %ne3A_1319 = vector.broadcast %ne3A_1318 : i32 to vector<16xi32>
      %ne3A_1320 = arith.cmpi ne, %rem3A_1317, %ne3A_1319 : vector<16xi32>
      %and3A_1321 = arith.andi %ne3A_1315, %ne3A_1320 : vector<16xi1>
      %sub3A_1322 = arith.constant 1 : i32
      %sub3A_1323 = vector.broadcast %sub3A_1322 : i32 to vector<16xi32>
      %sub3A_1324 = arith.subi %div3A_1297, %sub3A_1323 : vector<16xi32>
      %select_n3A_1325 = arith.select %and3A_1321, %sub3A_1324, %div3A_1297 : vector<16xi1>, vector<16xi32>
      %swap3A_1326 = arith.index_cast %mul3A_1282 : i32 to index
      %swap3A_1327 = tpu.vector_load %arg12[%swap3A_1326] {strides = array<i32>} : memref<4096xi32, #tpu.memory_space<vmem>>, vector<16xi32>,
      tpu.vector_store %arg12[%swap3A_1326], %select_n3A_1325 {strides = array<i32>} : memref<4096xi32, #tpu.memory_space<vmem>>, vector<16xi32>,
      %mul3A_1328 = arith.constant 8 : i32
      %mul3A_1329 = arith.muli %scan3A_1031, %mul3A_1328 : i32
      %add3A_1330 = arith.constant 6 : i32
      %add3A_1331 = arith.addi %mul3A_1329, %add3A_1330 : i32
      %mul3A_1332 = arith.constant 16 : i32
      %mul3A_1333 = arith.muli %add3A_1331, %mul3A_1332 : i32
      %get3A_1334 = arith.index_cast %mul3A_1333 : i32 to index
      %get3A_1335 = tpu.vector_load %arg9[%get3A_1334] {strides = array<i32>} : memref<4096xi32, #tpu.memory_space<vmem>>, vector<16xi32>,
      %get3A_1336 = arith.index_cast %mul3A_1333 : i32 to index
      %get3A_1337 = tpu.vector_load %arg10[%get3A_1336] {strides = array<i32>} : memref<4096xi32, #tpu.memory_space<vmem>>, vector<16xi32>,
      %gather3A_1338 = tpu.vector_load_idx %arg8[%get3A_1335] : memref<64xi32, #tpu.memory_space<vmem>>[vector<16xi32>], vector<16xi32>,
      %add3A_1339 = arith.addi %gather3A_1338, %get3A_1337 : vector<16xi32>
      %swap3A_1340 = arith.index_cast %scan3A_1031 : i32 to index
      %swap3A_1341 = arith.constant 96 : index
      %swap3A_1342 = tpu.vector_load %arg13[%swap3A_1340, %swap3A_1341] {strides = array<i32>} : memref<32x128xi32, #tpu.memory_space<vmem>>, vector<16xi32>,
      tpu.vector_store %arg13[%swap3A_1340, %swap3A_1341], %add3A_1339 {strides = array<i32>} : memref<32x128xi32, #tpu.memory_space<vmem>>, vector<16xi32>,
      %add3A_1343 = arith.addi %mul3A_2, %mul3A_1333 : i32
      %add3A_1344 = vector.broadcast %add3A_1343 : i32 to vector<16xi32>
      %add3A_1345 = arith.addi %add3A_1344, %iota3A : vector<16xi32>
      %jit3A_1346 = arith.constant 8 : i32
      %div3A_1347 = vector.broadcast %jit3A_1346 : i32 to vector<16xi32>
      %div3A_1348 = arith.divsi %add3A_1345, %div3A_1347 : vector<16xi32>
      %sign3A_1349 = arith.constant 0 : i32
      %sign3A_1350 = vector.broadcast %sign3A_1349 : i32 to vector<16xi32>
      %sign3A_1351 = arith.cmpi sgt, %add3A_1345, %sign3A_1350 : vector<16xi32>
      %sign3A_1352 = arith.extui %sign3A_1351 : vector<16xi1> to vector<16xi32>
      %sign3A_1353 = arith.constant 0 : i32
      %sign3A_1354 = vector.broadcast %sign3A_1353 : i32 to vector<16xi32>
      %sign3A_1355 = arith.cmpi slt, %add3A_1345, %sign3A_1354 : vector<16xi32>
      %sign3A_1356 = arith.extui %sign3A_1355 : vector<16xi1> to vector<16xi32>
      %sign3A_1357 = arith.subi %sign3A_1352, %sign3A_1356 : vector<16xi32>
      %sign3A_1358 = arith.constant 0 : i32
      %sign3A_1359 = arith.cmpi sgt, %jit3A_1346, %sign3A_1358 : i32
      %sign3A_1360 = arith.extui %sign3A_1359 : i1 to i32
      %sign3A_1361 = arith.constant 0 : i32
      %sign3A_1362 = arith.cmpi slt, %jit3A_1346, %sign3A_1361 : i32
      %sign3A_1363 = arith.extui %sign3A_1362 : i1 to i32
      %sign3A_1364 = arith.subi %sign3A_1360, %sign3A_1363 : i32
      %ne3A_1365 = vector.broadcast %sign3A_1364 : i32 to vector<16xi32>
      %ne3A_1366 = arith.cmpi ne, %sign3A_1357, %ne3A_1365 : vector<16xi32>
      %rem3A_1367 = vector.broadcast %jit3A_1346 : i32 to vector<16xi32>
      %rem3A_1368 = arith.remsi %add3A_1345, %rem3A_1367 : vector<16xi32>
      %ne3A_1369 = arith.constant 0 : i32
      %ne3A_1370 = vector.broadcast %ne3A_1369 : i32 to vector<16xi32>
      %ne3A_1371 = arith.cmpi ne, %rem3A_1368, %ne3A_1370 : vector<16xi32>
      %and3A_1372 = arith.andi %ne3A_1366, %ne3A_1371 : vector<16xi1>
      %sub3A_1373 = arith.constant 1 : i32
      %sub3A_1374 = vector.broadcast %sub3A_1373 : i32 to vector<16xi32>
      %sub3A_1375 = arith.subi %div3A_1348, %sub3A_1374 : vector<16xi32>
      %select_n3A_1376 = arith.select %and3A_1372, %sub3A_1375, %div3A_1348 : vector<16xi1>, vector<16xi32>
      %swap3A_1377 = arith.index_cast %mul3A_1333 : i32 to index
      %swap3A_1378 = tpu.vector_load %arg12[%swap3A_1377] {strides = array<i32>} : memref<4096xi32, #tpu.memory_space<vmem>>, vector<16xi32>,
      tpu.vector_store %arg12[%swap3A_1377], %select_n3A_1376 {strides = array<i32>} : memref<4096xi32, #tpu.memory_space<vmem>>, vector<16xi32>,
      %mul3A_1379 = arith.constant 8 : i32
      %mul3A_1380 = arith.muli %scan3A_1031, %mul3A_1379 : i32
      %add3A_1381 = arith.constant 7 : i32
      %add3A_1382 = arith.addi %mul3A_1380, %add3A_1381 : i32
      %mul3A_1383 = arith.constant 16 : i32
      %mul3A_1384 = arith.muli %add3A_1382, %mul3A_1383 : i32
      %get3A_1385 = arith.index_cast %mul3A_1384 : i32 to index
      %get3A_1386 = tpu.vector_load %arg9[%get3A_1385] {strides = array<i32>} : memref<4096xi32, #tpu.memory_space<vmem>>, vector<16xi32>,
      %get3A_1387 = arith.index_cast %mul3A_1384 : i32 to index
      %get3A_1388 = tpu.vector_load %arg10[%get3A_1387] {strides = array<i32>} : memref<4096xi32, #tpu.memory_space<vmem>>, vector<16xi32>,
      %gather3A_1389 = tpu.vector_load_idx %arg8[%get3A_1386] : memref<64xi32, #tpu.memory_space<vmem>>[vector<16xi32>], vector<16xi32>,
      %add3A_1390 = arith.addi %gather3A_1389, %get3A_1388 : vector<16xi32>
      %swap3A_1391 = arith.index_cast %scan3A_1031 : i32 to index
      %swap3A_1392 = arith.constant 112 : index
      %swap3A_1393 = tpu.vector_load %arg13[%swap3A_1391, %swap3A_1392] {strides = array<i32>} : memref<32x128xi32, #tpu.memory_space<vmem>>, vector<16xi32>,
      tpu.vector_store %arg13[%swap3A_1391, %swap3A_1392], %add3A_1390 {strides = array<i32>} : memref<32x128xi32, #tpu.memory_space<vmem>>, vector<16xi32>,
      %add3A_1394 = arith.addi %mul3A_2, %mul3A_1384 : i32
      %add3A_1395 = vector.broadcast %add3A_1394 : i32 to vector<16xi32>
      %add3A_1396 = arith.addi %add3A_1395, %iota3A : vector<16xi32>
      %jit3A_1397 = arith.constant 8 : i32
      %div3A_1398 = vector.broadcast %jit3A_1397 : i32 to vector<16xi32>
      %div3A_1399 = arith.divsi %add3A_1396, %div3A_1398 : vector<16xi32>
      %sign3A_1400 = arith.constant 0 : i32
      %sign3A_1401 = vector.broadcast %sign3A_1400 : i32 to vector<16xi32>
      %sign3A_1402 = arith.cmpi sgt, %add3A_1396, %sign3A_1401 : vector<16xi32>
      %sign3A_1403 = arith.extui %sign3A_1402 : vector<16xi1> to vector<16xi32>
      %sign3A_1404 = arith.constant 0 : i32
      %sign3A_1405 = vector.broadcast %sign3A_1404 : i32 to vector<16xi32>
      %sign3A_1406 = arith.cmpi slt, %add3A_1396, %sign3A_1405 : vector<16xi32>
      %sign3A_1407 = arith.extui %sign3A_1406 : vector<16xi1> to vector<16xi32>
      %sign3A_1408 = arith.subi %sign3A_1403, %sign3A_1407 : vector<16xi32>
      %sign3A_1409 = arith.constant 0 : i32
      %sign3A_1410 = arith.cmpi sgt, %jit3A_1397, %sign3A_1409 : i32
      %sign3A_1411 = arith.extui %sign3A_1410 : i1 to i32
      %sign3A_1412 = arith.constant 0 : i32
      %sign3A_1413 = arith.cmpi slt, %jit3A_1397, %sign3A_1412 : i32
      %sign3A_1414 = arith.extui %sign3A_1413 : i1 to i32
      %sign3A_1415 = arith.subi %sign3A_1411, %sign3A_1414 : i32
      %ne3A_1416 = vector.broadcast %sign3A_1415 : i32 to vector<16xi32>
      %ne3A_1417 = arith.cmpi ne, %sign3A_1408, %ne3A_1416 : vector<16xi32>
      %rem3A_1418 = vector.broadcast %jit3A_1397 : i32 to vector<16xi32>
      %rem3A_1419 = arith.remsi %add3A_1396, %rem3A_1418 : vector<16xi32>
      %ne3A_1420 = arith.constant 0 : i32
      %ne3A_1421 = vector.broadcast %ne3A_1420 : i32 to vector<16xi32>
      %ne3A_1422 = arith.cmpi ne, %rem3A_1419, %ne3A_1421 : vector<16xi32>
      %and3A_1423 = arith.andi %ne3A_1417, %ne3A_1422 : vector<16xi1>
      %sub3A_1424 = arith.constant 1 : i32
      %sub3A_1425 = vector.broadcast %sub3A_1424 : i32 to vector<16xi32>
      %sub3A_1426 = arith.subi %div3A_1399, %sub3A_1425 : vector<16xi32>
      %select_n3A_1427 = arith.select %and3A_1423, %sub3A_1426, %div3A_1399 : vector<16xi1>, vector<16xi32>
      %swap3A_1428 = arith.index_cast %mul3A_1384 : i32 to index
      %swap3A_1429 = tpu.vector_load %arg12[%swap3A_1428] {strides = array<i32>} : memref<4096xi32, #tpu.memory_space<vmem>>, vector<16xi32>,
      tpu.vector_store %arg12[%swap3A_1428], %select_n3A_1427 {strides = array<i32>} : memref<4096xi32, #tpu.memory_space<vmem>>, vector<16xi32>,
      %scan3A_1430 = arith.constant 0 : i32
      scf.yield %scan3A_1430 : i32
    }
    %scan3A_8 = arith.constant 32 : i32
    %dma_start3A = arith.constant 0 : i32
    %dma_start3A_9 = arith.constant 0 : i32
    %dma_start3A_10 = tpu.memref_slice %arg11[%dma_start3A_9] : memref<4096xf32, #tpu.memory_space<vmem>> -> memref<128xf32, #tpu.memory_space<vmem>>
    %dma_start3A_11 = arith.constant 0 : i32
    %dma_start3A_12 = tpu.memref_slice %arg13[%dma_start3A, %dma_start3A_11] : memref<32x128xi32, #tpu.memory_space<vmem>> -> memref<1x128xi32, #tpu.memory_space<vmem>>
    %dma_start3A_13 = tpu.memref_squeeze %dma_start3A_12 : memref<1x128xi32, #tpu.memory_space<vmem>> -> memref<128xi32, #tpu.memory_space<vmem>>
    %dma_start3A_14 = arith.constant 0 : i32
    %dma_start3A_15 = tpu.memref_slice %arg6[%dma_start3A_14] : memref<131072xf32, #tpu.memory_space<hbm>> -> memref<131072xf32, #tpu.memory_space<hbm>>
    tpu.enqueue_indirect_dma source(%dma_start3A_10 : memref<128xf32, #tpu.memory_space<vmem>>) target(%dma_start3A_15 : memref<131072xf32, #tpu.memory_space<hbm>>) offsets(%dma_start3A_13 : memref<128xi32, #tpu.memory_space<vmem>>) semaphore(%arg14 : memref<!tpu.dma_semaphore, #tpu.memory_space<semaphore_mem>>)
    %dma_start3A_16 = arith.constant 1 : i32
    %dma_start3A_17 = arith.constant 128 : i32
    %dma_start3A_18 = tpu.memref_slice %arg11[%dma_start3A_17] : memref<4096xf32, #tpu.memory_space<vmem>> -> memref<128xf32, #tpu.memory_space<vmem>>
    %dma_start3A_19 = arith.constant 0 : i32
    %dma_start3A_20 = tpu.memref_slice %arg13[%dma_start3A_16, %dma_start3A_19] : memref<32x128xi32, #tpu.memory_space<vmem>> -> memref<1x128xi32, #tpu.memory_space<vmem>>
    %dma_start3A_21 = tpu.memref_squeeze %dma_start3A_20 : memref<1x128xi32, #tpu.memory_space<vmem>> -> memref<128xi32, #tpu.memory_space<vmem>>
    %dma_start3A_22 = arith.constant 0 : i32
    %dma_start3A_23 = tpu.memref_slice %arg6[%dma_start3A_22] : memref<131072xf32, #tpu.memory_space<hbm>> -> memref<131072xf32, #tpu.memory_space<hbm>>
    tpu.enqueue_indirect_dma source(%dma_start3A_18 : memref<128xf32, #tpu.memory_space<vmem>>) target(%dma_start3A_23 : memref<131072xf32, #tpu.memory_space<hbm>>) offsets(%dma_start3A_21 : memref<128xi32, #tpu.memory_space<vmem>>) semaphore(%arg14 : memref<!tpu.dma_semaphore, #tpu.memory_space<semaphore_mem>>)
    %dma_start3A_24 = arith.constant 2 : i32
    %dma_start3A_25 = arith.constant 256 : i32
    %dma_start3A_26 = tpu.memref_slice %arg11[%dma_start3A_25] : memref<4096xf32, #tpu.memory_space<vmem>> -> memref<128xf32, #tpu.memory_space<vmem>>
    %dma_start3A_27 = arith.constant 0 : i32
    %dma_start3A_28 = tpu.memref_slice %arg13[%dma_start3A_24, %dma_start3A_27] : memref<32x128xi32, #tpu.memory_space<vmem>> -> memref<1x128xi32, #tpu.memory_space<vmem>>
    %dma_start3A_29 = tpu.memref_squeeze %dma_start3A_28 : memref<1x128xi32, #tpu.memory_space<vmem>> -> memref<128xi32, #tpu.memory_space<vmem>>
    %dma_start3A_30 = arith.constant 0 : i32
    %dma_start3A_31 = tpu.memref_slice %arg6[%dma_start3A_30] : memref<131072xf32, #tpu.memory_space<hbm>> -> memref<131072xf32, #tpu.memory_space<hbm>>
    tpu.enqueue_indirect_dma source(%dma_start3A_26 : memref<128xf32, #tpu.memory_space<vmem>>) target(%dma_start3A_31 : memref<131072xf32, #tpu.memory_space<hbm>>) offsets(%dma_start3A_29 : memref<128xi32, #tpu.memory_space<vmem>>) semaphore(%arg14 : memref<!tpu.dma_semaphore, #tpu.memory_space<semaphore_mem>>)
    %dma_start3A_32 = arith.constant 3 : i32
    %dma_start3A_33 = arith.constant 384 : i32
    %dma_start3A_34 = tpu.memref_slice %arg11[%dma_start3A_33] : memref<4096xf32, #tpu.memory_space<vmem>> -> memref<128xf32, #tpu.memory_space<vmem>>
    %dma_start3A_35 = arith.constant 0 : i32
    %dma_start3A_36 = tpu.memref_slice %arg13[%dma_start3A_32, %dma_start3A_35] : memref<32x128xi32, #tpu.memory_space<vmem>> -> memref<1x128xi32, #tpu.memory_space<vmem>>
    %dma_start3A_37 = tpu.memref_squeeze %dma_start3A_36 : memref<1x128xi32, #tpu.memory_space<vmem>> -> memref<128xi32, #tpu.memory_space<vmem>>
    %dma_start3A_38 = arith.constant 0 : i32
    %dma_start3A_39 = tpu.memref_slice %arg6[%dma_start3A_38] : memref<131072xf32, #tpu.memory_space<hbm>> -> memref<131072xf32, #tpu.memory_space<hbm>>
    tpu.enqueue_indirect_dma source(%dma_start3A_34 : memref<128xf32, #tpu.memory_space<vmem>>) target(%dma_start3A_39 : memref<131072xf32, #tpu.memory_space<hbm>>) offsets(%dma_start3A_37 : memref<128xi32, #tpu.memory_space<vmem>>) semaphore(%arg14 : memref<!tpu.dma_semaphore, #tpu.memory_space<semaphore_mem>>)
    %dma_start3A_40 = arith.constant 4 : i32
    %dma_start3A_41 = arith.constant 512 : i32
    %dma_start3A_42 = tpu.memref_slice %arg11[%dma_start3A_41] : memref<4096xf32, #tpu.memory_space<vmem>> -> memref<128xf32, #tpu.memory_space<vmem>>
    %dma_start3A_43 = arith.constant 0 : i32
    %dma_start3A_44 = tpu.memref_slice %arg13[%dma_start3A_40, %dma_start3A_43] : memref<32x128xi32, #tpu.memory_space<vmem>> -> memref<1x128xi32, #tpu.memory_space<vmem>>
    %dma_start3A_45 = tpu.memref_squeeze %dma_start3A_44 : memref<1x128xi32, #tpu.memory_space<vmem>> -> memref<128xi32, #tpu.memory_space<vmem>>
    %dma_start3A_46 = arith.constant 0 : i32
    %dma_start3A_47 = tpu.memref_slice %arg6[%dma_start3A_46] : memref<131072xf32, #tpu.memory_space<hbm>> -> memref<131072xf32, #tpu.memory_space<hbm>>
    tpu.enqueue_indirect_dma source(%dma_start3A_42 : memref<128xf32, #tpu.memory_space<vmem>>) target(%dma_start3A_47 : memref<131072xf32, #tpu.memory_space<hbm>>) offsets(%dma_start3A_45 : memref<128xi32, #tpu.memory_space<vmem>>) semaphore(%arg14 : memref<!tpu.dma_semaphore, #tpu.memory_space<semaphore_mem>>)
    %dma_start3A_48 = arith.constant 5 : i32
    %dma_start3A_49 = arith.constant 640 : i32
    %dma_start3A_50 = tpu.memref_slice %arg11[%dma_start3A_49] : memref<4096xf32, #tpu.memory_space<vmem>> -> memref<128xf32, #tpu.memory_space<vmem>>
    %dma_start3A_51 = arith.constant 0 : i32
    %dma_start3A_52 = tpu.memref_slice %arg13[%dma_start3A_48, %dma_start3A_51] : memref<32x128xi32, #tpu.memory_space<vmem>> -> memref<1x128xi32, #tpu.memory_space<vmem>>
    %dma_start3A_53 = tpu.memref_squeeze %dma_start3A_52 : memref<1x128xi32, #tpu.memory_space<vmem>> -> memref<128xi32, #tpu.memory_space<vmem>>
    %dma_start3A_54 = arith.constant 0 : i32
    %dma_start3A_55 = tpu.memref_slice %arg6[%dma_start3A_54] : memref<131072xf32, #tpu.memory_space<hbm>> -> memref<131072xf32, #tpu.memory_space<hbm>>
    tpu.enqueue_indirect_dma source(%dma_start3A_50 : memref<128xf32, #tpu.memory_space<vmem>>) target(%dma_start3A_55 : memref<131072xf32, #tpu.memory_space<hbm>>) offsets(%dma_start3A_53 : memref<128xi32, #tpu.memory_space<vmem>>) semaphore(%arg14 : memref<!tpu.dma_semaphore, #tpu.memory_space<semaphore_mem>>)
    %dma_start3A_56 = arith.constant 6 : i32
    %dma_start3A_57 = arith.constant 768 : i32
    %dma_start3A_58 = tpu.memref_slice %arg11[%dma_start3A_57] : memref<4096xf32, #tpu.memory_space<vmem>> -> memref<128xf32, #tpu.memory_space<vmem>>
    %dma_start3A_59 = arith.constant 0 : i32
    %dma_start3A_60 = tpu.memref_slice %arg13[%dma_start3A_56, %dma_start3A_59] : memref<32x128xi32, #tpu.memory_space<vmem>> -> memref<1x128xi32, #tpu.memory_space<vmem>>
    %dma_start3A_61 = tpu.memref_squeeze %dma_start3A_60 : memref<1x128xi32, #tpu.memory_space<vmem>> -> memref<128xi32, #tpu.memory_space<vmem>>
    %dma_start3A_62 = arith.constant 0 : i32
    %dma_start3A_63 = tpu.memref_slice %arg6[%dma_start3A_62] : memref<131072xf32, #tpu.memory_space<hbm>> -> memref<131072xf32, #tpu.memory_space<hbm>>
    tpu.enqueue_indirect_dma source(%dma_start3A_58 : memref<128xf32, #tpu.memory_space<vmem>>) target(%dma_start3A_63 : memref<131072xf32, #tpu.memory_space<hbm>>) offsets(%dma_start3A_61 : memref<128xi32, #tpu.memory_space<vmem>>) semaphore(%arg14 : memref<!tpu.dma_semaphore, #tpu.memory_space<semaphore_mem>>)
    %dma_start3A_64 = arith.constant 7 : i32
    %dma_start3A_65 = arith.constant 896 : i32
    %dma_start3A_66 = tpu.memref_slice %arg11[%dma_start3A_65] : memref<4096xf32, #tpu.memory_space<vmem>> -> memref<128xf32, #tpu.memory_space<vmem>>
    %dma_start3A_67 = arith.constant 0 : i32
    %dma_start3A_68 = tpu.memref_slice %arg13[%dma_start3A_64, %dma_start3A_67] : memref<32x128xi32, #tpu.memory_space<vmem>> -> memref<1x128xi32, #tpu.memory_space<vmem>>
    %dma_start3A_69 = tpu.memref_squeeze %dma_start3A_68 : memref<1x128xi32, #tpu.memory_space<vmem>> -> memref<128xi32, #tpu.memory_space<vmem>>
    %dma_start3A_70 = arith.constant 0 : i32
    %dma_start3A_71 = tpu.memref_slice %arg6[%dma_start3A_70] : memref<131072xf32, #tpu.memory_space<hbm>> -> memref<131072xf32, #tpu.memory_space<hbm>>
    tpu.enqueue_indirect_dma source(%dma_start3A_66 : memref<128xf32, #tpu.memory_space<vmem>>) target(%dma_start3A_71 : memref<131072xf32, #tpu.memory_space<hbm>>) offsets(%dma_start3A_69 : memref<128xi32, #tpu.memory_space<vmem>>) semaphore(%arg14 : memref<!tpu.dma_semaphore, #tpu.memory_space<semaphore_mem>>)
    %dma_start3A_72 = arith.constant 8 : i32
    %dma_start3A_73 = arith.constant 1024 : i32
    %dma_start3A_74 = tpu.memref_slice %arg11[%dma_start3A_73] : memref<4096xf32, #tpu.memory_space<vmem>> -> memref<128xf32, #tpu.memory_space<vmem>>
    %dma_start3A_75 = arith.constant 0 : i32
    %dma_start3A_76 = tpu.memref_slice %arg13[%dma_start3A_72, %dma_start3A_75] : memref<32x128xi32, #tpu.memory_space<vmem>> -> memref<1x128xi32, #tpu.memory_space<vmem>>
    %dma_start3A_77 = tpu.memref_squeeze %dma_start3A_76 : memref<1x128xi32, #tpu.memory_space<vmem>> -> memref<128xi32, #tpu.memory_space<vmem>>
    %dma_start3A_78 = arith.constant 0 : i32
    %dma_start3A_79 = tpu.memref_slice %arg6[%dma_start3A_78] : memref<131072xf32, #tpu.memory_space<hbm>> -> memref<131072xf32, #tpu.memory_space<hbm>>
    tpu.enqueue_indirect_dma source(%dma_start3A_74 : memref<128xf32, #tpu.memory_space<vmem>>) target(%dma_start3A_79 : memref<131072xf32, #tpu.memory_space<hbm>>) offsets(%dma_start3A_77 : memref<128xi32, #tpu.memory_space<vmem>>) semaphore(%arg14 : memref<!tpu.dma_semaphore, #tpu.memory_space<semaphore_mem>>)
    %dma_start3A_80 = arith.constant 9 : i32
    %dma_start3A_81 = arith.constant 1152 : i32
    %dma_start3A_82 = tpu.memref_slice %arg11[%dma_start3A_81] : memref<4096xf32, #tpu.memory_space<vmem>> -> memref<128xf32, #tpu.memory_space<vmem>>
    %dma_start3A_83 = arith.constant 0 : i32
    %dma_start3A_84 = tpu.memref_slice %arg13[%dma_start3A_80, %dma_start3A_83] : memref<32x128xi32, #tpu.memory_space<vmem>> -> memref<1x128xi32, #tpu.memory_space<vmem>>
    %dma_start3A_85 = tpu.memref_squeeze %dma_start3A_84 : memref<1x128xi32, #tpu.memory_space<vmem>> -> memref<128xi32, #tpu.memory_space<vmem>>
    %dma_start3A_86 = arith.constant 0 : i32
    %dma_start3A_87 = tpu.memref_slice %arg6[%dma_start3A_86] : memref<131072xf32, #tpu.memory_space<hbm>> -> memref<131072xf32, #tpu.memory_space<hbm>>
    tpu.enqueue_indirect_dma source(%dma_start3A_82 : memref<128xf32, #tpu.memory_space<vmem>>) target(%dma_start3A_87 : memref<131072xf32, #tpu.memory_space<hbm>>) offsets(%dma_start3A_85 : memref<128xi32, #tpu.memory_space<vmem>>) semaphore(%arg14 : memref<!tpu.dma_semaphore, #tpu.memory_space<semaphore_mem>>)
    %dma_start3A_88 = arith.constant 10 : i32
    %dma_start3A_89 = arith.constant 1280 : i32
    %dma_start3A_90 = tpu.memref_slice %arg11[%dma_start3A_89] : memref<4096xf32, #tpu.memory_space<vmem>> -> memref<128xf32, #tpu.memory_space<vmem>>
    %dma_start3A_91 = arith.constant 0 : i32
    %dma_start3A_92 = tpu.memref_slice %arg13[%dma_start3A_88, %dma_start3A_91] : memref<32x128xi32, #tpu.memory_space<vmem>> -> memref<1x128xi32, #tpu.memory_space<vmem>>
    %dma_start3A_93 = tpu.memref_squeeze %dma_start3A_92 : memref<1x128xi32, #tpu.memory_space<vmem>> -> memref<128xi32, #tpu.memory_space<vmem>>
    %dma_start3A_94 = arith.constant 0 : i32
    %dma_start3A_95 = tpu.memref_slice %arg6[%dma_start3A_94] : memref<131072xf32, #tpu.memory_space<hbm>> -> memref<131072xf32, #tpu.memory_space<hbm>>
    tpu.enqueue_indirect_dma source(%dma_start3A_90 : memref<128xf32, #tpu.memory_space<vmem>>) target(%dma_start3A_95 : memref<131072xf32, #tpu.memory_space<hbm>>) offsets(%dma_start3A_93 : memref<128xi32, #tpu.memory_space<vmem>>) semaphore(%arg14 : memref<!tpu.dma_semaphore, #tpu.memory_space<semaphore_mem>>)
    %dma_start3A_96 = arith.constant 11 : i32
    %dma_start3A_97 = arith.constant 1408 : i32
    %dma_start3A_98 = tpu.memref_slice %arg11[%dma_start3A_97] : memref<4096xf32, #tpu.memory_space<vmem>> -> memref<128xf32, #tpu.memory_space<vmem>>
    %dma_start3A_99 = arith.constant 0 : i32
    %dma_start3A_100 = tpu.memref_slice %arg13[%dma_start3A_96, %dma_start3A_99] : memref<32x128xi32, #tpu.memory_space<vmem>> -> memref<1x128xi32, #tpu.memory_space<vmem>>
    %dma_start3A_101 = tpu.memref_squeeze %dma_start3A_100 : memref<1x128xi32, #tpu.memory_space<vmem>> -> memref<128xi32, #tpu.memory_space<vmem>>
    %dma_start3A_102 = arith.constant 0 : i32
    %dma_start3A_103 = tpu.memref_slice %arg6[%dma_start3A_102] : memref<131072xf32, #tpu.memory_space<hbm>> -> memref<131072xf32, #tpu.memory_space<hbm>>
    tpu.enqueue_indirect_dma source(%dma_start3A_98 : memref<128xf32, #tpu.memory_space<vmem>>) target(%dma_start3A_103 : memref<131072xf32, #tpu.memory_space<hbm>>) offsets(%dma_start3A_101 : memref<128xi32, #tpu.memory_space<vmem>>) semaphore(%arg14 : memref<!tpu.dma_semaphore, #tpu.memory_space<semaphore_mem>>)
    %dma_start3A_104 = arith.constant 12 : i32
    %dma_start3A_105 = arith.constant 1536 : i32
    %dma_start3A_106 = tpu.memref_slice %arg11[%dma_start3A_105] : memref<4096xf32, #tpu.memory_space<vmem>> -> memref<128xf32, #tpu.memory_space<vmem>>
    %dma_start3A_107 = arith.constant 0 : i32
    %dma_start3A_108 = tpu.memref_slice %arg13[%dma_start3A_104, %dma_start3A_107] : memref<32x128xi32, #tpu.memory_space<vmem>> -> memref<1x128xi32, #tpu.memory_space<vmem>>
    %dma_start3A_109 = tpu.memref_squeeze %dma_start3A_108 : memref<1x128xi32, #tpu.memory_space<vmem>> -> memref<128xi32, #tpu.memory_space<vmem>>
    %dma_start3A_110 = arith.constant 0 : i32
    %dma_start3A_111 = tpu.memref_slice %arg6[%dma_start3A_110] : memref<131072xf32, #tpu.memory_space<hbm>> -> memref<131072xf32, #tpu.memory_space<hbm>>
    tpu.enqueue_indirect_dma source(%dma_start3A_106 : memref<128xf32, #tpu.memory_space<vmem>>) target(%dma_start3A_111 : memref<131072xf32, #tpu.memory_space<hbm>>) offsets(%dma_start3A_109 : memref<128xi32, #tpu.memory_space<vmem>>) semaphore(%arg14 : memref<!tpu.dma_semaphore, #tpu.memory_space<semaphore_mem>>)
    %dma_start3A_112 = arith.constant 13 : i32
    %dma_start3A_113 = arith.constant 1664 : i32
    %dma_start3A_114 = tpu.memref_slice %arg11[%dma_start3A_113] : memref<4096xf32, #tpu.memory_space<vmem>> -> memref<128xf32, #tpu.memory_space<vmem>>
    %dma_start3A_115 = arith.constant 0 : i32
    %dma_start3A_116 = tpu.memref_slice %arg13[%dma_start3A_112, %dma_start3A_115] : memref<32x128xi32, #tpu.memory_space<vmem>> -> memref<1x128xi32, #tpu.memory_space<vmem>>
    %dma_start3A_117 = tpu.memref_squeeze %dma_start3A_116 : memref<1x128xi32, #tpu.memory_space<vmem>> -> memref<128xi32, #tpu.memory_space<vmem>>
    %dma_start3A_118 = arith.constant 0 : i32
    %dma_start3A_119 = tpu.memref_slice %arg6[%dma_start3A_118] : memref<131072xf32, #tpu.memory_space<hbm>> -> memref<131072xf32, #tpu.memory_space<hbm>>
    tpu.enqueue_indirect_dma source(%dma_start3A_114 : memref<128xf32, #tpu.memory_space<vmem>>) target(%dma_start3A_119 : memref<131072xf32, #tpu.memory_space<hbm>>) offsets(%dma_start3A_117 : memref<128xi32, #tpu.memory_space<vmem>>) semaphore(%arg14 : memref<!tpu.dma_semaphore, #tpu.memory_space<semaphore_mem>>)
    %dma_start3A_120 = arith.constant 14 : i32
    %dma_start3A_121 = arith.constant 1792 : i32
    %dma_start3A_122 = tpu.memref_slice %arg11[%dma_start3A_121] : memref<4096xf32, #tpu.memory_space<vmem>> -> memref<128xf32, #tpu.memory_space<vmem>>
    %dma_start3A_123 = arith.constant 0 : i32
    %dma_start3A_124 = tpu.memref_slice %arg13[%dma_start3A_120, %dma_start3A_123] : memref<32x128xi32, #tpu.memory_space<vmem>> -> memref<1x128xi32, #tpu.memory_space<vmem>>
    %dma_start3A_125 = tpu.memref_squeeze %dma_start3A_124 : memref<1x128xi32, #tpu.memory_space<vmem>> -> memref<128xi32, #tpu.memory_space<vmem>>
    %dma_start3A_126 = arith.constant 0 : i32
    %dma_start3A_127 = tpu.memref_slice %arg6[%dma_start3A_126] : memref<131072xf32, #tpu.memory_space<hbm>> -> memref<131072xf32, #tpu.memory_space<hbm>>
    tpu.enqueue_indirect_dma source(%dma_start3A_122 : memref<128xf32, #tpu.memory_space<vmem>>) target(%dma_start3A_127 : memref<131072xf32, #tpu.memory_space<hbm>>) offsets(%dma_start3A_125 : memref<128xi32, #tpu.memory_space<vmem>>) semaphore(%arg14 : memref<!tpu.dma_semaphore, #tpu.memory_space<semaphore_mem>>)
    %dma_start3A_128 = arith.constant 15 : i32
    %dma_start3A_129 = arith.constant 1920 : i32
    %dma_start3A_130 = tpu.memref_slice %arg11[%dma_start3A_129] : memref<4096xf32, #tpu.memory_space<vmem>> -> memref<128xf32, #tpu.memory_space<vmem>>
    %dma_start3A_131 = arith.constant 0 : i32
    %dma_start3A_132 = tpu.memref_slice %arg13[%dma_start3A_128, %dma_start3A_131] : memref<32x128xi32, #tpu.memory_space<vmem>> -> memref<1x128xi32, #tpu.memory_space<vmem>>
    %dma_start3A_133 = tpu.memref_squeeze %dma_start3A_132 : memref<1x128xi32, #tpu.memory_space<vmem>> -> memref<128xi32, #tpu.memory_space<vmem>>
    %dma_start3A_134 = arith.constant 0 : i32
    %dma_start3A_135 = tpu.memref_slice %arg6[%dma_start3A_134] : memref<131072xf32, #tpu.memory_space<hbm>> -> memref<131072xf32, #tpu.memory_space<hbm>>
    tpu.enqueue_indirect_dma source(%dma_start3A_130 : memref<128xf32, #tpu.memory_space<vmem>>) target(%dma_start3A_135 : memref<131072xf32, #tpu.memory_space<hbm>>) offsets(%dma_start3A_133 : memref<128xi32, #tpu.memory_space<vmem>>) semaphore(%arg14 : memref<!tpu.dma_semaphore, #tpu.memory_space<semaphore_mem>>)
    %dma_start3A_136 = arith.constant 16 : i32
    %dma_start3A_137 = arith.constant 2048 : i32
    %dma_start3A_138 = tpu.memref_slice %arg11[%dma_start3A_137] : memref<4096xf32, #tpu.memory_space<vmem>> -> memref<128xf32, #tpu.memory_space<vmem>>
    %dma_start3A_139 = arith.constant 0 : i32
    %dma_start3A_140 = tpu.memref_slice %arg13[%dma_start3A_136, %dma_start3A_139] : memref<32x128xi32, #tpu.memory_space<vmem>> -> memref<1x128xi32, #tpu.memory_space<vmem>>
    %dma_start3A_141 = tpu.memref_squeeze %dma_start3A_140 : memref<1x128xi32, #tpu.memory_space<vmem>> -> memref<128xi32, #tpu.memory_space<vmem>>
    %dma_start3A_142 = arith.constant 0 : i32
    %dma_start3A_143 = tpu.memref_slice %arg6[%dma_start3A_142] : memref<131072xf32, #tpu.memory_space<hbm>> -> memref<131072xf32, #tpu.memory_space<hbm>>
    tpu.enqueue_indirect_dma source(%dma_start3A_138 : memref<128xf32, #tpu.memory_space<vmem>>) target(%dma_start3A_143 : memref<131072xf32, #tpu.memory_space<hbm>>) offsets(%dma_start3A_141 : memref<128xi32, #tpu.memory_space<vmem>>) semaphore(%arg14 : memref<!tpu.dma_semaphore, #tpu.memory_space<semaphore_mem>>)
    %dma_start3A_144 = arith.constant 17 : i32
    %dma_start3A_145 = arith.constant 2176 : i32
    %dma_start3A_146 = tpu.memref_slice %arg11[%dma_start3A_145] : memref<4096xf32, #tpu.memory_space<vmem>> -> memref<128xf32, #tpu.memory_space<vmem>>
    %dma_start3A_147 = arith.constant 0 : i32
    %dma_start3A_148 = tpu.memref_slice %arg13[%dma_start3A_144, %dma_start3A_147] : memref<32x128xi32, #tpu.memory_space<vmem>> -> memref<1x128xi32, #tpu.memory_space<vmem>>
    %dma_start3A_149 = tpu.memref_squeeze %dma_start3A_148 : memref<1x128xi32, #tpu.memory_space<vmem>> -> memref<128xi32, #tpu.memory_space<vmem>>
    %dma_start3A_150 = arith.constant 0 : i32
    %dma_start3A_151 = tpu.memref_slice %arg6[%dma_start3A_150] : memref<131072xf32, #tpu.memory_space<hbm>> -> memref<131072xf32, #tpu.memory_space<hbm>>
    tpu.enqueue_indirect_dma source(%dma_start3A_146 : memref<128xf32, #tpu.memory_space<vmem>>) target(%dma_start3A_151 : memref<131072xf32, #tpu.memory_space<hbm>>) offsets(%dma_start3A_149 : memref<128xi32, #tpu.memory_space<vmem>>) semaphore(%arg14 : memref<!tpu.dma_semaphore, #tpu.memory_space<semaphore_mem>>)
    %dma_start3A_152 = arith.constant 18 : i32
    %dma_start3A_153 = arith.constant 2304 : i32
    %dma_start3A_154 = tpu.memref_slice %arg11[%dma_start3A_153] : memref<4096xf32, #tpu.memory_space<vmem>> -> memref<128xf32, #tpu.memory_space<vmem>>
    %dma_start3A_155 = arith.constant 0 : i32
    %dma_start3A_156 = tpu.memref_slice %arg13[%dma_start3A_152, %dma_start3A_155] : memref<32x128xi32, #tpu.memory_space<vmem>> -> memref<1x128xi32, #tpu.memory_space<vmem>>
    %dma_start3A_157 = tpu.memref_squeeze %dma_start3A_156 : memref<1x128xi32, #tpu.memory_space<vmem>> -> memref<128xi32, #tpu.memory_space<vmem>>
    %dma_start3A_158 = arith.constant 0 : i32
    %dma_start3A_159 = tpu.memref_slice %arg6[%dma_start3A_158] : memref<131072xf32, #tpu.memory_space<hbm>> -> memref<131072xf32, #tpu.memory_space<hbm>>
    tpu.enqueue_indirect_dma source(%dma_start3A_154 : memref<128xf32, #tpu.memory_space<vmem>>) target(%dma_start3A_159 : memref<131072xf32, #tpu.memory_space<hbm>>) offsets(%dma_start3A_157 : memref<128xi32, #tpu.memory_space<vmem>>) semaphore(%arg14 : memref<!tpu.dma_semaphore, #tpu.memory_space<semaphore_mem>>)
    %dma_start3A_160 = arith.constant 19 : i32
    %dma_start3A_161 = arith.constant 2432 : i32
    %dma_start3A_162 = tpu.memref_slice %arg11[%dma_start3A_161] : memref<4096xf32, #tpu.memory_space<vmem>> -> memref<128xf32, #tpu.memory_space<vmem>>
    %dma_start3A_163 = arith.constant 0 : i32
    %dma_start3A_164 = tpu.memref_slice %arg13[%dma_start3A_160, %dma_start3A_163] : memref<32x128xi32, #tpu.memory_space<vmem>> -> memref<1x128xi32, #tpu.memory_space<vmem>>
    %dma_start3A_165 = tpu.memref_squeeze %dma_start3A_164 : memref<1x128xi32, #tpu.memory_space<vmem>> -> memref<128xi32, #tpu.memory_space<vmem>>
    %dma_start3A_166 = arith.constant 0 : i32
    %dma_start3A_167 = tpu.memref_slice %arg6[%dma_start3A_166] : memref<131072xf32, #tpu.memory_space<hbm>> -> memref<131072xf32, #tpu.memory_space<hbm>>
    tpu.enqueue_indirect_dma source(%dma_start3A_162 : memref<128xf32, #tpu.memory_space<vmem>>) target(%dma_start3A_167 : memref<131072xf32, #tpu.memory_space<hbm>>) offsets(%dma_start3A_165 : memref<128xi32, #tpu.memory_space<vmem>>) semaphore(%arg14 : memref<!tpu.dma_semaphore, #tpu.memory_space<semaphore_mem>>)
    %dma_start3A_168 = arith.constant 20 : i32
    %dma_start3A_169 = arith.constant 2560 : i32
    %dma_start3A_170 = tpu.memref_slice %arg11[%dma_start3A_169] : memref<4096xf32, #tpu.memory_space<vmem>> -> memref<128xf32, #tpu.memory_space<vmem>>
    %dma_start3A_171 = arith.constant 0 : i32
    %dma_start3A_172 = tpu.memref_slice %arg13[%dma_start3A_168, %dma_start3A_171] : memref<32x128xi32, #tpu.memory_space<vmem>> -> memref<1x128xi32, #tpu.memory_space<vmem>>
    %dma_start3A_173 = tpu.memref_squeeze %dma_start3A_172 : memref<1x128xi32, #tpu.memory_space<vmem>> -> memref<128xi32, #tpu.memory_space<vmem>>
    %dma_start3A_174 = arith.constant 0 : i32
    %dma_start3A_175 = tpu.memref_slice %arg6[%dma_start3A_174] : memref<131072xf32, #tpu.memory_space<hbm>> -> memref<131072xf32, #tpu.memory_space<hbm>>
    tpu.enqueue_indirect_dma source(%dma_start3A_170 : memref<128xf32, #tpu.memory_space<vmem>>) target(%dma_start3A_175 : memref<131072xf32, #tpu.memory_space<hbm>>) offsets(%dma_start3A_173 : memref<128xi32, #tpu.memory_space<vmem>>) semaphore(%arg14 : memref<!tpu.dma_semaphore, #tpu.memory_space<semaphore_mem>>)
    %dma_start3A_176 = arith.constant 21 : i32
    %dma_start3A_177 = arith.constant 2688 : i32
    %dma_start3A_178 = tpu.memref_slice %arg11[%dma_start3A_177] : memref<4096xf32, #tpu.memory_space<vmem>> -> memref<128xf32, #tpu.memory_space<vmem>>
    %dma_start3A_179 = arith.constant 0 : i32
    %dma_start3A_180 = tpu.memref_slice %arg13[%dma_start3A_176, %dma_start3A_179] : memref<32x128xi32, #tpu.memory_space<vmem>> -> memref<1x128xi32, #tpu.memory_space<vmem>>
    %dma_start3A_181 = tpu.memref_squeeze %dma_start3A_180 : memref<1x128xi32, #tpu.memory_space<vmem>> -> memref<128xi32, #tpu.memory_space<vmem>>
    %dma_start3A_182 = arith.constant 0 : i32
    %dma_start3A_183 = tpu.memref_slice %arg6[%dma_start3A_182] : memref<131072xf32, #tpu.memory_space<hbm>> -> memref<131072xf32, #tpu.memory_space<hbm>>
    tpu.enqueue_indirect_dma source(%dma_start3A_178 : memref<128xf32, #tpu.memory_space<vmem>>) target(%dma_start3A_183 : memref<131072xf32, #tpu.memory_space<hbm>>) offsets(%dma_start3A_181 : memref<128xi32, #tpu.memory_space<vmem>>) semaphore(%arg14 : memref<!tpu.dma_semaphore, #tpu.memory_space<semaphore_mem>>)
    %dma_start3A_184 = arith.constant 22 : i32
    %dma_start3A_185 = arith.constant 2816 : i32
    %dma_start3A_186 = tpu.memref_slice %arg11[%dma_start3A_185] : memref<4096xf32, #tpu.memory_space<vmem>> -> memref<128xf32, #tpu.memory_space<vmem>>
    %dma_start3A_187 = arith.constant 0 : i32
    %dma_start3A_188 = tpu.memref_slice %arg13[%dma_start3A_184, %dma_start3A_187] : memref<32x128xi32, #tpu.memory_space<vmem>> -> memref<1x128xi32, #tpu.memory_space<vmem>>
    %dma_start3A_189 = tpu.memref_squeeze %dma_start3A_188 : memref<1x128xi32, #tpu.memory_space<vmem>> -> memref<128xi32, #tpu.memory_space<vmem>>
    %dma_start3A_190 = arith.constant 0 : i32
    %dma_start3A_191 = tpu.memref_slice %arg6[%dma_start3A_190] : memref<131072xf32, #tpu.memory_space<hbm>> -> memref<131072xf32, #tpu.memory_space<hbm>>
    tpu.enqueue_indirect_dma source(%dma_start3A_186 : memref<128xf32, #tpu.memory_space<vmem>>) target(%dma_start3A_191 : memref<131072xf32, #tpu.memory_space<hbm>>) offsets(%dma_start3A_189 : memref<128xi32, #tpu.memory_space<vmem>>) semaphore(%arg14 : memref<!tpu.dma_semaphore, #tpu.memory_space<semaphore_mem>>)
    %dma_start3A_192 = arith.constant 23 : i32
    %dma_start3A_193 = arith.constant 2944 : i32
    %dma_start3A_194 = tpu.memref_slice %arg11[%dma_start3A_193] : memref<4096xf32, #tpu.memory_space<vmem>> -> memref<128xf32, #tpu.memory_space<vmem>>
    %dma_start3A_195 = arith.constant 0 : i32
    %dma_start3A_196 = tpu.memref_slice %arg13[%dma_start3A_192, %dma_start3A_195] : memref<32x128xi32, #tpu.memory_space<vmem>> -> memref<1x128xi32, #tpu.memory_space<vmem>>
    %dma_start3A_197 = tpu.memref_squeeze %dma_start3A_196 : memref<1x128xi32, #tpu.memory_space<vmem>> -> memref<128xi32, #tpu.memory_space<vmem>>
    %dma_start3A_198 = arith.constant 0 : i32
    %dma_start3A_199 = tpu.memref_slice %arg6[%dma_start3A_198] : memref<131072xf32, #tpu.memory_space<hbm>> -> memref<131072xf32, #tpu.memory_space<hbm>>
    tpu.enqueue_indirect_dma source(%dma_start3A_194 : memref<128xf32, #tpu.memory_space<vmem>>) target(%dma_start3A_199 : memref<131072xf32, #tpu.memory_space<hbm>>) offsets(%dma_start3A_197 : memref<128xi32, #tpu.memory_space<vmem>>) semaphore(%arg14 : memref<!tpu.dma_semaphore, #tpu.memory_space<semaphore_mem>>)
    %dma_start3A_200 = arith.constant 24 : i32
    %dma_start3A_201 = arith.constant 3072 : i32
    %dma_start3A_202 = tpu.memref_slice %arg11[%dma_start3A_201] : memref<4096xf32, #tpu.memory_space<vmem>> -> memref<128xf32, #tpu.memory_space<vmem>>
    %dma_start3A_203 = arith.constant 0 : i32
    %dma_start3A_204 = tpu.memref_slice %arg13[%dma_start3A_200, %dma_start3A_203] : memref<32x128xi32, #tpu.memory_space<vmem>> -> memref<1x128xi32, #tpu.memory_space<vmem>>
    %dma_start3A_205 = tpu.memref_squeeze %dma_start3A_204 : memref<1x128xi32, #tpu.memory_space<vmem>> -> memref<128xi32, #tpu.memory_space<vmem>>
    %dma_start3A_206 = arith.constant 0 : i32
    %dma_start3A_207 = tpu.memref_slice %arg6[%dma_start3A_206] : memref<131072xf32, #tpu.memory_space<hbm>> -> memref<131072xf32, #tpu.memory_space<hbm>>
    tpu.enqueue_indirect_dma source(%dma_start3A_202 : memref<128xf32, #tpu.memory_space<vmem>>) target(%dma_start3A_207 : memref<131072xf32, #tpu.memory_space<hbm>>) offsets(%dma_start3A_205 : memref<128xi32, #tpu.memory_space<vmem>>) semaphore(%arg14 : memref<!tpu.dma_semaphore, #tpu.memory_space<semaphore_mem>>)
    %dma_start3A_208 = arith.constant 25 : i32
    %dma_start3A_209 = arith.constant 3200 : i32
    %dma_start3A_210 = tpu.memref_slice %arg11[%dma_start3A_209] : memref<4096xf32, #tpu.memory_space<vmem>> -> memref<128xf32, #tpu.memory_space<vmem>>
    %dma_start3A_211 = arith.constant 0 : i32
    %dma_start3A_212 = tpu.memref_slice %arg13[%dma_start3A_208, %dma_start3A_211] : memref<32x128xi32, #tpu.memory_space<vmem>> -> memref<1x128xi32, #tpu.memory_space<vmem>>
    %dma_start3A_213 = tpu.memref_squeeze %dma_start3A_212 : memref<1x128xi32, #tpu.memory_space<vmem>> -> memref<128xi32, #tpu.memory_space<vmem>>
    %dma_start3A_214 = arith.constant 0 : i32
    %dma_start3A_215 = tpu.memref_slice %arg6[%dma_start3A_214] : memref<131072xf32, #tpu.memory_space<hbm>> -> memref<131072xf32, #tpu.memory_space<hbm>>
    tpu.enqueue_indirect_dma source(%dma_start3A_210 : memref<128xf32, #tpu.memory_space<vmem>>) target(%dma_start3A_215 : memref<131072xf32, #tpu.memory_space<hbm>>) offsets(%dma_start3A_213 : memref<128xi32, #tpu.memory_space<vmem>>) semaphore(%arg14 : memref<!tpu.dma_semaphore, #tpu.memory_space<semaphore_mem>>)
    %dma_start3A_216 = arith.constant 26 : i32
    %dma_start3A_217 = arith.constant 3328 : i32
    %dma_start3A_218 = tpu.memref_slice %arg11[%dma_start3A_217] : memref<4096xf32, #tpu.memory_space<vmem>> -> memref<128xf32, #tpu.memory_space<vmem>>
    %dma_start3A_219 = arith.constant 0 : i32
    %dma_start3A_220 = tpu.memref_slice %arg13[%dma_start3A_216, %dma_start3A_219] : memref<32x128xi32, #tpu.memory_space<vmem>> -> memref<1x128xi32, #tpu.memory_space<vmem>>
    %dma_start3A_221 = tpu.memref_squeeze %dma_start3A_220 : memref<1x128xi32, #tpu.memory_space<vmem>> -> memref<128xi32, #tpu.memory_space<vmem>>
    %dma_start3A_222 = arith.constant 0 : i32
    %dma_start3A_223 = tpu.memref_slice %arg6[%dma_start3A_222] : memref<131072xf32, #tpu.memory_space<hbm>> -> memref<131072xf32, #tpu.memory_space<hbm>>
    tpu.enqueue_indirect_dma source(%dma_start3A_218 : memref<128xf32, #tpu.memory_space<vmem>>) target(%dma_start3A_223 : memref<131072xf32, #tpu.memory_space<hbm>>) offsets(%dma_start3A_221 : memref<128xi32, #tpu.memory_space<vmem>>) semaphore(%arg14 : memref<!tpu.dma_semaphore, #tpu.memory_space<semaphore_mem>>)
    %dma_start3A_224 = arith.constant 27 : i32
    %dma_start3A_225 = arith.constant 3456 : i32
    %dma_start3A_226 = tpu.memref_slice %arg11[%dma_start3A_225] : memref<4096xf32, #tpu.memory_space<vmem>> -> memref<128xf32, #tpu.memory_space<vmem>>
    %dma_start3A_227 = arith.constant 0 : i32
    %dma_start3A_228 = tpu.memref_slice %arg13[%dma_start3A_224, %dma_start3A_227] : memref<32x128xi32, #tpu.memory_space<vmem>> -> memref<1x128xi32, #tpu.memory_space<vmem>>
    %dma_start3A_229 = tpu.memref_squeeze %dma_start3A_228 : memref<1x128xi32, #tpu.memory_space<vmem>> -> memref<128xi32, #tpu.memory_space<vmem>>
    %dma_start3A_230 = arith.constant 0 : i32
    %dma_start3A_231 = tpu.memref_slice %arg6[%dma_start3A_230] : memref<131072xf32, #tpu.memory_space<hbm>> -> memref<131072xf32, #tpu.memory_space<hbm>>
    tpu.enqueue_indirect_dma source(%dma_start3A_226 : memref<128xf32, #tpu.memory_space<vmem>>) target(%dma_start3A_231 : memref<131072xf32, #tpu.memory_space<hbm>>) offsets(%dma_start3A_229 : memref<128xi32, #tpu.memory_space<vmem>>) semaphore(%arg14 : memref<!tpu.dma_semaphore, #tpu.memory_space<semaphore_mem>>)
    %dma_start3A_232 = arith.constant 28 : i32
    %dma_start3A_233 = arith.constant 3584 : i32
    %dma_start3A_234 = tpu.memref_slice %arg11[%dma_start3A_233] : memref<4096xf32, #tpu.memory_space<vmem>> -> memref<128xf32, #tpu.memory_space<vmem>>
    %dma_start3A_235 = arith.constant 0 : i32
    %dma_start3A_236 = tpu.memref_slice %arg13[%dma_start3A_232, %dma_start3A_235] : memref<32x128xi32, #tpu.memory_space<vmem>> -> memref<1x128xi32, #tpu.memory_space<vmem>>
    %dma_start3A_237 = tpu.memref_squeeze %dma_start3A_236 : memref<1x128xi32, #tpu.memory_space<vmem>> -> memref<128xi32, #tpu.memory_space<vmem>>
    %dma_start3A_238 = arith.constant 0 : i32
    %dma_start3A_239 = tpu.memref_slice %arg6[%dma_start3A_238] : memref<131072xf32, #tpu.memory_space<hbm>> -> memref<131072xf32, #tpu.memory_space<hbm>>
    tpu.enqueue_indirect_dma source(%dma_start3A_234 : memref<128xf32, #tpu.memory_space<vmem>>) target(%dma_start3A_239 : memref<131072xf32, #tpu.memory_space<hbm>>) offsets(%dma_start3A_237 : memref<128xi32, #tpu.memory_space<vmem>>) semaphore(%arg14 : memref<!tpu.dma_semaphore, #tpu.memory_space<semaphore_mem>>)
    %dma_start3A_240 = arith.constant 29 : i32
    %dma_start3A_241 = arith.constant 3712 : i32
    %dma_start3A_242 = tpu.memref_slice %arg11[%dma_start3A_241] : memref<4096xf32, #tpu.memory_space<vmem>> -> memref<128xf32, #tpu.memory_space<vmem>>
    %dma_start3A_243 = arith.constant 0 : i32
    %dma_start3A_244 = tpu.memref_slice %arg13[%dma_start3A_240, %dma_start3A_243] : memref<32x128xi32, #tpu.memory_space<vmem>> -> memref<1x128xi32, #tpu.memory_space<vmem>>
    %dma_start3A_245 = tpu.memref_squeeze %dma_start3A_244 : memref<1x128xi32, #tpu.memory_space<vmem>> -> memref<128xi32, #tpu.memory_space<vmem>>
    %dma_start3A_246 = arith.constant 0 : i32
    %dma_start3A_247 = tpu.memref_slice %arg6[%dma_start3A_246] : memref<131072xf32, #tpu.memory_space<hbm>> -> memref<131072xf32, #tpu.memory_space<hbm>>
    tpu.enqueue_indirect_dma source(%dma_start3A_242 : memref<128xf32, #tpu.memory_space<vmem>>) target(%dma_start3A_247 : memref<131072xf32, #tpu.memory_space<hbm>>) offsets(%dma_start3A_245 : memref<128xi32, #tpu.memory_space<vmem>>) semaphore(%arg14 : memref<!tpu.dma_semaphore, #tpu.memory_space<semaphore_mem>>)
    %dma_start3A_248 = arith.constant 30 : i32
    %dma_start3A_249 = arith.constant 3840 : i32
    %dma_start3A_250 = tpu.memref_slice %arg11[%dma_start3A_249] : memref<4096xf32, #tpu.memory_space<vmem>> -> memref<128xf32, #tpu.memory_space<vmem>>
    %dma_start3A_251 = arith.constant 0 : i32
    %dma_start3A_252 = tpu.memref_slice %arg13[%dma_start3A_248, %dma_start3A_251] : memref<32x128xi32, #tpu.memory_space<vmem>> -> memref<1x128xi32, #tpu.memory_space<vmem>>
    %dma_start3A_253 = tpu.memref_squeeze %dma_start3A_252 : memref<1x128xi32, #tpu.memory_space<vmem>> -> memref<128xi32, #tpu.memory_space<vmem>>
    %dma_start3A_254 = arith.constant 0 : i32
    %dma_start3A_255 = tpu.memref_slice %arg6[%dma_start3A_254] : memref<131072xf32, #tpu.memory_space<hbm>> -> memref<131072xf32, #tpu.memory_space<hbm>>
    tpu.enqueue_indirect_dma source(%dma_start3A_250 : memref<128xf32, #tpu.memory_space<vmem>>) target(%dma_start3A_255 : memref<131072xf32, #tpu.memory_space<hbm>>) offsets(%dma_start3A_253 : memref<128xi32, #tpu.memory_space<vmem>>) semaphore(%arg14 : memref<!tpu.dma_semaphore, #tpu.memory_space<semaphore_mem>>)
    %dma_start3A_256 = arith.constant 31 : i32
    %dma_start3A_257 = arith.constant 3968 : i32
    %dma_start3A_258 = tpu.memref_slice %arg11[%dma_start3A_257] : memref<4096xf32, #tpu.memory_space<vmem>> -> memref<128xf32, #tpu.memory_space<vmem>>
    %dma_start3A_259 = arith.constant 0 : i32
    %dma_start3A_260 = tpu.memref_slice %arg13[%dma_start3A_256, %dma_start3A_259] : memref<32x128xi32, #tpu.memory_space<vmem>> -> memref<1x128xi32, #tpu.memory_space<vmem>>
    %dma_start3A_261 = tpu.memref_squeeze %dma_start3A_260 : memref<1x128xi32, #tpu.memory_space<vmem>> -> memref<128xi32, #tpu.memory_space<vmem>>
    %dma_start3A_262 = arith.constant 0 : i32
    %dma_start3A_263 = tpu.memref_slice %arg6[%dma_start3A_262] : memref<131072xf32, #tpu.memory_space<hbm>> -> memref<131072xf32, #tpu.memory_space<hbm>>
    tpu.enqueue_indirect_dma source(%dma_start3A_258 : memref<128xf32, #tpu.memory_space<vmem>>) target(%dma_start3A_263 : memref<131072xf32, #tpu.memory_space<hbm>>) offsets(%dma_start3A_261 : memref<128xi32, #tpu.memory_space<vmem>>) semaphore(%arg14 : memref<!tpu.dma_semaphore, #tpu.memory_space<semaphore_mem>>)
    %dma_start3A_264 = arith.constant 0 : i32
    %dma_start3A_265 = arith.constant 0 : i32
    %dma_start3A_266 = tpu.memref_slice %arg12[%dma_start3A_265] : memref<4096xi32, #tpu.memory_space<vmem>> -> memref<128xi32, #tpu.memory_space<vmem>>
    %dma_start3A_267 = arith.constant 0 : i32
    %dma_start3A_268 = tpu.memref_slice %arg13[%dma_start3A_264, %dma_start3A_267] : memref<32x128xi32, #tpu.memory_space<vmem>> -> memref<1x128xi32, #tpu.memory_space<vmem>>
    %dma_start3A_269 = tpu.memref_squeeze %dma_start3A_268 : memref<1x128xi32, #tpu.memory_space<vmem>> -> memref<128xi32, #tpu.memory_space<vmem>>
    %dma_start3A_270 = arith.constant 0 : i32
    %dma_start3A_271 = tpu.memref_slice %arg7[%dma_start3A_270] : memref<131072xi32, #tpu.memory_space<hbm>> -> memref<131072xi32, #tpu.memory_space<hbm>>
    tpu.enqueue_indirect_dma source(%dma_start3A_266 : memref<128xi32, #tpu.memory_space<vmem>>) target(%dma_start3A_271 : memref<131072xi32, #tpu.memory_space<hbm>>) offsets(%dma_start3A_269 : memref<128xi32, #tpu.memory_space<vmem>>) semaphore(%arg14 : memref<!tpu.dma_semaphore, #tpu.memory_space<semaphore_mem>>)
    %dma_start3A_272 = arith.constant 1 : i32
    %dma_start3A_273 = arith.constant 128 : i32
    %dma_start3A_274 = tpu.memref_slice %arg12[%dma_start3A_273] : memref<4096xi32, #tpu.memory_space<vmem>> -> memref<128xi32, #tpu.memory_space<vmem>>
    %dma_start3A_275 = arith.constant 0 : i32
    %dma_start3A_276 = tpu.memref_slice %arg13[%dma_start3A_272, %dma_start3A_275] : memref<32x128xi32, #tpu.memory_space<vmem>> -> memref<1x128xi32, #tpu.memory_space<vmem>>
    %dma_start3A_277 = tpu.memref_squeeze %dma_start3A_276 : memref<1x128xi32, #tpu.memory_space<vmem>> -> memref<128xi32, #tpu.memory_space<vmem>>
    %dma_start3A_278 = arith.constant 0 : i32
    %dma_start3A_279 = tpu.memref_slice %arg7[%dma_start3A_278] : memref<131072xi32, #tpu.memory_space<hbm>> -> memref<131072xi32, #tpu.memory_space<hbm>>
    tpu.enqueue_indirect_dma source(%dma_start3A_274 : memref<128xi32, #tpu.memory_space<vmem>>) target(%dma_start3A_279 : memref<131072xi32, #tpu.memory_space<hbm>>) offsets(%dma_start3A_277 : memref<128xi32, #tpu.memory_space<vmem>>) semaphore(%arg14 : memref<!tpu.dma_semaphore, #tpu.memory_space<semaphore_mem>>)
    %dma_start3A_280 = arith.constant 2 : i32
    %dma_start3A_281 = arith.constant 256 : i32
    %dma_start3A_282 = tpu.memref_slice %arg12[%dma_start3A_281] : memref<4096xi32, #tpu.memory_space<vmem>> -> memref<128xi32, #tpu.memory_space<vmem>>
    %dma_start3A_283 = arith.constant 0 : i32
    %dma_start3A_284 = tpu.memref_slice %arg13[%dma_start3A_280, %dma_start3A_283] : memref<32x128xi32, #tpu.memory_space<vmem>> -> memref<1x128xi32, #tpu.memory_space<vmem>>
    %dma_start3A_285 = tpu.memref_squeeze %dma_start3A_284 : memref<1x128xi32, #tpu.memory_space<vmem>> -> memref<128xi32, #tpu.memory_space<vmem>>
    %dma_start3A_286 = arith.constant 0 : i32
    %dma_start3A_287 = tpu.memref_slice %arg7[%dma_start3A_286] : memref<131072xi32, #tpu.memory_space<hbm>> -> memref<131072xi32, #tpu.memory_space<hbm>>
    tpu.enqueue_indirect_dma source(%dma_start3A_282 : memref<128xi32, #tpu.memory_space<vmem>>) target(%dma_start3A_287 : memref<131072xi32, #tpu.memory_space<hbm>>) offsets(%dma_start3A_285 : memref<128xi32, #tpu.memory_space<vmem>>) semaphore(%arg14 : memref<!tpu.dma_semaphore, #tpu.memory_space<semaphore_mem>>)
    %dma_start3A_288 = arith.constant 3 : i32
    %dma_start3A_289 = arith.constant 384 : i32
    %dma_start3A_290 = tpu.memref_slice %arg12[%dma_start3A_289] : memref<4096xi32, #tpu.memory_space<vmem>> -> memref<128xi32, #tpu.memory_space<vmem>>
    %dma_start3A_291 = arith.constant 0 : i32
    %dma_start3A_292 = tpu.memref_slice %arg13[%dma_start3A_288, %dma_start3A_291] : memref<32x128xi32, #tpu.memory_space<vmem>> -> memref<1x128xi32, #tpu.memory_space<vmem>>
    %dma_start3A_293 = tpu.memref_squeeze %dma_start3A_292 : memref<1x128xi32, #tpu.memory_space<vmem>> -> memref<128xi32, #tpu.memory_space<vmem>>
    %dma_start3A_294 = arith.constant 0 : i32
    %dma_start3A_295 = tpu.memref_slice %arg7[%dma_start3A_294] : memref<131072xi32, #tpu.memory_space<hbm>> -> memref<131072xi32, #tpu.memory_space<hbm>>
    tpu.enqueue_indirect_dma source(%dma_start3A_290 : memref<128xi32, #tpu.memory_space<vmem>>) target(%dma_start3A_295 : memref<131072xi32, #tpu.memory_space<hbm>>) offsets(%dma_start3A_293 : memref<128xi32, #tpu.memory_space<vmem>>) semaphore(%arg14 : memref<!tpu.dma_semaphore, #tpu.memory_space<semaphore_mem>>)
    %dma_start3A_296 = arith.constant 4 : i32
    %dma_start3A_297 = arith.constant 512 : i32
    %dma_start3A_298 = tpu.memref_slice %arg12[%dma_start3A_297] : memref<4096xi32, #tpu.memory_space<vmem>> -> memref<128xi32, #tpu.memory_space<vmem>>
    %dma_start3A_299 = arith.constant 0 : i32
    %dma_start3A_300 = tpu.memref_slice %arg13[%dma_start3A_296, %dma_start3A_299] : memref<32x128xi32, #tpu.memory_space<vmem>> -> memref<1x128xi32, #tpu.memory_space<vmem>>
    %dma_start3A_301 = tpu.memref_squeeze %dma_start3A_300 : memref<1x128xi32, #tpu.memory_space<vmem>> -> memref<128xi32, #tpu.memory_space<vmem>>
    %dma_start3A_302 = arith.constant 0 : i32
    %dma_start3A_303 = tpu.memref_slice %arg7[%dma_start3A_302] : memref<131072xi32, #tpu.memory_space<hbm>> -> memref<131072xi32, #tpu.memory_space<hbm>>
    tpu.enqueue_indirect_dma source(%dma_start3A_298 : memref<128xi32, #tpu.memory_space<vmem>>) target(%dma_start3A_303 : memref<131072xi32, #tpu.memory_space<hbm>>) offsets(%dma_start3A_301 : memref<128xi32, #tpu.memory_space<vmem>>) semaphore(%arg14 : memref<!tpu.dma_semaphore, #tpu.memory_space<semaphore_mem>>)
    %dma_start3A_304 = arith.constant 5 : i32
    %dma_start3A_305 = arith.constant 640 : i32
    %dma_start3A_306 = tpu.memref_slice %arg12[%dma_start3A_305] : memref<4096xi32, #tpu.memory_space<vmem>> -> memref<128xi32, #tpu.memory_space<vmem>>
    %dma_start3A_307 = arith.constant 0 : i32
    %dma_start3A_308 = tpu.memref_slice %arg13[%dma_start3A_304, %dma_start3A_307] : memref<32x128xi32, #tpu.memory_space<vmem>> -> memref<1x128xi32, #tpu.memory_space<vmem>>
    %dma_start3A_309 = tpu.memref_squeeze %dma_start3A_308 : memref<1x128xi32, #tpu.memory_space<vmem>> -> memref<128xi32, #tpu.memory_space<vmem>>
    %dma_start3A_310 = arith.constant 0 : i32
    %dma_start3A_311 = tpu.memref_slice %arg7[%dma_start3A_310] : memref<131072xi32, #tpu.memory_space<hbm>> -> memref<131072xi32, #tpu.memory_space<hbm>>
    tpu.enqueue_indirect_dma source(%dma_start3A_306 : memref<128xi32, #tpu.memory_space<vmem>>) target(%dma_start3A_311 : memref<131072xi32, #tpu.memory_space<hbm>>) offsets(%dma_start3A_309 : memref<128xi32, #tpu.memory_space<vmem>>) semaphore(%arg14 : memref<!tpu.dma_semaphore, #tpu.memory_space<semaphore_mem>>)
    %dma_start3A_312 = arith.constant 6 : i32
    %dma_start3A_313 = arith.constant 768 : i32
    %dma_start3A_314 = tpu.memref_slice %arg12[%dma_start3A_313] : memref<4096xi32, #tpu.memory_space<vmem>> -> memref<128xi32, #tpu.memory_space<vmem>>
    %dma_start3A_315 = arith.constant 0 : i32
    %dma_start3A_316 = tpu.memref_slice %arg13[%dma_start3A_312, %dma_start3A_315] : memref<32x128xi32, #tpu.memory_space<vmem>> -> memref<1x128xi32, #tpu.memory_space<vmem>>
    %dma_start3A_317 = tpu.memref_squeeze %dma_start3A_316 : memref<1x128xi32, #tpu.memory_space<vmem>> -> memref<128xi32, #tpu.memory_space<vmem>>
    %dma_start3A_318 = arith.constant 0 : i32
    %dma_start3A_319 = tpu.memref_slice %arg7[%dma_start3A_318] : memref<131072xi32, #tpu.memory_space<hbm>> -> memref<131072xi32, #tpu.memory_space<hbm>>
    tpu.enqueue_indirect_dma source(%dma_start3A_314 : memref<128xi32, #tpu.memory_space<vmem>>) target(%dma_start3A_319 : memref<131072xi32, #tpu.memory_space<hbm>>) offsets(%dma_start3A_317 : memref<128xi32, #tpu.memory_space<vmem>>) semaphore(%arg14 : memref<!tpu.dma_semaphore, #tpu.memory_space<semaphore_mem>>)
    %dma_start3A_320 = arith.constant 7 : i32
    %dma_start3A_321 = arith.constant 896 : i32
    %dma_start3A_322 = tpu.memref_slice %arg12[%dma_start3A_321] : memref<4096xi32, #tpu.memory_space<vmem>> -> memref<128xi32, #tpu.memory_space<vmem>>
    %dma_start3A_323 = arith.constant 0 : i32
    %dma_start3A_324 = tpu.memref_slice %arg13[%dma_start3A_320, %dma_start3A_323] : memref<32x128xi32, #tpu.memory_space<vmem>> -> memref<1x128xi32, #tpu.memory_space<vmem>>
    %dma_start3A_325 = tpu.memref_squeeze %dma_start3A_324 : memref<1x128xi32, #tpu.memory_space<vmem>> -> memref<128xi32, #tpu.memory_space<vmem>>
    %dma_start3A_326 = arith.constant 0 : i32
    %dma_start3A_327 = tpu.memref_slice %arg7[%dma_start3A_326] : memref<131072xi32, #tpu.memory_space<hbm>> -> memref<131072xi32, #tpu.memory_space<hbm>>
    tpu.enqueue_indirect_dma source(%dma_start3A_322 : memref<128xi32, #tpu.memory_space<vmem>>) target(%dma_start3A_327 : memref<131072xi32, #tpu.memory_space<hbm>>) offsets(%dma_start3A_325 : memref<128xi32, #tpu.memory_space<vmem>>) semaphore(%arg14 : memref<!tpu.dma_semaphore, #tpu.memory_space<semaphore_mem>>)
    %dma_start3A_328 = arith.constant 8 : i32
    %dma_start3A_329 = arith.constant 1024 : i32
    %dma_start3A_330 = tpu.memref_slice %arg12[%dma_start3A_329] : memref<4096xi32, #tpu.memory_space<vmem>> -> memref<128xi32, #tpu.memory_space<vmem>>
    %dma_start3A_331 = arith.constant 0 : i32
    %dma_start3A_332 = tpu.memref_slice %arg13[%dma_start3A_328, %dma_start3A_331] : memref<32x128xi32, #tpu.memory_space<vmem>> -> memref<1x128xi32, #tpu.memory_space<vmem>>
    %dma_start3A_333 = tpu.memref_squeeze %dma_start3A_332 : memref<1x128xi32, #tpu.memory_space<vmem>> -> memref<128xi32, #tpu.memory_space<vmem>>
    %dma_start3A_334 = arith.constant 0 : i32
    %dma_start3A_335 = tpu.memref_slice %arg7[%dma_start3A_334] : memref<131072xi32, #tpu.memory_space<hbm>> -> memref<131072xi32, #tpu.memory_space<hbm>>
    tpu.enqueue_indirect_dma source(%dma_start3A_330 : memref<128xi32, #tpu.memory_space<vmem>>) target(%dma_start3A_335 : memref<131072xi32, #tpu.memory_space<hbm>>) offsets(%dma_start3A_333 : memref<128xi32, #tpu.memory_space<vmem>>) semaphore(%arg14 : memref<!tpu.dma_semaphore, #tpu.memory_space<semaphore_mem>>)
    %dma_start3A_336 = arith.constant 9 : i32
    %dma_start3A_337 = arith.constant 1152 : i32
    %dma_start3A_338 = tpu.memref_slice %arg12[%dma_start3A_337] : memref<4096xi32, #tpu.memory_space<vmem>> -> memref<128xi32, #tpu.memory_space<vmem>>
    %dma_start3A_339 = arith.constant 0 : i32
    %dma_start3A_340 = tpu.memref_slice %arg13[%dma_start3A_336, %dma_start3A_339] : memref<32x128xi32, #tpu.memory_space<vmem>> -> memref<1x128xi32, #tpu.memory_space<vmem>>
    %dma_start3A_341 = tpu.memref_squeeze %dma_start3A_340 : memref<1x128xi32, #tpu.memory_space<vmem>> -> memref<128xi32, #tpu.memory_space<vmem>>
    %dma_start3A_342 = arith.constant 0 : i32
    %dma_start3A_343 = tpu.memref_slice %arg7[%dma_start3A_342] : memref<131072xi32, #tpu.memory_space<hbm>> -> memref<131072xi32, #tpu.memory_space<hbm>>
    tpu.enqueue_indirect_dma source(%dma_start3A_338 : memref<128xi32, #tpu.memory_space<vmem>>) target(%dma_start3A_343 : memref<131072xi32, #tpu.memory_space<hbm>>) offsets(%dma_start3A_341 : memref<128xi32, #tpu.memory_space<vmem>>) semaphore(%arg14 : memref<!tpu.dma_semaphore, #tpu.memory_space<semaphore_mem>>)
    %dma_start3A_344 = arith.constant 10 : i32
    %dma_start3A_345 = arith.constant 1280 : i32
    %dma_start3A_346 = tpu.memref_slice %arg12[%dma_start3A_345] : memref<4096xi32, #tpu.memory_space<vmem>> -> memref<128xi32, #tpu.memory_space<vmem>>
    %dma_start3A_347 = arith.constant 0 : i32
    %dma_start3A_348 = tpu.memref_slice %arg13[%dma_start3A_344, %dma_start3A_347] : memref<32x128xi32, #tpu.memory_space<vmem>> -> memref<1x128xi32, #tpu.memory_space<vmem>>
    %dma_start3A_349 = tpu.memref_squeeze %dma_start3A_348 : memref<1x128xi32, #tpu.memory_space<vmem>> -> memref<128xi32, #tpu.memory_space<vmem>>
    %dma_start3A_350 = arith.constant 0 : i32
    %dma_start3A_351 = tpu.memref_slice %arg7[%dma_start3A_350] : memref<131072xi32, #tpu.memory_space<hbm>> -> memref<131072xi32, #tpu.memory_space<hbm>>
    tpu.enqueue_indirect_dma source(%dma_start3A_346 : memref<128xi32, #tpu.memory_space<vmem>>) target(%dma_start3A_351 : memref<131072xi32, #tpu.memory_space<hbm>>) offsets(%dma_start3A_349 : memref<128xi32, #tpu.memory_space<vmem>>) semaphore(%arg14 : memref<!tpu.dma_semaphore, #tpu.memory_space<semaphore_mem>>)
    %dma_start3A_352 = arith.constant 11 : i32
    %dma_start3A_353 = arith.constant 1408 : i32
    %dma_start3A_354 = tpu.memref_slice %arg12[%dma_start3A_353] : memref<4096xi32, #tpu.memory_space<vmem>> -> memref<128xi32, #tpu.memory_space<vmem>>
    %dma_start3A_355 = arith.constant 0 : i32
    %dma_start3A_356 = tpu.memref_slice %arg13[%dma_start3A_352, %dma_start3A_355] : memref<32x128xi32, #tpu.memory_space<vmem>> -> memref<1x128xi32, #tpu.memory_space<vmem>>
    %dma_start3A_357 = tpu.memref_squeeze %dma_start3A_356 : memref<1x128xi32, #tpu.memory_space<vmem>> -> memref<128xi32, #tpu.memory_space<vmem>>
    %dma_start3A_358 = arith.constant 0 : i32
    %dma_start3A_359 = tpu.memref_slice %arg7[%dma_start3A_358] : memref<131072xi32, #tpu.memory_space<hbm>> -> memref<131072xi32, #tpu.memory_space<hbm>>
    tpu.enqueue_indirect_dma source(%dma_start3A_354 : memref<128xi32, #tpu.memory_space<vmem>>) target(%dma_start3A_359 : memref<131072xi32, #tpu.memory_space<hbm>>) offsets(%dma_start3A_357 : memref<128xi32, #tpu.memory_space<vmem>>) semaphore(%arg14 : memref<!tpu.dma_semaphore, #tpu.memory_space<semaphore_mem>>)
    %dma_start3A_360 = arith.constant 12 : i32
    %dma_start3A_361 = arith.constant 1536 : i32
    %dma_start3A_362 = tpu.memref_slice %arg12[%dma_start3A_361] : memref<4096xi32, #tpu.memory_space<vmem>> -> memref<128xi32, #tpu.memory_space<vmem>>
    %dma_start3A_363 = arith.constant 0 : i32
    %dma_start3A_364 = tpu.memref_slice %arg13[%dma_start3A_360, %dma_start3A_363] : memref<32x128xi32, #tpu.memory_space<vmem>> -> memref<1x128xi32, #tpu.memory_space<vmem>>
    %dma_start3A_365 = tpu.memref_squeeze %dma_start3A_364 : memref<1x128xi32, #tpu.memory_space<vmem>> -> memref<128xi32, #tpu.memory_space<vmem>>
    %dma_start3A_366 = arith.constant 0 : i32
    %dma_start3A_367 = tpu.memref_slice %arg7[%dma_start3A_366] : memref<131072xi32, #tpu.memory_space<hbm>> -> memref<131072xi32, #tpu.memory_space<hbm>>
    tpu.enqueue_indirect_dma source(%dma_start3A_362 : memref<128xi32, #tpu.memory_space<vmem>>) target(%dma_start3A_367 : memref<131072xi32, #tpu.memory_space<hbm>>) offsets(%dma_start3A_365 : memref<128xi32, #tpu.memory_space<vmem>>) semaphore(%arg14 : memref<!tpu.dma_semaphore, #tpu.memory_space<semaphore_mem>>)
    %dma_start3A_368 = arith.constant 13 : i32
    %dma_start3A_369 = arith.constant 1664 : i32
    %dma_start3A_370 = tpu.memref_slice %arg12[%dma_start3A_369] : memref<4096xi32, #tpu.memory_space<vmem>> -> memref<128xi32, #tpu.memory_space<vmem>>
    %dma_start3A_371 = arith.constant 0 : i32
    %dma_start3A_372 = tpu.memref_slice %arg13[%dma_start3A_368, %dma_start3A_371] : memref<32x128xi32, #tpu.memory_space<vmem>> -> memref<1x128xi32, #tpu.memory_space<vmem>>
    %dma_start3A_373 = tpu.memref_squeeze %dma_start3A_372 : memref<1x128xi32, #tpu.memory_space<vmem>> -> memref<128xi32, #tpu.memory_space<vmem>>
    %dma_start3A_374 = arith.constant 0 : i32
    %dma_start3A_375 = tpu.memref_slice %arg7[%dma_start3A_374] : memref<131072xi32, #tpu.memory_space<hbm>> -> memref<131072xi32, #tpu.memory_space<hbm>>
    tpu.enqueue_indirect_dma source(%dma_start3A_370 : memref<128xi32, #tpu.memory_space<vmem>>) target(%dma_start3A_375 : memref<131072xi32, #tpu.memory_space<hbm>>) offsets(%dma_start3A_373 : memref<128xi32, #tpu.memory_space<vmem>>) semaphore(%arg14 : memref<!tpu.dma_semaphore, #tpu.memory_space<semaphore_mem>>)
    %dma_start3A_376 = arith.constant 14 : i32
    %dma_start3A_377 = arith.constant 1792 : i32
    %dma_start3A_378 = tpu.memref_slice %arg12[%dma_start3A_377] : memref<4096xi32, #tpu.memory_space<vmem>> -> memref<128xi32, #tpu.memory_space<vmem>>
    %dma_start3A_379 = arith.constant 0 : i32
    %dma_start3A_380 = tpu.memref_slice %arg13[%dma_start3A_376, %dma_start3A_379] : memref<32x128xi32, #tpu.memory_space<vmem>> -> memref<1x128xi32, #tpu.memory_space<vmem>>
    %dma_start3A_381 = tpu.memref_squeeze %dma_start3A_380 : memref<1x128xi32, #tpu.memory_space<vmem>> -> memref<128xi32, #tpu.memory_space<vmem>>
    %dma_start3A_382 = arith.constant 0 : i32
    %dma_start3A_383 = tpu.memref_slice %arg7[%dma_start3A_382] : memref<131072xi32, #tpu.memory_space<hbm>> -> memref<131072xi32, #tpu.memory_space<hbm>>
    tpu.enqueue_indirect_dma source(%dma_start3A_378 : memref<128xi32, #tpu.memory_space<vmem>>) target(%dma_start3A_383 : memref<131072xi32, #tpu.memory_space<hbm>>) offsets(%dma_start3A_381 : memref<128xi32, #tpu.memory_space<vmem>>) semaphore(%arg14 : memref<!tpu.dma_semaphore, #tpu.memory_space<semaphore_mem>>)
    %dma_start3A_384 = arith.constant 15 : i32
    %dma_start3A_385 = arith.constant 1920 : i32
    %dma_start3A_386 = tpu.memref_slice %arg12[%dma_start3A_385] : memref<4096xi32, #tpu.memory_space<vmem>> -> memref<128xi32, #tpu.memory_space<vmem>>
    %dma_start3A_387 = arith.constant 0 : i32
    %dma_start3A_388 = tpu.memref_slice %arg13[%dma_start3A_384, %dma_start3A_387] : memref<32x128xi32, #tpu.memory_space<vmem>> -> memref<1x128xi32, #tpu.memory_space<vmem>>
    %dma_start3A_389 = tpu.memref_squeeze %dma_start3A_388 : memref<1x128xi32, #tpu.memory_space<vmem>> -> memref<128xi32, #tpu.memory_space<vmem>>
    %dma_start3A_390 = arith.constant 0 : i32
    %dma_start3A_391 = tpu.memref_slice %arg7[%dma_start3A_390] : memref<131072xi32, #tpu.memory_space<hbm>> -> memref<131072xi32, #tpu.memory_space<hbm>>
    tpu.enqueue_indirect_dma source(%dma_start3A_386 : memref<128xi32, #tpu.memory_space<vmem>>) target(%dma_start3A_391 : memref<131072xi32, #tpu.memory_space<hbm>>) offsets(%dma_start3A_389 : memref<128xi32, #tpu.memory_space<vmem>>) semaphore(%arg14 : memref<!tpu.dma_semaphore, #tpu.memory_space<semaphore_mem>>)
    %dma_start3A_392 = arith.constant 16 : i32
    %dma_start3A_393 = arith.constant 2048 : i32
    %dma_start3A_394 = tpu.memref_slice %arg12[%dma_start3A_393] : memref<4096xi32, #tpu.memory_space<vmem>> -> memref<128xi32, #tpu.memory_space<vmem>>
    %dma_start3A_395 = arith.constant 0 : i32
    %dma_start3A_396 = tpu.memref_slice %arg13[%dma_start3A_392, %dma_start3A_395] : memref<32x128xi32, #tpu.memory_space<vmem>> -> memref<1x128xi32, #tpu.memory_space<vmem>>
    %dma_start3A_397 = tpu.memref_squeeze %dma_start3A_396 : memref<1x128xi32, #tpu.memory_space<vmem>> -> memref<128xi32, #tpu.memory_space<vmem>>
    %dma_start3A_398 = arith.constant 0 : i32
    %dma_start3A_399 = tpu.memref_slice %arg7[%dma_start3A_398] : memref<131072xi32, #tpu.memory_space<hbm>> -> memref<131072xi32, #tpu.memory_space<hbm>>
    tpu.enqueue_indirect_dma source(%dma_start3A_394 : memref<128xi32, #tpu.memory_space<vmem>>) target(%dma_start3A_399 : memref<131072xi32, #tpu.memory_space<hbm>>) offsets(%dma_start3A_397 : memref<128xi32, #tpu.memory_space<vmem>>) semaphore(%arg14 : memref<!tpu.dma_semaphore, #tpu.memory_space<semaphore_mem>>)
    %dma_start3A_400 = arith.constant 17 : i32
    %dma_start3A_401 = arith.constant 2176 : i32
    %dma_start3A_402 = tpu.memref_slice %arg12[%dma_start3A_401] : memref<4096xi32, #tpu.memory_space<vmem>> -> memref<128xi32, #tpu.memory_space<vmem>>
    %dma_start3A_403 = arith.constant 0 : i32
    %dma_start3A_404 = tpu.memref_slice %arg13[%dma_start3A_400, %dma_start3A_403] : memref<32x128xi32, #tpu.memory_space<vmem>> -> memref<1x128xi32, #tpu.memory_space<vmem>>
    %dma_start3A_405 = tpu.memref_squeeze %dma_start3A_404 : memref<1x128xi32, #tpu.memory_space<vmem>> -> memref<128xi32, #tpu.memory_space<vmem>>
    %dma_start3A_406 = arith.constant 0 : i32
    %dma_start3A_407 = tpu.memref_slice %arg7[%dma_start3A_406] : memref<131072xi32, #tpu.memory_space<hbm>> -> memref<131072xi32, #tpu.memory_space<hbm>>
    tpu.enqueue_indirect_dma source(%dma_start3A_402 : memref<128xi32, #tpu.memory_space<vmem>>) target(%dma_start3A_407 : memref<131072xi32, #tpu.memory_space<hbm>>) offsets(%dma_start3A_405 : memref<128xi32, #tpu.memory_space<vmem>>) semaphore(%arg14 : memref<!tpu.dma_semaphore, #tpu.memory_space<semaphore_mem>>)
    %dma_start3A_408 = arith.constant 18 : i32
    %dma_start3A_409 = arith.constant 2304 : i32
    %dma_start3A_410 = tpu.memref_slice %arg12[%dma_start3A_409] : memref<4096xi32, #tpu.memory_space<vmem>> -> memref<128xi32, #tpu.memory_space<vmem>>
    %dma_start3A_411 = arith.constant 0 : i32
    %dma_start3A_412 = tpu.memref_slice %arg13[%dma_start3A_408, %dma_start3A_411] : memref<32x128xi32, #tpu.memory_space<vmem>> -> memref<1x128xi32, #tpu.memory_space<vmem>>
    %dma_start3A_413 = tpu.memref_squeeze %dma_start3A_412 : memref<1x128xi32, #tpu.memory_space<vmem>> -> memref<128xi32, #tpu.memory_space<vmem>>
    %dma_start3A_414 = arith.constant 0 : i32
    %dma_start3A_415 = tpu.memref_slice %arg7[%dma_start3A_414] : memref<131072xi32, #tpu.memory_space<hbm>> -> memref<131072xi32, #tpu.memory_space<hbm>>
    tpu.enqueue_indirect_dma source(%dma_start3A_410 : memref<128xi32, #tpu.memory_space<vmem>>) target(%dma_start3A_415 : memref<131072xi32, #tpu.memory_space<hbm>>) offsets(%dma_start3A_413 : memref<128xi32, #tpu.memory_space<vmem>>) semaphore(%arg14 : memref<!tpu.dma_semaphore, #tpu.memory_space<semaphore_mem>>)
    %dma_start3A_416 = arith.constant 19 : i32
    %dma_start3A_417 = arith.constant 2432 : i32
    %dma_start3A_418 = tpu.memref_slice %arg12[%dma_start3A_417] : memref<4096xi32, #tpu.memory_space<vmem>> -> memref<128xi32, #tpu.memory_space<vmem>>
    %dma_start3A_419 = arith.constant 0 : i32
    %dma_start3A_420 = tpu.memref_slice %arg13[%dma_start3A_416, %dma_start3A_419] : memref<32x128xi32, #tpu.memory_space<vmem>> -> memref<1x128xi32, #tpu.memory_space<vmem>>
    %dma_start3A_421 = tpu.memref_squeeze %dma_start3A_420 : memref<1x128xi32, #tpu.memory_space<vmem>> -> memref<128xi32, #tpu.memory_space<vmem>>
    %dma_start3A_422 = arith.constant 0 : i32
    %dma_start3A_423 = tpu.memref_slice %arg7[%dma_start3A_422] : memref<131072xi32, #tpu.memory_space<hbm>> -> memref<131072xi32, #tpu.memory_space<hbm>>
    tpu.enqueue_indirect_dma source(%dma_start3A_418 : memref<128xi32, #tpu.memory_space<vmem>>) target(%dma_start3A_423 : memref<131072xi32, #tpu.memory_space<hbm>>) offsets(%dma_start3A_421 : memref<128xi32, #tpu.memory_space<vmem>>) semaphore(%arg14 : memref<!tpu.dma_semaphore, #tpu.memory_space<semaphore_mem>>)
    %dma_start3A_424 = arith.constant 20 : i32
    %dma_start3A_425 = arith.constant 2560 : i32
    %dma_start3A_426 = tpu.memref_slice %arg12[%dma_start3A_425] : memref<4096xi32, #tpu.memory_space<vmem>> -> memref<128xi32, #tpu.memory_space<vmem>>
    %dma_start3A_427 = arith.constant 0 : i32
    %dma_start3A_428 = tpu.memref_slice %arg13[%dma_start3A_424, %dma_start3A_427] : memref<32x128xi32, #tpu.memory_space<vmem>> -> memref<1x128xi32, #tpu.memory_space<vmem>>
    %dma_start3A_429 = tpu.memref_squeeze %dma_start3A_428 : memref<1x128xi32, #tpu.memory_space<vmem>> -> memref<128xi32, #tpu.memory_space<vmem>>
    %dma_start3A_430 = arith.constant 0 : i32
    %dma_start3A_431 = tpu.memref_slice %arg7[%dma_start3A_430] : memref<131072xi32, #tpu.memory_space<hbm>> -> memref<131072xi32, #tpu.memory_space<hbm>>
    tpu.enqueue_indirect_dma source(%dma_start3A_426 : memref<128xi32, #tpu.memory_space<vmem>>) target(%dma_start3A_431 : memref<131072xi32, #tpu.memory_space<hbm>>) offsets(%dma_start3A_429 : memref<128xi32, #tpu.memory_space<vmem>>) semaphore(%arg14 : memref<!tpu.dma_semaphore, #tpu.memory_space<semaphore_mem>>)
    %dma_start3A_432 = arith.constant 21 : i32
    %dma_start3A_433 = arith.constant 2688 : i32
    %dma_start3A_434 = tpu.memref_slice %arg12[%dma_start3A_433] : memref<4096xi32, #tpu.memory_space<vmem>> -> memref<128xi32, #tpu.memory_space<vmem>>
    %dma_start3A_435 = arith.constant 0 : i32
    %dma_start3A_436 = tpu.memref_slice %arg13[%dma_start3A_432, %dma_start3A_435] : memref<32x128xi32, #tpu.memory_space<vmem>> -> memref<1x128xi32, #tpu.memory_space<vmem>>
    %dma_start3A_437 = tpu.memref_squeeze %dma_start3A_436 : memref<1x128xi32, #tpu.memory_space<vmem>> -> memref<128xi32, #tpu.memory_space<vmem>>
    %dma_start3A_438 = arith.constant 0 : i32
    %dma_start3A_439 = tpu.memref_slice %arg7[%dma_start3A_438] : memref<131072xi32, #tpu.memory_space<hbm>> -> memref<131072xi32, #tpu.memory_space<hbm>>
    tpu.enqueue_indirect_dma source(%dma_start3A_434 : memref<128xi32, #tpu.memory_space<vmem>>) target(%dma_start3A_439 : memref<131072xi32, #tpu.memory_space<hbm>>) offsets(%dma_start3A_437 : memref<128xi32, #tpu.memory_space<vmem>>) semaphore(%arg14 : memref<!tpu.dma_semaphore, #tpu.memory_space<semaphore_mem>>)
    %dma_start3A_440 = arith.constant 22 : i32
    %dma_start3A_441 = arith.constant 2816 : i32
    %dma_start3A_442 = tpu.memref_slice %arg12[%dma_start3A_441] : memref<4096xi32, #tpu.memory_space<vmem>> -> memref<128xi32, #tpu.memory_space<vmem>>
    %dma_start3A_443 = arith.constant 0 : i32
    %dma_start3A_444 = tpu.memref_slice %arg13[%dma_start3A_440, %dma_start3A_443] : memref<32x128xi32, #tpu.memory_space<vmem>> -> memref<1x128xi32, #tpu.memory_space<vmem>>
    %dma_start3A_445 = tpu.memref_squeeze %dma_start3A_444 : memref<1x128xi32, #tpu.memory_space<vmem>> -> memref<128xi32, #tpu.memory_space<vmem>>
    %dma_start3A_446 = arith.constant 0 : i32
    %dma_start3A_447 = tpu.memref_slice %arg7[%dma_start3A_446] : memref<131072xi32, #tpu.memory_space<hbm>> -> memref<131072xi32, #tpu.memory_space<hbm>>
    tpu.enqueue_indirect_dma source(%dma_start3A_442 : memref<128xi32, #tpu.memory_space<vmem>>) target(%dma_start3A_447 : memref<131072xi32, #tpu.memory_space<hbm>>) offsets(%dma_start3A_445 : memref<128xi32, #tpu.memory_space<vmem>>) semaphore(%arg14 : memref<!tpu.dma_semaphore, #tpu.memory_space<semaphore_mem>>)
    %dma_start3A_448 = arith.constant 23 : i32
    %dma_start3A_449 = arith.constant 2944 : i32
    %dma_start3A_450 = tpu.memref_slice %arg12[%dma_start3A_449] : memref<4096xi32, #tpu.memory_space<vmem>> -> memref<128xi32, #tpu.memory_space<vmem>>
    %dma_start3A_451 = arith.constant 0 : i32
    %dma_start3A_452 = tpu.memref_slice %arg13[%dma_start3A_448, %dma_start3A_451] : memref<32x128xi32, #tpu.memory_space<vmem>> -> memref<1x128xi32, #tpu.memory_space<vmem>>
    %dma_start3A_453 = tpu.memref_squeeze %dma_start3A_452 : memref<1x128xi32, #tpu.memory_space<vmem>> -> memref<128xi32, #tpu.memory_space<vmem>>
    %dma_start3A_454 = arith.constant 0 : i32
    %dma_start3A_455 = tpu.memref_slice %arg7[%dma_start3A_454] : memref<131072xi32, #tpu.memory_space<hbm>> -> memref<131072xi32, #tpu.memory_space<hbm>>
    tpu.enqueue_indirect_dma source(%dma_start3A_450 : memref<128xi32, #tpu.memory_space<vmem>>) target(%dma_start3A_455 : memref<131072xi32, #tpu.memory_space<hbm>>) offsets(%dma_start3A_453 : memref<128xi32, #tpu.memory_space<vmem>>) semaphore(%arg14 : memref<!tpu.dma_semaphore, #tpu.memory_space<semaphore_mem>>)
    %dma_start3A_456 = arith.constant 24 : i32
    %dma_start3A_457 = arith.constant 3072 : i32
    %dma_start3A_458 = tpu.memref_slice %arg12[%dma_start3A_457] : memref<4096xi32, #tpu.memory_space<vmem>> -> memref<128xi32, #tpu.memory_space<vmem>>
    %dma_start3A_459 = arith.constant 0 : i32
    %dma_start3A_460 = tpu.memref_slice %arg13[%dma_start3A_456, %dma_start3A_459] : memref<32x128xi32, #tpu.memory_space<vmem>> -> memref<1x128xi32, #tpu.memory_space<vmem>>
    %dma_start3A_461 = tpu.memref_squeeze %dma_start3A_460 : memref<1x128xi32, #tpu.memory_space<vmem>> -> memref<128xi32, #tpu.memory_space<vmem>>
    %dma_start3A_462 = arith.constant 0 : i32
    %dma_start3A_463 = tpu.memref_slice %arg7[%dma_start3A_462] : memref<131072xi32, #tpu.memory_space<hbm>> -> memref<131072xi32, #tpu.memory_space<hbm>>
    tpu.enqueue_indirect_dma source(%dma_start3A_458 : memref<128xi32, #tpu.memory_space<vmem>>) target(%dma_start3A_463 : memref<131072xi32, #tpu.memory_space<hbm>>) offsets(%dma_start3A_461 : memref<128xi32, #tpu.memory_space<vmem>>) semaphore(%arg14 : memref<!tpu.dma_semaphore, #tpu.memory_space<semaphore_mem>>)
    %dma_start3A_464 = arith.constant 25 : i32
    %dma_start3A_465 = arith.constant 3200 : i32
    %dma_start3A_466 = tpu.memref_slice %arg12[%dma_start3A_465] : memref<4096xi32, #tpu.memory_space<vmem>> -> memref<128xi32, #tpu.memory_space<vmem>>
    %dma_start3A_467 = arith.constant 0 : i32
    %dma_start3A_468 = tpu.memref_slice %arg13[%dma_start3A_464, %dma_start3A_467] : memref<32x128xi32, #tpu.memory_space<vmem>> -> memref<1x128xi32, #tpu.memory_space<vmem>>
    %dma_start3A_469 = tpu.memref_squeeze %dma_start3A_468 : memref<1x128xi32, #tpu.memory_space<vmem>> -> memref<128xi32, #tpu.memory_space<vmem>>
    %dma_start3A_470 = arith.constant 0 : i32
    %dma_start3A_471 = tpu.memref_slice %arg7[%dma_start3A_470] : memref<131072xi32, #tpu.memory_space<hbm>> -> memref<131072xi32, #tpu.memory_space<hbm>>
    tpu.enqueue_indirect_dma source(%dma_start3A_466 : memref<128xi32, #tpu.memory_space<vmem>>) target(%dma_start3A_471 : memref<131072xi32, #tpu.memory_space<hbm>>) offsets(%dma_start3A_469 : memref<128xi32, #tpu.memory_space<vmem>>) semaphore(%arg14 : memref<!tpu.dma_semaphore, #tpu.memory_space<semaphore_mem>>)
    %dma_start3A_472 = arith.constant 26 : i32
    %dma_start3A_473 = arith.constant 3328 : i32
    %dma_start3A_474 = tpu.memref_slice %arg12[%dma_start3A_473] : memref<4096xi32, #tpu.memory_space<vmem>> -> memref<128xi32, #tpu.memory_space<vmem>>
    %dma_start3A_475 = arith.constant 0 : i32
    %dma_start3A_476 = tpu.memref_slice %arg13[%dma_start3A_472, %dma_start3A_475] : memref<32x128xi32, #tpu.memory_space<vmem>> -> memref<1x128xi32, #tpu.memory_space<vmem>>
    %dma_start3A_477 = tpu.memref_squeeze %dma_start3A_476 : memref<1x128xi32, #tpu.memory_space<vmem>> -> memref<128xi32, #tpu.memory_space<vmem>>
    %dma_start3A_478 = arith.constant 0 : i32
    %dma_start3A_479 = tpu.memref_slice %arg7[%dma_start3A_478] : memref<131072xi32, #tpu.memory_space<hbm>> -> memref<131072xi32, #tpu.memory_space<hbm>>
    tpu.enqueue_indirect_dma source(%dma_start3A_474 : memref<128xi32, #tpu.memory_space<vmem>>) target(%dma_start3A_479 : memref<131072xi32, #tpu.memory_space<hbm>>) offsets(%dma_start3A_477 : memref<128xi32, #tpu.memory_space<vmem>>) semaphore(%arg14 : memref<!tpu.dma_semaphore, #tpu.memory_space<semaphore_mem>>)
    %dma_start3A_480 = arith.constant 27 : i32
    %dma_start3A_481 = arith.constant 3456 : i32
    %dma_start3A_482 = tpu.memref_slice %arg12[%dma_start3A_481] : memref<4096xi32, #tpu.memory_space<vmem>> -> memref<128xi32, #tpu.memory_space<vmem>>
    %dma_start3A_483 = arith.constant 0 : i32
    %dma_start3A_484 = tpu.memref_slice %arg13[%dma_start3A_480, %dma_start3A_483] : memref<32x128xi32, #tpu.memory_space<vmem>> -> memref<1x128xi32, #tpu.memory_space<vmem>>
    %dma_start3A_485 = tpu.memref_squeeze %dma_start3A_484 : memref<1x128xi32, #tpu.memory_space<vmem>> -> memref<128xi32, #tpu.memory_space<vmem>>
    %dma_start3A_486 = arith.constant 0 : i32
    %dma_start3A_487 = tpu.memref_slice %arg7[%dma_start3A_486] : memref<131072xi32, #tpu.memory_space<hbm>> -> memref<131072xi32, #tpu.memory_space<hbm>>
    tpu.enqueue_indirect_dma source(%dma_start3A_482 : memref<128xi32, #tpu.memory_space<vmem>>) target(%dma_start3A_487 : memref<131072xi32, #tpu.memory_space<hbm>>) offsets(%dma_start3A_485 : memref<128xi32, #tpu.memory_space<vmem>>) semaphore(%arg14 : memref<!tpu.dma_semaphore, #tpu.memory_space<semaphore_mem>>)
    %dma_start3A_488 = arith.constant 28 : i32
    %dma_start3A_489 = arith.constant 3584 : i32
    %dma_start3A_490 = tpu.memref_slice %arg12[%dma_start3A_489] : memref<4096xi32, #tpu.memory_space<vmem>> -> memref<128xi32, #tpu.memory_space<vmem>>
    %dma_start3A_491 = arith.constant 0 : i32
    %dma_start3A_492 = tpu.memref_slice %arg13[%dma_start3A_488, %dma_start3A_491] : memref<32x128xi32, #tpu.memory_space<vmem>> -> memref<1x128xi32, #tpu.memory_space<vmem>>
    %dma_start3A_493 = tpu.memref_squeeze %dma_start3A_492 : memref<1x128xi32, #tpu.memory_space<vmem>> -> memref<128xi32, #tpu.memory_space<vmem>>
    %dma_start3A_494 = arith.constant 0 : i32
    %dma_start3A_495 = tpu.memref_slice %arg7[%dma_start3A_494] : memref<131072xi32, #tpu.memory_space<hbm>> -> memref<131072xi32, #tpu.memory_space<hbm>>
    tpu.enqueue_indirect_dma source(%dma_start3A_490 : memref<128xi32, #tpu.memory_space<vmem>>) target(%dma_start3A_495 : memref<131072xi32, #tpu.memory_space<hbm>>) offsets(%dma_start3A_493 : memref<128xi32, #tpu.memory_space<vmem>>) semaphore(%arg14 : memref<!tpu.dma_semaphore, #tpu.memory_space<semaphore_mem>>)
    %dma_start3A_496 = arith.constant 29 : i32
    %dma_start3A_497 = arith.constant 3712 : i32
    %dma_start3A_498 = tpu.memref_slice %arg12[%dma_start3A_497] : memref<4096xi32, #tpu.memory_space<vmem>> -> memref<128xi32, #tpu.memory_space<vmem>>
    %dma_start3A_499 = arith.constant 0 : i32
    %dma_start3A_500 = tpu.memref_slice %arg13[%dma_start3A_496, %dma_start3A_499] : memref<32x128xi32, #tpu.memory_space<vmem>> -> memref<1x128xi32, #tpu.memory_space<vmem>>
    %dma_start3A_501 = tpu.memref_squeeze %dma_start3A_500 : memref<1x128xi32, #tpu.memory_space<vmem>> -> memref<128xi32, #tpu.memory_space<vmem>>
    %dma_start3A_502 = arith.constant 0 : i32
    %dma_start3A_503 = tpu.memref_slice %arg7[%dma_start3A_502] : memref<131072xi32, #tpu.memory_space<hbm>> -> memref<131072xi32, #tpu.memory_space<hbm>>
    tpu.enqueue_indirect_dma source(%dma_start3A_498 : memref<128xi32, #tpu.memory_space<vmem>>) target(%dma_start3A_503 : memref<131072xi32, #tpu.memory_space<hbm>>) offsets(%dma_start3A_501 : memref<128xi32, #tpu.memory_space<vmem>>) semaphore(%arg14 : memref<!tpu.dma_semaphore, #tpu.memory_space<semaphore_mem>>)
    %dma_start3A_504 = arith.constant 30 : i32
    %dma_start3A_505 = arith.constant 3840 : i32
    %dma_start3A_506 = tpu.memref_slice %arg12[%dma_start3A_505] : memref<4096xi32, #tpu.memory_space<vmem>> -> memref<128xi32, #tpu.memory_space<vmem>>
    %dma_start3A_507 = arith.constant 0 : i32
    %dma_start3A_508 = tpu.memref_slice %arg13[%dma_start3A_504, %dma_start3A_507] : memref<32x128xi32, #tpu.memory_space<vmem>> -> memref<1x128xi32, #tpu.memory_space<vmem>>
    %dma_start3A_509 = tpu.memref_squeeze %dma_start3A_508 : memref<1x128xi32, #tpu.memory_space<vmem>> -> memref<128xi32, #tpu.memory_space<vmem>>
    %dma_start3A_510 = arith.constant 0 : i32
    %dma_start3A_511 = tpu.memref_slice %arg7[%dma_start3A_510] : memref<131072xi32, #tpu.memory_space<hbm>> -> memref<131072xi32, #tpu.memory_space<hbm>>
    tpu.enqueue_indirect_dma source(%dma_start3A_506 : memref<128xi32, #tpu.memory_space<vmem>>) target(%dma_start3A_511 : memref<131072xi32, #tpu.memory_space<hbm>>) offsets(%dma_start3A_509 : memref<128xi32, #tpu.memory_space<vmem>>) semaphore(%arg14 : memref<!tpu.dma_semaphore, #tpu.memory_space<semaphore_mem>>)
    %dma_start3A_512 = arith.constant 31 : i32
    %dma_start3A_513 = arith.constant 3968 : i32
    %dma_start3A_514 = tpu.memref_slice %arg12[%dma_start3A_513] : memref<4096xi32, #tpu.memory_space<vmem>> -> memref<128xi32, #tpu.memory_space<vmem>>
    %dma_start3A_515 = arith.constant 0 : i32
    %dma_start3A_516 = tpu.memref_slice %arg13[%dma_start3A_512, %dma_start3A_515] : memref<32x128xi32, #tpu.memory_space<vmem>> -> memref<1x128xi32, #tpu.memory_space<vmem>>
    %dma_start3A_517 = tpu.memref_squeeze %dma_start3A_516 : memref<1x128xi32, #tpu.memory_space<vmem>> -> memref<128xi32, #tpu.memory_space<vmem>>
    %dma_start3A_518 = arith.constant 0 : i32
    %dma_start3A_519 = tpu.memref_slice %arg7[%dma_start3A_518] : memref<131072xi32, #tpu.memory_space<hbm>> -> memref<131072xi32, #tpu.memory_space<hbm>>
    tpu.enqueue_indirect_dma source(%dma_start3A_514 : memref<128xi32, #tpu.memory_space<vmem>>) target(%dma_start3A_519 : memref<131072xi32, #tpu.memory_space<hbm>>) offsets(%dma_start3A_517 : memref<128xi32, #tpu.memory_space<vmem>>) semaphore(%arg14 : memref<!tpu.dma_semaphore, #tpu.memory_space<semaphore_mem>>)
    %dma_wait3A = arith.constant 0 : i32
    %dma_wait3A_520 = arith.constant 0 : i32
    %dma_wait3A_521 = tpu.memref_slice %arg11[%dma_wait3A_520] : memref<4096xf32, #tpu.memory_space<vmem>> -> memref<128xf32, #tpu.memory_space<vmem>>
    %dma_wait3A_522 = arith.constant 0 : i32
    %dma_wait3A_523 = tpu.memref_slice %arg13[%dma_wait3A, %dma_wait3A_522] : memref<32x128xi32, #tpu.memory_space<vmem>> -> memref<1x128xi32, #tpu.memory_space<vmem>>
    %dma_wait3A_524 = tpu.memref_squeeze %dma_wait3A_523 : memref<1x128xi32, #tpu.memory_space<vmem>> -> memref<128xi32, #tpu.memory_space<vmem>>
    %dma_wait3A_525 = arith.constant 0 : i32
    %dma_wait3A_526 = tpu.memref_slice %arg6[%dma_wait3A_525] : memref<131072xf32, #tpu.memory_space<hbm>> -> memref<131072xf32, #tpu.memory_space<hbm>>
    tpu.wait_indirect_dma semaphore(%arg14 : memref<!tpu.dma_semaphore, #tpu.memory_space<semaphore_mem>>) src(%dma_wait3A_521 : memref<128xf32, #tpu.memory_space<vmem>>) dst(%dma_wait3A_526 : memref<131072xf32, #tpu.memory_space<hbm>>)
    %dma_wait3A_527 = arith.constant 1 : i32
    %dma_wait3A_528 = arith.constant 128 : i32
    %dma_wait3A_529 = tpu.memref_slice %arg11[%dma_wait3A_528] : memref<4096xf32, #tpu.memory_space<vmem>> -> memref<128xf32, #tpu.memory_space<vmem>>
    %dma_wait3A_530 = arith.constant 0 : i32
    %dma_wait3A_531 = tpu.memref_slice %arg13[%dma_wait3A_527, %dma_wait3A_530] : memref<32x128xi32, #tpu.memory_space<vmem>> -> memref<1x128xi32, #tpu.memory_space<vmem>>
    %dma_wait3A_532 = tpu.memref_squeeze %dma_wait3A_531 : memref<1x128xi32, #tpu.memory_space<vmem>> -> memref<128xi32, #tpu.memory_space<vmem>>
    %dma_wait3A_533 = arith.constant 0 : i32
    %dma_wait3A_534 = tpu.memref_slice %arg6[%dma_wait3A_533] : memref<131072xf32, #tpu.memory_space<hbm>> -> memref<131072xf32, #tpu.memory_space<hbm>>
    tpu.wait_indirect_dma semaphore(%arg14 : memref<!tpu.dma_semaphore, #tpu.memory_space<semaphore_mem>>) src(%dma_wait3A_529 : memref<128xf32, #tpu.memory_space<vmem>>) dst(%dma_wait3A_534 : memref<131072xf32, #tpu.memory_space<hbm>>)
    %dma_wait3A_535 = arith.constant 2 : i32
    %dma_wait3A_536 = arith.constant 256 : i32
    %dma_wait3A_537 = tpu.memref_slice %arg11[%dma_wait3A_536] : memref<4096xf32, #tpu.memory_space<vmem>> -> memref<128xf32, #tpu.memory_space<vmem>>
    %dma_wait3A_538 = arith.constant 0 : i32
    %dma_wait3A_539 = tpu.memref_slice %arg13[%dma_wait3A_535, %dma_wait3A_538] : memref<32x128xi32, #tpu.memory_space<vmem>> -> memref<1x128xi32, #tpu.memory_space<vmem>>
    %dma_wait3A_540 = tpu.memref_squeeze %dma_wait3A_539 : memref<1x128xi32, #tpu.memory_space<vmem>> -> memref<128xi32, #tpu.memory_space<vmem>>
    %dma_wait3A_541 = arith.constant 0 : i32
    %dma_wait3A_542 = tpu.memref_slice %arg6[%dma_wait3A_541] : memref<131072xf32, #tpu.memory_space<hbm>> -> memref<131072xf32, #tpu.memory_space<hbm>>
    tpu.wait_indirect_dma semaphore(%arg14 : memref<!tpu.dma_semaphore, #tpu.memory_space<semaphore_mem>>) src(%dma_wait3A_537 : memref<128xf32, #tpu.memory_space<vmem>>) dst(%dma_wait3A_542 : memref<131072xf32, #tpu.memory_space<hbm>>)
    %dma_wait3A_543 = arith.constant 3 : i32
    %dma_wait3A_544 = arith.constant 384 : i32
    %dma_wait3A_545 = tpu.memref_slice %arg11[%dma_wait3A_544] : memref<4096xf32, #tpu.memory_space<vmem>> -> memref<128xf32, #tpu.memory_space<vmem>>
    %dma_wait3A_546 = arith.constant 0 : i32
    %dma_wait3A_547 = tpu.memref_slice %arg13[%dma_wait3A_543, %dma_wait3A_546] : memref<32x128xi32, #tpu.memory_space<vmem>> -> memref<1x128xi32, #tpu.memory_space<vmem>>
    %dma_wait3A_548 = tpu.memref_squeeze %dma_wait3A_547 : memref<1x128xi32, #tpu.memory_space<vmem>> -> memref<128xi32, #tpu.memory_space<vmem>>
    %dma_wait3A_549 = arith.constant 0 : i32
    %dma_wait3A_550 = tpu.memref_slice %arg6[%dma_wait3A_549] : memref<131072xf32, #tpu.memory_space<hbm>> -> memref<131072xf32, #tpu.memory_space<hbm>>
    tpu.wait_indirect_dma semaphore(%arg14 : memref<!tpu.dma_semaphore, #tpu.memory_space<semaphore_mem>>) src(%dma_wait3A_545 : memref<128xf32, #tpu.memory_space<vmem>>) dst(%dma_wait3A_550 : memref<131072xf32, #tpu.memory_space<hbm>>)
    %dma_wait3A_551 = arith.constant 4 : i32
    %dma_wait3A_552 = arith.constant 512 : i32
    %dma_wait3A_553 = tpu.memref_slice %arg11[%dma_wait3A_552] : memref<4096xf32, #tpu.memory_space<vmem>> -> memref<128xf32, #tpu.memory_space<vmem>>
    %dma_wait3A_554 = arith.constant 0 : i32
    %dma_wait3A_555 = tpu.memref_slice %arg13[%dma_wait3A_551, %dma_wait3A_554] : memref<32x128xi32, #tpu.memory_space<vmem>> -> memref<1x128xi32, #tpu.memory_space<vmem>>
    %dma_wait3A_556 = tpu.memref_squeeze %dma_wait3A_555 : memref<1x128xi32, #tpu.memory_space<vmem>> -> memref<128xi32, #tpu.memory_space<vmem>>
    %dma_wait3A_557 = arith.constant 0 : i32
    %dma_wait3A_558 = tpu.memref_slice %arg6[%dma_wait3A_557] : memref<131072xf32, #tpu.memory_space<hbm>> -> memref<131072xf32, #tpu.memory_space<hbm>>
    tpu.wait_indirect_dma semaphore(%arg14 : memref<!tpu.dma_semaphore, #tpu.memory_space<semaphore_mem>>) src(%dma_wait3A_553 : memref<128xf32, #tpu.memory_space<vmem>>) dst(%dma_wait3A_558 : memref<131072xf32, #tpu.memory_space<hbm>>)
    %dma_wait3A_559 = arith.constant 5 : i32
    %dma_wait3A_560 = arith.constant 640 : i32
    %dma_wait3A_561 = tpu.memref_slice %arg11[%dma_wait3A_560] : memref<4096xf32, #tpu.memory_space<vmem>> -> memref<128xf32, #tpu.memory_space<vmem>>
    %dma_wait3A_562 = arith.constant 0 : i32
    %dma_wait3A_563 = tpu.memref_slice %arg13[%dma_wait3A_559, %dma_wait3A_562] : memref<32x128xi32, #tpu.memory_space<vmem>> -> memref<1x128xi32, #tpu.memory_space<vmem>>
    %dma_wait3A_564 = tpu.memref_squeeze %dma_wait3A_563 : memref<1x128xi32, #tpu.memory_space<vmem>> -> memref<128xi32, #tpu.memory_space<vmem>>
    %dma_wait3A_565 = arith.constant 0 : i32
    %dma_wait3A_566 = tpu.memref_slice %arg6[%dma_wait3A_565] : memref<131072xf32, #tpu.memory_space<hbm>> -> memref<131072xf32, #tpu.memory_space<hbm>>
    tpu.wait_indirect_dma semaphore(%arg14 : memref<!tpu.dma_semaphore, #tpu.memory_space<semaphore_mem>>) src(%dma_wait3A_561 : memref<128xf32, #tpu.memory_space<vmem>>) dst(%dma_wait3A_566 : memref<131072xf32, #tpu.memory_space<hbm>>)
    %dma_wait3A_567 = arith.constant 6 : i32
    %dma_wait3A_568 = arith.constant 768 : i32
    %dma_wait3A_569 = tpu.memref_slice %arg11[%dma_wait3A_568] : memref<4096xf32, #tpu.memory_space<vmem>> -> memref<128xf32, #tpu.memory_space<vmem>>
    %dma_wait3A_570 = arith.constant 0 : i32
    %dma_wait3A_571 = tpu.memref_slice %arg13[%dma_wait3A_567, %dma_wait3A_570] : memref<32x128xi32, #tpu.memory_space<vmem>> -> memref<1x128xi32, #tpu.memory_space<vmem>>
    %dma_wait3A_572 = tpu.memref_squeeze %dma_wait3A_571 : memref<1x128xi32, #tpu.memory_space<vmem>> -> memref<128xi32, #tpu.memory_space<vmem>>
    %dma_wait3A_573 = arith.constant 0 : i32
    %dma_wait3A_574 = tpu.memref_slice %arg6[%dma_wait3A_573] : memref<131072xf32, #tpu.memory_space<hbm>> -> memref<131072xf32, #tpu.memory_space<hbm>>
    tpu.wait_indirect_dma semaphore(%arg14 : memref<!tpu.dma_semaphore, #tpu.memory_space<semaphore_mem>>) src(%dma_wait3A_569 : memref<128xf32, #tpu.memory_space<vmem>>) dst(%dma_wait3A_574 : memref<131072xf32, #tpu.memory_space<hbm>>)
    %dma_wait3A_575 = arith.constant 7 : i32
    %dma_wait3A_576 = arith.constant 896 : i32
    %dma_wait3A_577 = tpu.memref_slice %arg11[%dma_wait3A_576] : memref<4096xf32, #tpu.memory_space<vmem>> -> memref<128xf32, #tpu.memory_space<vmem>>
    %dma_wait3A_578 = arith.constant 0 : i32
    %dma_wait3A_579 = tpu.memref_slice %arg13[%dma_wait3A_575, %dma_wait3A_578] : memref<32x128xi32, #tpu.memory_space<vmem>> -> memref<1x128xi32, #tpu.memory_space<vmem>>
    %dma_wait3A_580 = tpu.memref_squeeze %dma_wait3A_579 : memref<1x128xi32, #tpu.memory_space<vmem>> -> memref<128xi32, #tpu.memory_space<vmem>>
    %dma_wait3A_581 = arith.constant 0 : i32
    %dma_wait3A_582 = tpu.memref_slice %arg6[%dma_wait3A_581] : memref<131072xf32, #tpu.memory_space<hbm>> -> memref<131072xf32, #tpu.memory_space<hbm>>
    tpu.wait_indirect_dma semaphore(%arg14 : memref<!tpu.dma_semaphore, #tpu.memory_space<semaphore_mem>>) src(%dma_wait3A_577 : memref<128xf32, #tpu.memory_space<vmem>>) dst(%dma_wait3A_582 : memref<131072xf32, #tpu.memory_space<hbm>>)
    %dma_wait3A_583 = arith.constant 8 : i32
    %dma_wait3A_584 = arith.constant 1024 : i32
    %dma_wait3A_585 = tpu.memref_slice %arg11[%dma_wait3A_584] : memref<4096xf32, #tpu.memory_space<vmem>> -> memref<128xf32, #tpu.memory_space<vmem>>
    %dma_wait3A_586 = arith.constant 0 : i32
    %dma_wait3A_587 = tpu.memref_slice %arg13[%dma_wait3A_583, %dma_wait3A_586] : memref<32x128xi32, #tpu.memory_space<vmem>> -> memref<1x128xi32, #tpu.memory_space<vmem>>
    %dma_wait3A_588 = tpu.memref_squeeze %dma_wait3A_587 : memref<1x128xi32, #tpu.memory_space<vmem>> -> memref<128xi32, #tpu.memory_space<vmem>>
    %dma_wait3A_589 = arith.constant 0 : i32
    %dma_wait3A_590 = tpu.memref_slice %arg6[%dma_wait3A_589] : memref<131072xf32, #tpu.memory_space<hbm>> -> memref<131072xf32, #tpu.memory_space<hbm>>
    tpu.wait_indirect_dma semaphore(%arg14 : memref<!tpu.dma_semaphore, #tpu.memory_space<semaphore_mem>>) src(%dma_wait3A_585 : memref<128xf32, #tpu.memory_space<vmem>>) dst(%dma_wait3A_590 : memref<131072xf32, #tpu.memory_space<hbm>>)
    %dma_wait3A_591 = arith.constant 9 : i32
    %dma_wait3A_592 = arith.constant 1152 : i32
    %dma_wait3A_593 = tpu.memref_slice %arg11[%dma_wait3A_592] : memref<4096xf32, #tpu.memory_space<vmem>> -> memref<128xf32, #tpu.memory_space<vmem>>
    %dma_wait3A_594 = arith.constant 0 : i32
    %dma_wait3A_595 = tpu.memref_slice %arg13[%dma_wait3A_591, %dma_wait3A_594] : memref<32x128xi32, #tpu.memory_space<vmem>> -> memref<1x128xi32, #tpu.memory_space<vmem>>
    %dma_wait3A_596 = tpu.memref_squeeze %dma_wait3A_595 : memref<1x128xi32, #tpu.memory_space<vmem>> -> memref<128xi32, #tpu.memory_space<vmem>>
    %dma_wait3A_597 = arith.constant 0 : i32
    %dma_wait3A_598 = tpu.memref_slice %arg6[%dma_wait3A_597] : memref<131072xf32, #tpu.memory_space<hbm>> -> memref<131072xf32, #tpu.memory_space<hbm>>
    tpu.wait_indirect_dma semaphore(%arg14 : memref<!tpu.dma_semaphore, #tpu.memory_space<semaphore_mem>>) src(%dma_wait3A_593 : memref<128xf32, #tpu.memory_space<vmem>>) dst(%dma_wait3A_598 : memref<131072xf32, #tpu.memory_space<hbm>>)
    %dma_wait3A_599 = arith.constant 10 : i32
    %dma_wait3A_600 = arith.constant 1280 : i32
    %dma_wait3A_601 = tpu.memref_slice %arg11[%dma_wait3A_600] : memref<4096xf32, #tpu.memory_space<vmem>> -> memref<128xf32, #tpu.memory_space<vmem>>
    %dma_wait3A_602 = arith.constant 0 : i32
    %dma_wait3A_603 = tpu.memref_slice %arg13[%dma_wait3A_599, %dma_wait3A_602] : memref<32x128xi32, #tpu.memory_space<vmem>> -> memref<1x128xi32, #tpu.memory_space<vmem>>
    %dma_wait3A_604 = tpu.memref_squeeze %dma_wait3A_603 : memref<1x128xi32, #tpu.memory_space<vmem>> -> memref<128xi32, #tpu.memory_space<vmem>>
    %dma_wait3A_605 = arith.constant 0 : i32
    %dma_wait3A_606 = tpu.memref_slice %arg6[%dma_wait3A_605] : memref<131072xf32, #tpu.memory_space<hbm>> -> memref<131072xf32, #tpu.memory_space<hbm>>
    tpu.wait_indirect_dma semaphore(%arg14 : memref<!tpu.dma_semaphore, #tpu.memory_space<semaphore_mem>>) src(%dma_wait3A_601 : memref<128xf32, #tpu.memory_space<vmem>>) dst(%dma_wait3A_606 : memref<131072xf32, #tpu.memory_space<hbm>>)
    %dma_wait3A_607 = arith.constant 11 : i32
    %dma_wait3A_608 = arith.constant 1408 : i32
    %dma_wait3A_609 = tpu.memref_slice %arg11[%dma_wait3A_608] : memref<4096xf32, #tpu.memory_space<vmem>> -> memref<128xf32, #tpu.memory_space<vmem>>
    %dma_wait3A_610 = arith.constant 0 : i32
    %dma_wait3A_611 = tpu.memref_slice %arg13[%dma_wait3A_607, %dma_wait3A_610] : memref<32x128xi32, #tpu.memory_space<vmem>> -> memref<1x128xi32, #tpu.memory_space<vmem>>
    %dma_wait3A_612 = tpu.memref_squeeze %dma_wait3A_611 : memref<1x128xi32, #tpu.memory_space<vmem>> -> memref<128xi32, #tpu.memory_space<vmem>>
    %dma_wait3A_613 = arith.constant 0 : i32
    %dma_wait3A_614 = tpu.memref_slice %arg6[%dma_wait3A_613] : memref<131072xf32, #tpu.memory_space<hbm>> -> memref<131072xf32, #tpu.memory_space<hbm>>
    tpu.wait_indirect_dma semaphore(%arg14 : memref<!tpu.dma_semaphore, #tpu.memory_space<semaphore_mem>>) src(%dma_wait3A_609 : memref<128xf32, #tpu.memory_space<vmem>>) dst(%dma_wait3A_614 : memref<131072xf32, #tpu.memory_space<hbm>>)
    %dma_wait3A_615 = arith.constant 12 : i32
    %dma_wait3A_616 = arith.constant 1536 : i32
    %dma_wait3A_617 = tpu.memref_slice %arg11[%dma_wait3A_616] : memref<4096xf32, #tpu.memory_space<vmem>> -> memref<128xf32, #tpu.memory_space<vmem>>
    %dma_wait3A_618 = arith.constant 0 : i32
    %dma_wait3A_619 = tpu.memref_slice %arg13[%dma_wait3A_615, %dma_wait3A_618] : memref<32x128xi32, #tpu.memory_space<vmem>> -> memref<1x128xi32, #tpu.memory_space<vmem>>
    %dma_wait3A_620 = tpu.memref_squeeze %dma_wait3A_619 : memref<1x128xi32, #tpu.memory_space<vmem>> -> memref<128xi32, #tpu.memory_space<vmem>>
    %dma_wait3A_621 = arith.constant 0 : i32
    %dma_wait3A_622 = tpu.memref_slice %arg6[%dma_wait3A_621] : memref<131072xf32, #tpu.memory_space<hbm>> -> memref<131072xf32, #tpu.memory_space<hbm>>
    tpu.wait_indirect_dma semaphore(%arg14 : memref<!tpu.dma_semaphore, #tpu.memory_space<semaphore_mem>>) src(%dma_wait3A_617 : memref<128xf32, #tpu.memory_space<vmem>>) dst(%dma_wait3A_622 : memref<131072xf32, #tpu.memory_space<hbm>>)
    %dma_wait3A_623 = arith.constant 13 : i32
    %dma_wait3A_624 = arith.constant 1664 : i32
    %dma_wait3A_625 = tpu.memref_slice %arg11[%dma_wait3A_624] : memref<4096xf32, #tpu.memory_space<vmem>> -> memref<128xf32, #tpu.memory_space<vmem>>
    %dma_wait3A_626 = arith.constant 0 : i32
    %dma_wait3A_627 = tpu.memref_slice %arg13[%dma_wait3A_623, %dma_wait3A_626] : memref<32x128xi32, #tpu.memory_space<vmem>> -> memref<1x128xi32, #tpu.memory_space<vmem>>
    %dma_wait3A_628 = tpu.memref_squeeze %dma_wait3A_627 : memref<1x128xi32, #tpu.memory_space<vmem>> -> memref<128xi32, #tpu.memory_space<vmem>>
    %dma_wait3A_629 = arith.constant 0 : i32
    %dma_wait3A_630 = tpu.memref_slice %arg6[%dma_wait3A_629] : memref<131072xf32, #tpu.memory_space<hbm>> -> memref<131072xf32, #tpu.memory_space<hbm>>
    tpu.wait_indirect_dma semaphore(%arg14 : memref<!tpu.dma_semaphore, #tpu.memory_space<semaphore_mem>>) src(%dma_wait3A_625 : memref<128xf32, #tpu.memory_space<vmem>>) dst(%dma_wait3A_630 : memref<131072xf32, #tpu.memory_space<hbm>>)
    %dma_wait3A_631 = arith.constant 14 : i32
    %dma_wait3A_632 = arith.constant 1792 : i32
    %dma_wait3A_633 = tpu.memref_slice %arg11[%dma_wait3A_632] : memref<4096xf32, #tpu.memory_space<vmem>> -> memref<128xf32, #tpu.memory_space<vmem>>
    %dma_wait3A_634 = arith.constant 0 : i32
    %dma_wait3A_635 = tpu.memref_slice %arg13[%dma_wait3A_631, %dma_wait3A_634] : memref<32x128xi32, #tpu.memory_space<vmem>> -> memref<1x128xi32, #tpu.memory_space<vmem>>
    %dma_wait3A_636 = tpu.memref_squeeze %dma_wait3A_635 : memref<1x128xi32, #tpu.memory_space<vmem>> -> memref<128xi32, #tpu.memory_space<vmem>>
    %dma_wait3A_637 = arith.constant 0 : i32
    %dma_wait3A_638 = tpu.memref_slice %arg6[%dma_wait3A_637] : memref<131072xf32, #tpu.memory_space<hbm>> -> memref<131072xf32, #tpu.memory_space<hbm>>
    tpu.wait_indirect_dma semaphore(%arg14 : memref<!tpu.dma_semaphore, #tpu.memory_space<semaphore_mem>>) src(%dma_wait3A_633 : memref<128xf32, #tpu.memory_space<vmem>>) dst(%dma_wait3A_638 : memref<131072xf32, #tpu.memory_space<hbm>>)
    %dma_wait3A_639 = arith.constant 15 : i32
    %dma_wait3A_640 = arith.constant 1920 : i32
    %dma_wait3A_641 = tpu.memref_slice %arg11[%dma_wait3A_640] : memref<4096xf32, #tpu.memory_space<vmem>> -> memref<128xf32, #tpu.memory_space<vmem>>
    %dma_wait3A_642 = arith.constant 0 : i32
    %dma_wait3A_643 = tpu.memref_slice %arg13[%dma_wait3A_639, %dma_wait3A_642] : memref<32x128xi32, #tpu.memory_space<vmem>> -> memref<1x128xi32, #tpu.memory_space<vmem>>
    %dma_wait3A_644 = tpu.memref_squeeze %dma_wait3A_643 : memref<1x128xi32, #tpu.memory_space<vmem>> -> memref<128xi32, #tpu.memory_space<vmem>>
    %dma_wait3A_645 = arith.constant 0 : i32
    %dma_wait3A_646 = tpu.memref_slice %arg6[%dma_wait3A_645] : memref<131072xf32, #tpu.memory_space<hbm>> -> memref<131072xf32, #tpu.memory_space<hbm>>
    tpu.wait_indirect_dma semaphore(%arg14 : memref<!tpu.dma_semaphore, #tpu.memory_space<semaphore_mem>>) src(%dma_wait3A_641 : memref<128xf32, #tpu.memory_space<vmem>>) dst(%dma_wait3A_646 : memref<131072xf32, #tpu.memory_space<hbm>>)
    %dma_wait3A_647 = arith.constant 16 : i32
    %dma_wait3A_648 = arith.constant 2048 : i32
    %dma_wait3A_649 = tpu.memref_slice %arg11[%dma_wait3A_648] : memref<4096xf32, #tpu.memory_space<vmem>> -> memref<128xf32, #tpu.memory_space<vmem>>
    %dma_wait3A_650 = arith.constant 0 : i32
    %dma_wait3A_651 = tpu.memref_slice %arg13[%dma_wait3A_647, %dma_wait3A_650] : memref<32x128xi32, #tpu.memory_space<vmem>> -> memref<1x128xi32, #tpu.memory_space<vmem>>
    %dma_wait3A_652 = tpu.memref_squeeze %dma_wait3A_651 : memref<1x128xi32, #tpu.memory_space<vmem>> -> memref<128xi32, #tpu.memory_space<vmem>>
    %dma_wait3A_653 = arith.constant 0 : i32
    %dma_wait3A_654 = tpu.memref_slice %arg6[%dma_wait3A_653] : memref<131072xf32, #tpu.memory_space<hbm>> -> memref<131072xf32, #tpu.memory_space<hbm>>
    tpu.wait_indirect_dma semaphore(%arg14 : memref<!tpu.dma_semaphore, #tpu.memory_space<semaphore_mem>>) src(%dma_wait3A_649 : memref<128xf32, #tpu.memory_space<vmem>>) dst(%dma_wait3A_654 : memref<131072xf32, #tpu.memory_space<hbm>>)
    %dma_wait3A_655 = arith.constant 17 : i32
    %dma_wait3A_656 = arith.constant 2176 : i32
    %dma_wait3A_657 = tpu.memref_slice %arg11[%dma_wait3A_656] : memref<4096xf32, #tpu.memory_space<vmem>> -> memref<128xf32, #tpu.memory_space<vmem>>
    %dma_wait3A_658 = arith.constant 0 : i32
    %dma_wait3A_659 = tpu.memref_slice %arg13[%dma_wait3A_655, %dma_wait3A_658] : memref<32x128xi32, #tpu.memory_space<vmem>> -> memref<1x128xi32, #tpu.memory_space<vmem>>
    %dma_wait3A_660 = tpu.memref_squeeze %dma_wait3A_659 : memref<1x128xi32, #tpu.memory_space<vmem>> -> memref<128xi32, #tpu.memory_space<vmem>>
    %dma_wait3A_661 = arith.constant 0 : i32
    %dma_wait3A_662 = tpu.memref_slice %arg6[%dma_wait3A_661] : memref<131072xf32, #tpu.memory_space<hbm>> -> memref<131072xf32, #tpu.memory_space<hbm>>
    tpu.wait_indirect_dma semaphore(%arg14 : memref<!tpu.dma_semaphore, #tpu.memory_space<semaphore_mem>>) src(%dma_wait3A_657 : memref<128xf32, #tpu.memory_space<vmem>>) dst(%dma_wait3A_662 : memref<131072xf32, #tpu.memory_space<hbm>>)
    %dma_wait3A_663 = arith.constant 18 : i32
    %dma_wait3A_664 = arith.constant 2304 : i32
    %dma_wait3A_665 = tpu.memref_slice %arg11[%dma_wait3A_664] : memref<4096xf32, #tpu.memory_space<vmem>> -> memref<128xf32, #tpu.memory_space<vmem>>
    %dma_wait3A_666 = arith.constant 0 : i32
    %dma_wait3A_667 = tpu.memref_slice %arg13[%dma_wait3A_663, %dma_wait3A_666] : memref<32x128xi32, #tpu.memory_space<vmem>> -> memref<1x128xi32, #tpu.memory_space<vmem>>
    %dma_wait3A_668 = tpu.memref_squeeze %dma_wait3A_667 : memref<1x128xi32, #tpu.memory_space<vmem>> -> memref<128xi32, #tpu.memory_space<vmem>>
    %dma_wait3A_669 = arith.constant 0 : i32
    %dma_wait3A_670 = tpu.memref_slice %arg6[%dma_wait3A_669] : memref<131072xf32, #tpu.memory_space<hbm>> -> memref<131072xf32, #tpu.memory_space<hbm>>
    tpu.wait_indirect_dma semaphore(%arg14 : memref<!tpu.dma_semaphore, #tpu.memory_space<semaphore_mem>>) src(%dma_wait3A_665 : memref<128xf32, #tpu.memory_space<vmem>>) dst(%dma_wait3A_670 : memref<131072xf32, #tpu.memory_space<hbm>>)
    %dma_wait3A_671 = arith.constant 19 : i32
    %dma_wait3A_672 = arith.constant 2432 : i32
    %dma_wait3A_673 = tpu.memref_slice %arg11[%dma_wait3A_672] : memref<4096xf32, #tpu.memory_space<vmem>> -> memref<128xf32, #tpu.memory_space<vmem>>
    %dma_wait3A_674 = arith.constant 0 : i32
    %dma_wait3A_675 = tpu.memref_slice %arg13[%dma_wait3A_671, %dma_wait3A_674] : memref<32x128xi32, #tpu.memory_space<vmem>> -> memref<1x128xi32, #tpu.memory_space<vmem>>
    %dma_wait3A_676 = tpu.memref_squeeze %dma_wait3A_675 : memref<1x128xi32, #tpu.memory_space<vmem>> -> memref<128xi32, #tpu.memory_space<vmem>>
    %dma_wait3A_677 = arith.constant 0 : i32
    %dma_wait3A_678 = tpu.memref_slice %arg6[%dma_wait3A_677] : memref<131072xf32, #tpu.memory_space<hbm>> -> memref<131072xf32, #tpu.memory_space<hbm>>
    tpu.wait_indirect_dma semaphore(%arg14 : memref<!tpu.dma_semaphore, #tpu.memory_space<semaphore_mem>>) src(%dma_wait3A_673 : memref<128xf32, #tpu.memory_space<vmem>>) dst(%dma_wait3A_678 : memref<131072xf32, #tpu.memory_space<hbm>>)
    %dma_wait3A_679 = arith.constant 20 : i32
    %dma_wait3A_680 = arith.constant 2560 : i32
    %dma_wait3A_681 = tpu.memref_slice %arg11[%dma_wait3A_680] : memref<4096xf32, #tpu.memory_space<vmem>> -> memref<128xf32, #tpu.memory_space<vmem>>
    %dma_wait3A_682 = arith.constant 0 : i32
    %dma_wait3A_683 = tpu.memref_slice %arg13[%dma_wait3A_679, %dma_wait3A_682] : memref<32x128xi32, #tpu.memory_space<vmem>> -> memref<1x128xi32, #tpu.memory_space<vmem>>
    %dma_wait3A_684 = tpu.memref_squeeze %dma_wait3A_683 : memref<1x128xi32, #tpu.memory_space<vmem>> -> memref<128xi32, #tpu.memory_space<vmem>>
    %dma_wait3A_685 = arith.constant 0 : i32
    %dma_wait3A_686 = tpu.memref_slice %arg6[%dma_wait3A_685] : memref<131072xf32, #tpu.memory_space<hbm>> -> memref<131072xf32, #tpu.memory_space<hbm>>
    tpu.wait_indirect_dma semaphore(%arg14 : memref<!tpu.dma_semaphore, #tpu.memory_space<semaphore_mem>>) src(%dma_wait3A_681 : memref<128xf32, #tpu.memory_space<vmem>>) dst(%dma_wait3A_686 : memref<131072xf32, #tpu.memory_space<hbm>>)
    %dma_wait3A_687 = arith.constant 21 : i32
    %dma_wait3A_688 = arith.constant 2688 : i32
    %dma_wait3A_689 = tpu.memref_slice %arg11[%dma_wait3A_688] : memref<4096xf32, #tpu.memory_space<vmem>> -> memref<128xf32, #tpu.memory_space<vmem>>
    %dma_wait3A_690 = arith.constant 0 : i32
    %dma_wait3A_691 = tpu.memref_slice %arg13[%dma_wait3A_687, %dma_wait3A_690] : memref<32x128xi32, #tpu.memory_space<vmem>> -> memref<1x128xi32, #tpu.memory_space<vmem>>
    %dma_wait3A_692 = tpu.memref_squeeze %dma_wait3A_691 : memref<1x128xi32, #tpu.memory_space<vmem>> -> memref<128xi32, #tpu.memory_space<vmem>>
    %dma_wait3A_693 = arith.constant 0 : i32
    %dma_wait3A_694 = tpu.memref_slice %arg6[%dma_wait3A_693] : memref<131072xf32, #tpu.memory_space<hbm>> -> memref<131072xf32, #tpu.memory_space<hbm>>
    tpu.wait_indirect_dma semaphore(%arg14 : memref<!tpu.dma_semaphore, #tpu.memory_space<semaphore_mem>>) src(%dma_wait3A_689 : memref<128xf32, #tpu.memory_space<vmem>>) dst(%dma_wait3A_694 : memref<131072xf32, #tpu.memory_space<hbm>>)
    %dma_wait3A_695 = arith.constant 22 : i32
    %dma_wait3A_696 = arith.constant 2816 : i32
    %dma_wait3A_697 = tpu.memref_slice %arg11[%dma_wait3A_696] : memref<4096xf32, #tpu.memory_space<vmem>> -> memref<128xf32, #tpu.memory_space<vmem>>
    %dma_wait3A_698 = arith.constant 0 : i32
    %dma_wait3A_699 = tpu.memref_slice %arg13[%dma_wait3A_695, %dma_wait3A_698] : memref<32x128xi32, #tpu.memory_space<vmem>> -> memref<1x128xi32, #tpu.memory_space<vmem>>
    %dma_wait3A_700 = tpu.memref_squeeze %dma_wait3A_699 : memref<1x128xi32, #tpu.memory_space<vmem>> -> memref<128xi32, #tpu.memory_space<vmem>>
    %dma_wait3A_701 = arith.constant 0 : i32
    %dma_wait3A_702 = tpu.memref_slice %arg6[%dma_wait3A_701] : memref<131072xf32, #tpu.memory_space<hbm>> -> memref<131072xf32, #tpu.memory_space<hbm>>
    tpu.wait_indirect_dma semaphore(%arg14 : memref<!tpu.dma_semaphore, #tpu.memory_space<semaphore_mem>>) src(%dma_wait3A_697 : memref<128xf32, #tpu.memory_space<vmem>>) dst(%dma_wait3A_702 : memref<131072xf32, #tpu.memory_space<hbm>>)
    %dma_wait3A_703 = arith.constant 23 : i32
    %dma_wait3A_704 = arith.constant 2944 : i32
    %dma_wait3A_705 = tpu.memref_slice %arg11[%dma_wait3A_704] : memref<4096xf32, #tpu.memory_space<vmem>> -> memref<128xf32, #tpu.memory_space<vmem>>
    %dma_wait3A_706 = arith.constant 0 : i32
    %dma_wait3A_707 = tpu.memref_slice %arg13[%dma_wait3A_703, %dma_wait3A_706] : memref<32x128xi32, #tpu.memory_space<vmem>> -> memref<1x128xi32, #tpu.memory_space<vmem>>
    %dma_wait3A_708 = tpu.memref_squeeze %dma_wait3A_707 : memref<1x128xi32, #tpu.memory_space<vmem>> -> memref<128xi32, #tpu.memory_space<vmem>>
    %dma_wait3A_709 = arith.constant 0 : i32
    %dma_wait3A_710 = tpu.memref_slice %arg6[%dma_wait3A_709] : memref<131072xf32, #tpu.memory_space<hbm>> -> memref<131072xf32, #tpu.memory_space<hbm>>
    tpu.wait_indirect_dma semaphore(%arg14 : memref<!tpu.dma_semaphore, #tpu.memory_space<semaphore_mem>>) src(%dma_wait3A_705 : memref<128xf32, #tpu.memory_space<vmem>>) dst(%dma_wait3A_710 : memref<131072xf32, #tpu.memory_space<hbm>>)
    %dma_wait3A_711 = arith.constant 24 : i32
    %dma_wait3A_712 = arith.constant 3072 : i32
    %dma_wait3A_713 = tpu.memref_slice %arg11[%dma_wait3A_712] : memref<4096xf32, #tpu.memory_space<vmem>> -> memref<128xf32, #tpu.memory_space<vmem>>
    %dma_wait3A_714 = arith.constant 0 : i32
    %dma_wait3A_715 = tpu.memref_slice %arg13[%dma_wait3A_711, %dma_wait3A_714] : memref<32x128xi32, #tpu.memory_space<vmem>> -> memref<1x128xi32, #tpu.memory_space<vmem>>
    %dma_wait3A_716 = tpu.memref_squeeze %dma_wait3A_715 : memref<1x128xi32, #tpu.memory_space<vmem>> -> memref<128xi32, #tpu.memory_space<vmem>>
    %dma_wait3A_717 = arith.constant 0 : i32
    %dma_wait3A_718 = tpu.memref_slice %arg6[%dma_wait3A_717] : memref<131072xf32, #tpu.memory_space<hbm>> -> memref<131072xf32, #tpu.memory_space<hbm>>
    tpu.wait_indirect_dma semaphore(%arg14 : memref<!tpu.dma_semaphore, #tpu.memory_space<semaphore_mem>>) src(%dma_wait3A_713 : memref<128xf32, #tpu.memory_space<vmem>>) dst(%dma_wait3A_718 : memref<131072xf32, #tpu.memory_space<hbm>>)
    %dma_wait3A_719 = arith.constant 25 : i32
    %dma_wait3A_720 = arith.constant 3200 : i32
    %dma_wait3A_721 = tpu.memref_slice %arg11[%dma_wait3A_720] : memref<4096xf32, #tpu.memory_space<vmem>> -> memref<128xf32, #tpu.memory_space<vmem>>
    %dma_wait3A_722 = arith.constant 0 : i32
    %dma_wait3A_723 = tpu.memref_slice %arg13[%dma_wait3A_719, %dma_wait3A_722] : memref<32x128xi32, #tpu.memory_space<vmem>> -> memref<1x128xi32, #tpu.memory_space<vmem>>
    %dma_wait3A_724 = tpu.memref_squeeze %dma_wait3A_723 : memref<1x128xi32, #tpu.memory_space<vmem>> -> memref<128xi32, #tpu.memory_space<vmem>>
    %dma_wait3A_725 = arith.constant 0 : i32
    %dma_wait3A_726 = tpu.memref_slice %arg6[%dma_wait3A_725] : memref<131072xf32, #tpu.memory_space<hbm>> -> memref<131072xf32, #tpu.memory_space<hbm>>
    tpu.wait_indirect_dma semaphore(%arg14 : memref<!tpu.dma_semaphore, #tpu.memory_space<semaphore_mem>>) src(%dma_wait3A_721 : memref<128xf32, #tpu.memory_space<vmem>>) dst(%dma_wait3A_726 : memref<131072xf32, #tpu.memory_space<hbm>>)
    %dma_wait3A_727 = arith.constant 26 : i32
    %dma_wait3A_728 = arith.constant 3328 : i32
    %dma_wait3A_729 = tpu.memref_slice %arg11[%dma_wait3A_728] : memref<4096xf32, #tpu.memory_space<vmem>> -> memref<128xf32, #tpu.memory_space<vmem>>
    %dma_wait3A_730 = arith.constant 0 : i32
    %dma_wait3A_731 = tpu.memref_slice %arg13[%dma_wait3A_727, %dma_wait3A_730] : memref<32x128xi32, #tpu.memory_space<vmem>> -> memref<1x128xi32, #tpu.memory_space<vmem>>
    %dma_wait3A_732 = tpu.memref_squeeze %dma_wait3A_731 : memref<1x128xi32, #tpu.memory_space<vmem>> -> memref<128xi32, #tpu.memory_space<vmem>>
    %dma_wait3A_733 = arith.constant 0 : i32
    %dma_wait3A_734 = tpu.memref_slice %arg6[%dma_wait3A_733] : memref<131072xf32, #tpu.memory_space<hbm>> -> memref<131072xf32, #tpu.memory_space<hbm>>
    tpu.wait_indirect_dma semaphore(%arg14 : memref<!tpu.dma_semaphore, #tpu.memory_space<semaphore_mem>>) src(%dma_wait3A_729 : memref<128xf32, #tpu.memory_space<vmem>>) dst(%dma_wait3A_734 : memref<131072xf32, #tpu.memory_space<hbm>>)
    %dma_wait3A_735 = arith.constant 27 : i32
    %dma_wait3A_736 = arith.constant 3456 : i32
    %dma_wait3A_737 = tpu.memref_slice %arg11[%dma_wait3A_736] : memref<4096xf32, #tpu.memory_space<vmem>> -> memref<128xf32, #tpu.memory_space<vmem>>
    %dma_wait3A_738 = arith.constant 0 : i32
    %dma_wait3A_739 = tpu.memref_slice %arg13[%dma_wait3A_735, %dma_wait3A_738] : memref<32x128xi32, #tpu.memory_space<vmem>> -> memref<1x128xi32, #tpu.memory_space<vmem>>
    %dma_wait3A_740 = tpu.memref_squeeze %dma_wait3A_739 : memref<1x128xi32, #tpu.memory_space<vmem>> -> memref<128xi32, #tpu.memory_space<vmem>>
    %dma_wait3A_741 = arith.constant 0 : i32
    %dma_wait3A_742 = tpu.memref_slice %arg6[%dma_wait3A_741] : memref<131072xf32, #tpu.memory_space<hbm>> -> memref<131072xf32, #tpu.memory_space<hbm>>
    tpu.wait_indirect_dma semaphore(%arg14 : memref<!tpu.dma_semaphore, #tpu.memory_space<semaphore_mem>>) src(%dma_wait3A_737 : memref<128xf32, #tpu.memory_space<vmem>>) dst(%dma_wait3A_742 : memref<131072xf32, #tpu.memory_space<hbm>>)
    %dma_wait3A_743 = arith.constant 28 : i32
    %dma_wait3A_744 = arith.constant 3584 : i32
    %dma_wait3A_745 = tpu.memref_slice %arg11[%dma_wait3A_744] : memref<4096xf32, #tpu.memory_space<vmem>> -> memref<128xf32, #tpu.memory_space<vmem>>
    %dma_wait3A_746 = arith.constant 0 : i32
    %dma_wait3A_747 = tpu.memref_slice %arg13[%dma_wait3A_743, %dma_wait3A_746] : memref<32x128xi32, #tpu.memory_space<vmem>> -> memref<1x128xi32, #tpu.memory_space<vmem>>
    %dma_wait3A_748 = tpu.memref_squeeze %dma_wait3A_747 : memref<1x128xi32, #tpu.memory_space<vmem>> -> memref<128xi32, #tpu.memory_space<vmem>>
    %dma_wait3A_749 = arith.constant 0 : i32
    %dma_wait3A_750 = tpu.memref_slice %arg6[%dma_wait3A_749] : memref<131072xf32, #tpu.memory_space<hbm>> -> memref<131072xf32, #tpu.memory_space<hbm>>
    tpu.wait_indirect_dma semaphore(%arg14 : memref<!tpu.dma_semaphore, #tpu.memory_space<semaphore_mem>>) src(%dma_wait3A_745 : memref<128xf32, #tpu.memory_space<vmem>>) dst(%dma_wait3A_750 : memref<131072xf32, #tpu.memory_space<hbm>>)
    %dma_wait3A_751 = arith.constant 29 : i32
    %dma_wait3A_752 = arith.constant 3712 : i32
    %dma_wait3A_753 = tpu.memref_slice %arg11[%dma_wait3A_752] : memref<4096xf32, #tpu.memory_space<vmem>> -> memref<128xf32, #tpu.memory_space<vmem>>
    %dma_wait3A_754 = arith.constant 0 : i32
    %dma_wait3A_755 = tpu.memref_slice %arg13[%dma_wait3A_751, %dma_wait3A_754] : memref<32x128xi32, #tpu.memory_space<vmem>> -> memref<1x128xi32, #tpu.memory_space<vmem>>
    %dma_wait3A_756 = tpu.memref_squeeze %dma_wait3A_755 : memref<1x128xi32, #tpu.memory_space<vmem>> -> memref<128xi32, #tpu.memory_space<vmem>>
    %dma_wait3A_757 = arith.constant 0 : i32
    %dma_wait3A_758 = tpu.memref_slice %arg6[%dma_wait3A_757] : memref<131072xf32, #tpu.memory_space<hbm>> -> memref<131072xf32, #tpu.memory_space<hbm>>
    tpu.wait_indirect_dma semaphore(%arg14 : memref<!tpu.dma_semaphore, #tpu.memory_space<semaphore_mem>>) src(%dma_wait3A_753 : memref<128xf32, #tpu.memory_space<vmem>>) dst(%dma_wait3A_758 : memref<131072xf32, #tpu.memory_space<hbm>>)
    %dma_wait3A_759 = arith.constant 30 : i32
    %dma_wait3A_760 = arith.constant 3840 : i32
    %dma_wait3A_761 = tpu.memref_slice %arg11[%dma_wait3A_760] : memref<4096xf32, #tpu.memory_space<vmem>> -> memref<128xf32, #tpu.memory_space<vmem>>
    %dma_wait3A_762 = arith.constant 0 : i32
    %dma_wait3A_763 = tpu.memref_slice %arg13[%dma_wait3A_759, %dma_wait3A_762] : memref<32x128xi32, #tpu.memory_space<vmem>> -> memref<1x128xi32, #tpu.memory_space<vmem>>
    %dma_wait3A_764 = tpu.memref_squeeze %dma_wait3A_763 : memref<1x128xi32, #tpu.memory_space<vmem>> -> memref<128xi32, #tpu.memory_space<vmem>>
    %dma_wait3A_765 = arith.constant 0 : i32
    %dma_wait3A_766 = tpu.memref_slice %arg6[%dma_wait3A_765] : memref<131072xf32, #tpu.memory_space<hbm>> -> memref<131072xf32, #tpu.memory_space<hbm>>
    tpu.wait_indirect_dma semaphore(%arg14 : memref<!tpu.dma_semaphore, #tpu.memory_space<semaphore_mem>>) src(%dma_wait3A_761 : memref<128xf32, #tpu.memory_space<vmem>>) dst(%dma_wait3A_766 : memref<131072xf32, #tpu.memory_space<hbm>>)
    %dma_wait3A_767 = arith.constant 31 : i32
    %dma_wait3A_768 = arith.constant 3968 : i32
    %dma_wait3A_769 = tpu.memref_slice %arg11[%dma_wait3A_768] : memref<4096xf32, #tpu.memory_space<vmem>> -> memref<128xf32, #tpu.memory_space<vmem>>
    %dma_wait3A_770 = arith.constant 0 : i32
    %dma_wait3A_771 = tpu.memref_slice %arg13[%dma_wait3A_767, %dma_wait3A_770] : memref<32x128xi32, #tpu.memory_space<vmem>> -> memref<1x128xi32, #tpu.memory_space<vmem>>
    %dma_wait3A_772 = tpu.memref_squeeze %dma_wait3A_771 : memref<1x128xi32, #tpu.memory_space<vmem>> -> memref<128xi32, #tpu.memory_space<vmem>>
    %dma_wait3A_773 = arith.constant 0 : i32
    %dma_wait3A_774 = tpu.memref_slice %arg6[%dma_wait3A_773] : memref<131072xf32, #tpu.memory_space<hbm>> -> memref<131072xf32, #tpu.memory_space<hbm>>
    tpu.wait_indirect_dma semaphore(%arg14 : memref<!tpu.dma_semaphore, #tpu.memory_space<semaphore_mem>>) src(%dma_wait3A_769 : memref<128xf32, #tpu.memory_space<vmem>>) dst(%dma_wait3A_774 : memref<131072xf32, #tpu.memory_space<hbm>>)
    %dma_wait3A_775 = arith.constant 0 : i32
    %dma_wait3A_776 = arith.constant 0 : i32
    %dma_wait3A_777 = tpu.memref_slice %arg12[%dma_wait3A_776] : memref<4096xi32, #tpu.memory_space<vmem>> -> memref<128xi32, #tpu.memory_space<vmem>>
    %dma_wait3A_778 = arith.constant 0 : i32
    %dma_wait3A_779 = tpu.memref_slice %arg13[%dma_wait3A_775, %dma_wait3A_778] : memref<32x128xi32, #tpu.memory_space<vmem>> -> memref<1x128xi32, #tpu.memory_space<vmem>>
    %dma_wait3A_780 = tpu.memref_squeeze %dma_wait3A_779 : memref<1x128xi32, #tpu.memory_space<vmem>> -> memref<128xi32, #tpu.memory_space<vmem>>
    %dma_wait3A_781 = arith.constant 0 : i32
    %dma_wait3A_782 = tpu.memref_slice %arg7[%dma_wait3A_781] : memref<131072xi32, #tpu.memory_space<hbm>> -> memref<131072xi32, #tpu.memory_space<hbm>>
    tpu.wait_indirect_dma semaphore(%arg14 : memref<!tpu.dma_semaphore, #tpu.memory_space<semaphore_mem>>) src(%dma_wait3A_777 : memref<128xi32, #tpu.memory_space<vmem>>) dst(%dma_wait3A_782 : memref<131072xi32, #tpu.memory_space<hbm>>)
    %dma_wait3A_783 = arith.constant 1 : i32
    %dma_wait3A_784 = arith.constant 128 : i32
    %dma_wait3A_785 = tpu.memref_slice %arg12[%dma_wait3A_784] : memref<4096xi32, #tpu.memory_space<vmem>> -> memref<128xi32, #tpu.memory_space<vmem>>
    %dma_wait3A_786 = arith.constant 0 : i32
    %dma_wait3A_787 = tpu.memref_slice %arg13[%dma_wait3A_783, %dma_wait3A_786] : memref<32x128xi32, #tpu.memory_space<vmem>> -> memref<1x128xi32, #tpu.memory_space<vmem>>
    %dma_wait3A_788 = tpu.memref_squeeze %dma_wait3A_787 : memref<1x128xi32, #tpu.memory_space<vmem>> -> memref<128xi32, #tpu.memory_space<vmem>>
    %dma_wait3A_789 = arith.constant 0 : i32
    %dma_wait3A_790 = tpu.memref_slice %arg7[%dma_wait3A_789] : memref<131072xi32, #tpu.memory_space<hbm>> -> memref<131072xi32, #tpu.memory_space<hbm>>
    tpu.wait_indirect_dma semaphore(%arg14 : memref<!tpu.dma_semaphore, #tpu.memory_space<semaphore_mem>>) src(%dma_wait3A_785 : memref<128xi32, #tpu.memory_space<vmem>>) dst(%dma_wait3A_790 : memref<131072xi32, #tpu.memory_space<hbm>>)
    %dma_wait3A_791 = arith.constant 2 : i32
    %dma_wait3A_792 = arith.constant 256 : i32
    %dma_wait3A_793 = tpu.memref_slice %arg12[%dma_wait3A_792] : memref<4096xi32, #tpu.memory_space<vmem>> -> memref<128xi32, #tpu.memory_space<vmem>>
    %dma_wait3A_794 = arith.constant 0 : i32
    %dma_wait3A_795 = tpu.memref_slice %arg13[%dma_wait3A_791, %dma_wait3A_794] : memref<32x128xi32, #tpu.memory_space<vmem>> -> memref<1x128xi32, #tpu.memory_space<vmem>>
    %dma_wait3A_796 = tpu.memref_squeeze %dma_wait3A_795 : memref<1x128xi32, #tpu.memory_space<vmem>> -> memref<128xi32, #tpu.memory_space<vmem>>
    %dma_wait3A_797 = arith.constant 0 : i32
    %dma_wait3A_798 = tpu.memref_slice %arg7[%dma_wait3A_797] : memref<131072xi32, #tpu.memory_space<hbm>> -> memref<131072xi32, #tpu.memory_space<hbm>>
    tpu.wait_indirect_dma semaphore(%arg14 : memref<!tpu.dma_semaphore, #tpu.memory_space<semaphore_mem>>) src(%dma_wait3A_793 : memref<128xi32, #tpu.memory_space<vmem>>) dst(%dma_wait3A_798 : memref<131072xi32, #tpu.memory_space<hbm>>)
    %dma_wait3A_799 = arith.constant 3 : i32
    %dma_wait3A_800 = arith.constant 384 : i32
    %dma_wait3A_801 = tpu.memref_slice %arg12[%dma_wait3A_800] : memref<4096xi32, #tpu.memory_space<vmem>> -> memref<128xi32, #tpu.memory_space<vmem>>
    %dma_wait3A_802 = arith.constant 0 : i32
    %dma_wait3A_803 = tpu.memref_slice %arg13[%dma_wait3A_799, %dma_wait3A_802] : memref<32x128xi32, #tpu.memory_space<vmem>> -> memref<1x128xi32, #tpu.memory_space<vmem>>
    %dma_wait3A_804 = tpu.memref_squeeze %dma_wait3A_803 : memref<1x128xi32, #tpu.memory_space<vmem>> -> memref<128xi32, #tpu.memory_space<vmem>>
    %dma_wait3A_805 = arith.constant 0 : i32
    %dma_wait3A_806 = tpu.memref_slice %arg7[%dma_wait3A_805] : memref<131072xi32, #tpu.memory_space<hbm>> -> memref<131072xi32, #tpu.memory_space<hbm>>
    tpu.wait_indirect_dma semaphore(%arg14 : memref<!tpu.dma_semaphore, #tpu.memory_space<semaphore_mem>>) src(%dma_wait3A_801 : memref<128xi32, #tpu.memory_space<vmem>>) dst(%dma_wait3A_806 : memref<131072xi32, #tpu.memory_space<hbm>>)
    %dma_wait3A_807 = arith.constant 4 : i32
    %dma_wait3A_808 = arith.constant 512 : i32
    %dma_wait3A_809 = tpu.memref_slice %arg12[%dma_wait3A_808] : memref<4096xi32, #tpu.memory_space<vmem>> -> memref<128xi32, #tpu.memory_space<vmem>>
    %dma_wait3A_810 = arith.constant 0 : i32
    %dma_wait3A_811 = tpu.memref_slice %arg13[%dma_wait3A_807, %dma_wait3A_810] : memref<32x128xi32, #tpu.memory_space<vmem>> -> memref<1x128xi32, #tpu.memory_space<vmem>>
    %dma_wait3A_812 = tpu.memref_squeeze %dma_wait3A_811 : memref<1x128xi32, #tpu.memory_space<vmem>> -> memref<128xi32, #tpu.memory_space<vmem>>
    %dma_wait3A_813 = arith.constant 0 : i32
    %dma_wait3A_814 = tpu.memref_slice %arg7[%dma_wait3A_813] : memref<131072xi32, #tpu.memory_space<hbm>> -> memref<131072xi32, #tpu.memory_space<hbm>>
    tpu.wait_indirect_dma semaphore(%arg14 : memref<!tpu.dma_semaphore, #tpu.memory_space<semaphore_mem>>) src(%dma_wait3A_809 : memref<128xi32, #tpu.memory_space<vmem>>) dst(%dma_wait3A_814 : memref<131072xi32, #tpu.memory_space<hbm>>)
    %dma_wait3A_815 = arith.constant 5 : i32
    %dma_wait3A_816 = arith.constant 640 : i32
    %dma_wait3A_817 = tpu.memref_slice %arg12[%dma_wait3A_816] : memref<4096xi32, #tpu.memory_space<vmem>> -> memref<128xi32, #tpu.memory_space<vmem>>
    %dma_wait3A_818 = arith.constant 0 : i32
    %dma_wait3A_819 = tpu.memref_slice %arg13[%dma_wait3A_815, %dma_wait3A_818] : memref<32x128xi32, #tpu.memory_space<vmem>> -> memref<1x128xi32, #tpu.memory_space<vmem>>
    %dma_wait3A_820 = tpu.memref_squeeze %dma_wait3A_819 : memref<1x128xi32, #tpu.memory_space<vmem>> -> memref<128xi32, #tpu.memory_space<vmem>>
    %dma_wait3A_821 = arith.constant 0 : i32
    %dma_wait3A_822 = tpu.memref_slice %arg7[%dma_wait3A_821] : memref<131072xi32, #tpu.memory_space<hbm>> -> memref<131072xi32, #tpu.memory_space<hbm>>
    tpu.wait_indirect_dma semaphore(%arg14 : memref<!tpu.dma_semaphore, #tpu.memory_space<semaphore_mem>>) src(%dma_wait3A_817 : memref<128xi32, #tpu.memory_space<vmem>>) dst(%dma_wait3A_822 : memref<131072xi32, #tpu.memory_space<hbm>>)
    %dma_wait3A_823 = arith.constant 6 : i32
    %dma_wait3A_824 = arith.constant 768 : i32
    %dma_wait3A_825 = tpu.memref_slice %arg12[%dma_wait3A_824] : memref<4096xi32, #tpu.memory_space<vmem>> -> memref<128xi32, #tpu.memory_space<vmem>>
    %dma_wait3A_826 = arith.constant 0 : i32
    %dma_wait3A_827 = tpu.memref_slice %arg13[%dma_wait3A_823, %dma_wait3A_826] : memref<32x128xi32, #tpu.memory_space<vmem>> -> memref<1x128xi32, #tpu.memory_space<vmem>>
    %dma_wait3A_828 = tpu.memref_squeeze %dma_wait3A_827 : memref<1x128xi32, #tpu.memory_space<vmem>> -> memref<128xi32, #tpu.memory_space<vmem>>
    %dma_wait3A_829 = arith.constant 0 : i32
    %dma_wait3A_830 = tpu.memref_slice %arg7[%dma_wait3A_829] : memref<131072xi32, #tpu.memory_space<hbm>> -> memref<131072xi32, #tpu.memory_space<hbm>>
    tpu.wait_indirect_dma semaphore(%arg14 : memref<!tpu.dma_semaphore, #tpu.memory_space<semaphore_mem>>) src(%dma_wait3A_825 : memref<128xi32, #tpu.memory_space<vmem>>) dst(%dma_wait3A_830 : memref<131072xi32, #tpu.memory_space<hbm>>)
    %dma_wait3A_831 = arith.constant 7 : i32
    %dma_wait3A_832 = arith.constant 896 : i32
    %dma_wait3A_833 = tpu.memref_slice %arg12[%dma_wait3A_832] : memref<4096xi32, #tpu.memory_space<vmem>> -> memref<128xi32, #tpu.memory_space<vmem>>
    %dma_wait3A_834 = arith.constant 0 : i32
    %dma_wait3A_835 = tpu.memref_slice %arg13[%dma_wait3A_831, %dma_wait3A_834] : memref<32x128xi32, #tpu.memory_space<vmem>> -> memref<1x128xi32, #tpu.memory_space<vmem>>
    %dma_wait3A_836 = tpu.memref_squeeze %dma_wait3A_835 : memref<1x128xi32, #tpu.memory_space<vmem>> -> memref<128xi32, #tpu.memory_space<vmem>>
    %dma_wait3A_837 = arith.constant 0 : i32
    %dma_wait3A_838 = tpu.memref_slice %arg7[%dma_wait3A_837] : memref<131072xi32, #tpu.memory_space<hbm>> -> memref<131072xi32, #tpu.memory_space<hbm>>
    tpu.wait_indirect_dma semaphore(%arg14 : memref<!tpu.dma_semaphore, #tpu.memory_space<semaphore_mem>>) src(%dma_wait3A_833 : memref<128xi32, #tpu.memory_space<vmem>>) dst(%dma_wait3A_838 : memref<131072xi32, #tpu.memory_space<hbm>>)
    %dma_wait3A_839 = arith.constant 8 : i32
    %dma_wait3A_840 = arith.constant 1024 : i32
    %dma_wait3A_841 = tpu.memref_slice %arg12[%dma_wait3A_840] : memref<4096xi32, #tpu.memory_space<vmem>> -> memref<128xi32, #tpu.memory_space<vmem>>
    %dma_wait3A_842 = arith.constant 0 : i32
    %dma_wait3A_843 = tpu.memref_slice %arg13[%dma_wait3A_839, %dma_wait3A_842] : memref<32x128xi32, #tpu.memory_space<vmem>> -> memref<1x128xi32, #tpu.memory_space<vmem>>
    %dma_wait3A_844 = tpu.memref_squeeze %dma_wait3A_843 : memref<1x128xi32, #tpu.memory_space<vmem>> -> memref<128xi32, #tpu.memory_space<vmem>>
    %dma_wait3A_845 = arith.constant 0 : i32
    %dma_wait3A_846 = tpu.memref_slice %arg7[%dma_wait3A_845] : memref<131072xi32, #tpu.memory_space<hbm>> -> memref<131072xi32, #tpu.memory_space<hbm>>
    tpu.wait_indirect_dma semaphore(%arg14 : memref<!tpu.dma_semaphore, #tpu.memory_space<semaphore_mem>>) src(%dma_wait3A_841 : memref<128xi32, #tpu.memory_space<vmem>>) dst(%dma_wait3A_846 : memref<131072xi32, #tpu.memory_space<hbm>>)
    %dma_wait3A_847 = arith.constant 9 : i32
    %dma_wait3A_848 = arith.constant 1152 : i32
    %dma_wait3A_849 = tpu.memref_slice %arg12[%dma_wait3A_848] : memref<4096xi32, #tpu.memory_space<vmem>> -> memref<128xi32, #tpu.memory_space<vmem>>
    %dma_wait3A_850 = arith.constant 0 : i32
    %dma_wait3A_851 = tpu.memref_slice %arg13[%dma_wait3A_847, %dma_wait3A_850] : memref<32x128xi32, #tpu.memory_space<vmem>> -> memref<1x128xi32, #tpu.memory_space<vmem>>
    %dma_wait3A_852 = tpu.memref_squeeze %dma_wait3A_851 : memref<1x128xi32, #tpu.memory_space<vmem>> -> memref<128xi32, #tpu.memory_space<vmem>>
    %dma_wait3A_853 = arith.constant 0 : i32
    %dma_wait3A_854 = tpu.memref_slice %arg7[%dma_wait3A_853] : memref<131072xi32, #tpu.memory_space<hbm>> -> memref<131072xi32, #tpu.memory_space<hbm>>
    tpu.wait_indirect_dma semaphore(%arg14 : memref<!tpu.dma_semaphore, #tpu.memory_space<semaphore_mem>>) src(%dma_wait3A_849 : memref<128xi32, #tpu.memory_space<vmem>>) dst(%dma_wait3A_854 : memref<131072xi32, #tpu.memory_space<hbm>>)
    %dma_wait3A_855 = arith.constant 10 : i32
    %dma_wait3A_856 = arith.constant 1280 : i32
    %dma_wait3A_857 = tpu.memref_slice %arg12[%dma_wait3A_856] : memref<4096xi32, #tpu.memory_space<vmem>> -> memref<128xi32, #tpu.memory_space<vmem>>
    %dma_wait3A_858 = arith.constant 0 : i32
    %dma_wait3A_859 = tpu.memref_slice %arg13[%dma_wait3A_855, %dma_wait3A_858] : memref<32x128xi32, #tpu.memory_space<vmem>> -> memref<1x128xi32, #tpu.memory_space<vmem>>
    %dma_wait3A_860 = tpu.memref_squeeze %dma_wait3A_859 : memref<1x128xi32, #tpu.memory_space<vmem>> -> memref<128xi32, #tpu.memory_space<vmem>>
    %dma_wait3A_861 = arith.constant 0 : i32
    %dma_wait3A_862 = tpu.memref_slice %arg7[%dma_wait3A_861] : memref<131072xi32, #tpu.memory_space<hbm>> -> memref<131072xi32, #tpu.memory_space<hbm>>
    tpu.wait_indirect_dma semaphore(%arg14 : memref<!tpu.dma_semaphore, #tpu.memory_space<semaphore_mem>>) src(%dma_wait3A_857 : memref<128xi32, #tpu.memory_space<vmem>>) dst(%dma_wait3A_862 : memref<131072xi32, #tpu.memory_space<hbm>>)
    %dma_wait3A_863 = arith.constant 11 : i32
    %dma_wait3A_864 = arith.constant 1408 : i32
    %dma_wait3A_865 = tpu.memref_slice %arg12[%dma_wait3A_864] : memref<4096xi32, #tpu.memory_space<vmem>> -> memref<128xi32, #tpu.memory_space<vmem>>
    %dma_wait3A_866 = arith.constant 0 : i32
    %dma_wait3A_867 = tpu.memref_slice %arg13[%dma_wait3A_863, %dma_wait3A_866] : memref<32x128xi32, #tpu.memory_space<vmem>> -> memref<1x128xi32, #tpu.memory_space<vmem>>
    %dma_wait3A_868 = tpu.memref_squeeze %dma_wait3A_867 : memref<1x128xi32, #tpu.memory_space<vmem>> -> memref<128xi32, #tpu.memory_space<vmem>>
    %dma_wait3A_869 = arith.constant 0 : i32
    %dma_wait3A_870 = tpu.memref_slice %arg7[%dma_wait3A_869] : memref<131072xi32, #tpu.memory_space<hbm>> -> memref<131072xi32, #tpu.memory_space<hbm>>
    tpu.wait_indirect_dma semaphore(%arg14 : memref<!tpu.dma_semaphore, #tpu.memory_space<semaphore_mem>>) src(%dma_wait3A_865 : memref<128xi32, #tpu.memory_space<vmem>>) dst(%dma_wait3A_870 : memref<131072xi32, #tpu.memory_space<hbm>>)
    %dma_wait3A_871 = arith.constant 12 : i32
    %dma_wait3A_872 = arith.constant 1536 : i32
    %dma_wait3A_873 = tpu.memref_slice %arg12[%dma_wait3A_872] : memref<4096xi32, #tpu.memory_space<vmem>> -> memref<128xi32, #tpu.memory_space<vmem>>
    %dma_wait3A_874 = arith.constant 0 : i32
    %dma_wait3A_875 = tpu.memref_slice %arg13[%dma_wait3A_871, %dma_wait3A_874] : memref<32x128xi32, #tpu.memory_space<vmem>> -> memref<1x128xi32, #tpu.memory_space<vmem>>
    %dma_wait3A_876 = tpu.memref_squeeze %dma_wait3A_875 : memref<1x128xi32, #tpu.memory_space<vmem>> -> memref<128xi32, #tpu.memory_space<vmem>>
    %dma_wait3A_877 = arith.constant 0 : i32
    %dma_wait3A_878 = tpu.memref_slice %arg7[%dma_wait3A_877] : memref<131072xi32, #tpu.memory_space<hbm>> -> memref<131072xi32, #tpu.memory_space<hbm>>
    tpu.wait_indirect_dma semaphore(%arg14 : memref<!tpu.dma_semaphore, #tpu.memory_space<semaphore_mem>>) src(%dma_wait3A_873 : memref<128xi32, #tpu.memory_space<vmem>>) dst(%dma_wait3A_878 : memref<131072xi32, #tpu.memory_space<hbm>>)
    %dma_wait3A_879 = arith.constant 13 : i32
    %dma_wait3A_880 = arith.constant 1664 : i32
    %dma_wait3A_881 = tpu.memref_slice %arg12[%dma_wait3A_880] : memref<4096xi32, #tpu.memory_space<vmem>> -> memref<128xi32, #tpu.memory_space<vmem>>
    %dma_wait3A_882 = arith.constant 0 : i32
    %dma_wait3A_883 = tpu.memref_slice %arg13[%dma_wait3A_879, %dma_wait3A_882] : memref<32x128xi32, #tpu.memory_space<vmem>> -> memref<1x128xi32, #tpu.memory_space<vmem>>
    %dma_wait3A_884 = tpu.memref_squeeze %dma_wait3A_883 : memref<1x128xi32, #tpu.memory_space<vmem>> -> memref<128xi32, #tpu.memory_space<vmem>>
    %dma_wait3A_885 = arith.constant 0 : i32
    %dma_wait3A_886 = tpu.memref_slice %arg7[%dma_wait3A_885] : memref<131072xi32, #tpu.memory_space<hbm>> -> memref<131072xi32, #tpu.memory_space<hbm>>
    tpu.wait_indirect_dma semaphore(%arg14 : memref<!tpu.dma_semaphore, #tpu.memory_space<semaphore_mem>>) src(%dma_wait3A_881 : memref<128xi32, #tpu.memory_space<vmem>>) dst(%dma_wait3A_886 : memref<131072xi32, #tpu.memory_space<hbm>>)
    %dma_wait3A_887 = arith.constant 14 : i32
    %dma_wait3A_888 = arith.constant 1792 : i32
    %dma_wait3A_889 = tpu.memref_slice %arg12[%dma_wait3A_888] : memref<4096xi32, #tpu.memory_space<vmem>> -> memref<128xi32, #tpu.memory_space<vmem>>
    %dma_wait3A_890 = arith.constant 0 : i32
    %dma_wait3A_891 = tpu.memref_slice %arg13[%dma_wait3A_887, %dma_wait3A_890] : memref<32x128xi32, #tpu.memory_space<vmem>> -> memref<1x128xi32, #tpu.memory_space<vmem>>
    %dma_wait3A_892 = tpu.memref_squeeze %dma_wait3A_891 : memref<1x128xi32, #tpu.memory_space<vmem>> -> memref<128xi32, #tpu.memory_space<vmem>>
    %dma_wait3A_893 = arith.constant 0 : i32
    %dma_wait3A_894 = tpu.memref_slice %arg7[%dma_wait3A_893] : memref<131072xi32, #tpu.memory_space<hbm>> -> memref<131072xi32, #tpu.memory_space<hbm>>
    tpu.wait_indirect_dma semaphore(%arg14 : memref<!tpu.dma_semaphore, #tpu.memory_space<semaphore_mem>>) src(%dma_wait3A_889 : memref<128xi32, #tpu.memory_space<vmem>>) dst(%dma_wait3A_894 : memref<131072xi32, #tpu.memory_space<hbm>>)
    %dma_wait3A_895 = arith.constant 15 : i32
    %dma_wait3A_896 = arith.constant 1920 : i32
    %dma_wait3A_897 = tpu.memref_slice %arg12[%dma_wait3A_896] : memref<4096xi32, #tpu.memory_space<vmem>> -> memref<128xi32, #tpu.memory_space<vmem>>
    %dma_wait3A_898 = arith.constant 0 : i32
    %dma_wait3A_899 = tpu.memref_slice %arg13[%dma_wait3A_895, %dma_wait3A_898] : memref<32x128xi32, #tpu.memory_space<vmem>> -> memref<1x128xi32, #tpu.memory_space<vmem>>
    %dma_wait3A_900 = tpu.memref_squeeze %dma_wait3A_899 : memref<1x128xi32, #tpu.memory_space<vmem>> -> memref<128xi32, #tpu.memory_space<vmem>>
    %dma_wait3A_901 = arith.constant 0 : i32
    %dma_wait3A_902 = tpu.memref_slice %arg7[%dma_wait3A_901] : memref<131072xi32, #tpu.memory_space<hbm>> -> memref<131072xi32, #tpu.memory_space<hbm>>
    tpu.wait_indirect_dma semaphore(%arg14 : memref<!tpu.dma_semaphore, #tpu.memory_space<semaphore_mem>>) src(%dma_wait3A_897 : memref<128xi32, #tpu.memory_space<vmem>>) dst(%dma_wait3A_902 : memref<131072xi32, #tpu.memory_space<hbm>>)
    %dma_wait3A_903 = arith.constant 16 : i32
    %dma_wait3A_904 = arith.constant 2048 : i32
    %dma_wait3A_905 = tpu.memref_slice %arg12[%dma_wait3A_904] : memref<4096xi32, #tpu.memory_space<vmem>> -> memref<128xi32, #tpu.memory_space<vmem>>
    %dma_wait3A_906 = arith.constant 0 : i32
    %dma_wait3A_907 = tpu.memref_slice %arg13[%dma_wait3A_903, %dma_wait3A_906] : memref<32x128xi32, #tpu.memory_space<vmem>> -> memref<1x128xi32, #tpu.memory_space<vmem>>
    %dma_wait3A_908 = tpu.memref_squeeze %dma_wait3A_907 : memref<1x128xi32, #tpu.memory_space<vmem>> -> memref<128xi32, #tpu.memory_space<vmem>>
    %dma_wait3A_909 = arith.constant 0 : i32
    %dma_wait3A_910 = tpu.memref_slice %arg7[%dma_wait3A_909] : memref<131072xi32, #tpu.memory_space<hbm>> -> memref<131072xi32, #tpu.memory_space<hbm>>
    tpu.wait_indirect_dma semaphore(%arg14 : memref<!tpu.dma_semaphore, #tpu.memory_space<semaphore_mem>>) src(%dma_wait3A_905 : memref<128xi32, #tpu.memory_space<vmem>>) dst(%dma_wait3A_910 : memref<131072xi32, #tpu.memory_space<hbm>>)
    %dma_wait3A_911 = arith.constant 17 : i32
    %dma_wait3A_912 = arith.constant 2176 : i32
    %dma_wait3A_913 = tpu.memref_slice %arg12[%dma_wait3A_912] : memref<4096xi32, #tpu.memory_space<vmem>> -> memref<128xi32, #tpu.memory_space<vmem>>
    %dma_wait3A_914 = arith.constant 0 : i32
    %dma_wait3A_915 = tpu.memref_slice %arg13[%dma_wait3A_911, %dma_wait3A_914] : memref<32x128xi32, #tpu.memory_space<vmem>> -> memref<1x128xi32, #tpu.memory_space<vmem>>
    %dma_wait3A_916 = tpu.memref_squeeze %dma_wait3A_915 : memref<1x128xi32, #tpu.memory_space<vmem>> -> memref<128xi32, #tpu.memory_space<vmem>>
    %dma_wait3A_917 = arith.constant 0 : i32
    %dma_wait3A_918 = tpu.memref_slice %arg7[%dma_wait3A_917] : memref<131072xi32, #tpu.memory_space<hbm>> -> memref<131072xi32, #tpu.memory_space<hbm>>
    tpu.wait_indirect_dma semaphore(%arg14 : memref<!tpu.dma_semaphore, #tpu.memory_space<semaphore_mem>>) src(%dma_wait3A_913 : memref<128xi32, #tpu.memory_space<vmem>>) dst(%dma_wait3A_918 : memref<131072xi32, #tpu.memory_space<hbm>>)
    %dma_wait3A_919 = arith.constant 18 : i32
    %dma_wait3A_920 = arith.constant 2304 : i32
    %dma_wait3A_921 = tpu.memref_slice %arg12[%dma_wait3A_920] : memref<4096xi32, #tpu.memory_space<vmem>> -> memref<128xi32, #tpu.memory_space<vmem>>
    %dma_wait3A_922 = arith.constant 0 : i32
    %dma_wait3A_923 = tpu.memref_slice %arg13[%dma_wait3A_919, %dma_wait3A_922] : memref<32x128xi32, #tpu.memory_space<vmem>> -> memref<1x128xi32, #tpu.memory_space<vmem>>
    %dma_wait3A_924 = tpu.memref_squeeze %dma_wait3A_923 : memref<1x128xi32, #tpu.memory_space<vmem>> -> memref<128xi32, #tpu.memory_space<vmem>>
    %dma_wait3A_925 = arith.constant 0 : i32
    %dma_wait3A_926 = tpu.memref_slice %arg7[%dma_wait3A_925] : memref<131072xi32, #tpu.memory_space<hbm>> -> memref<131072xi32, #tpu.memory_space<hbm>>
    tpu.wait_indirect_dma semaphore(%arg14 : memref<!tpu.dma_semaphore, #tpu.memory_space<semaphore_mem>>) src(%dma_wait3A_921 : memref<128xi32, #tpu.memory_space<vmem>>) dst(%dma_wait3A_926 : memref<131072xi32, #tpu.memory_space<hbm>>)
    %dma_wait3A_927 = arith.constant 19 : i32
    %dma_wait3A_928 = arith.constant 2432 : i32
    %dma_wait3A_929 = tpu.memref_slice %arg12[%dma_wait3A_928] : memref<4096xi32, #tpu.memory_space<vmem>> -> memref<128xi32, #tpu.memory_space<vmem>>
    %dma_wait3A_930 = arith.constant 0 : i32
    %dma_wait3A_931 = tpu.memref_slice %arg13[%dma_wait3A_927, %dma_wait3A_930] : memref<32x128xi32, #tpu.memory_space<vmem>> -> memref<1x128xi32, #tpu.memory_space<vmem>>
    %dma_wait3A_932 = tpu.memref_squeeze %dma_wait3A_931 : memref<1x128xi32, #tpu.memory_space<vmem>> -> memref<128xi32, #tpu.memory_space<vmem>>
    %dma_wait3A_933 = arith.constant 0 : i32
    %dma_wait3A_934 = tpu.memref_slice %arg7[%dma_wait3A_933] : memref<131072xi32, #tpu.memory_space<hbm>> -> memref<131072xi32, #tpu.memory_space<hbm>>
    tpu.wait_indirect_dma semaphore(%arg14 : memref<!tpu.dma_semaphore, #tpu.memory_space<semaphore_mem>>) src(%dma_wait3A_929 : memref<128xi32, #tpu.memory_space<vmem>>) dst(%dma_wait3A_934 : memref<131072xi32, #tpu.memory_space<hbm>>)
    %dma_wait3A_935 = arith.constant 20 : i32
    %dma_wait3A_936 = arith.constant 2560 : i32
    %dma_wait3A_937 = tpu.memref_slice %arg12[%dma_wait3A_936] : memref<4096xi32, #tpu.memory_space<vmem>> -> memref<128xi32, #tpu.memory_space<vmem>>
    %dma_wait3A_938 = arith.constant 0 : i32
    %dma_wait3A_939 = tpu.memref_slice %arg13[%dma_wait3A_935, %dma_wait3A_938] : memref<32x128xi32, #tpu.memory_space<vmem>> -> memref<1x128xi32, #tpu.memory_space<vmem>>
    %dma_wait3A_940 = tpu.memref_squeeze %dma_wait3A_939 : memref<1x128xi32, #tpu.memory_space<vmem>> -> memref<128xi32, #tpu.memory_space<vmem>>
    %dma_wait3A_941 = arith.constant 0 : i32
    %dma_wait3A_942 = tpu.memref_slice %arg7[%dma_wait3A_941] : memref<131072xi32, #tpu.memory_space<hbm>> -> memref<131072xi32, #tpu.memory_space<hbm>>
    tpu.wait_indirect_dma semaphore(%arg14 : memref<!tpu.dma_semaphore, #tpu.memory_space<semaphore_mem>>) src(%dma_wait3A_937 : memref<128xi32, #tpu.memory_space<vmem>>) dst(%dma_wait3A_942 : memref<131072xi32, #tpu.memory_space<hbm>>)
    %dma_wait3A_943 = arith.constant 21 : i32
    %dma_wait3A_944 = arith.constant 2688 : i32
    %dma_wait3A_945 = tpu.memref_slice %arg12[%dma_wait3A_944] : memref<4096xi32, #tpu.memory_space<vmem>> -> memref<128xi32, #tpu.memory_space<vmem>>
    %dma_wait3A_946 = arith.constant 0 : i32
    %dma_wait3A_947 = tpu.memref_slice %arg13[%dma_wait3A_943, %dma_wait3A_946] : memref<32x128xi32, #tpu.memory_space<vmem>> -> memref<1x128xi32, #tpu.memory_space<vmem>>
    %dma_wait3A_948 = tpu.memref_squeeze %dma_wait3A_947 : memref<1x128xi32, #tpu.memory_space<vmem>> -> memref<128xi32, #tpu.memory_space<vmem>>
    %dma_wait3A_949 = arith.constant 0 : i32
    %dma_wait3A_950 = tpu.memref_slice %arg7[%dma_wait3A_949] : memref<131072xi32, #tpu.memory_space<hbm>> -> memref<131072xi32, #tpu.memory_space<hbm>>
    tpu.wait_indirect_dma semaphore(%arg14 : memref<!tpu.dma_semaphore, #tpu.memory_space<semaphore_mem>>) src(%dma_wait3A_945 : memref<128xi32, #tpu.memory_space<vmem>>) dst(%dma_wait3A_950 : memref<131072xi32, #tpu.memory_space<hbm>>)
    %dma_wait3A_951 = arith.constant 22 : i32
    %dma_wait3A_952 = arith.constant 2816 : i32
    %dma_wait3A_953 = tpu.memref_slice %arg12[%dma_wait3A_952] : memref<4096xi32, #tpu.memory_space<vmem>> -> memref<128xi32, #tpu.memory_space<vmem>>
    %dma_wait3A_954 = arith.constant 0 : i32
    %dma_wait3A_955 = tpu.memref_slice %arg13[%dma_wait3A_951, %dma_wait3A_954] : memref<32x128xi32, #tpu.memory_space<vmem>> -> memref<1x128xi32, #tpu.memory_space<vmem>>
    %dma_wait3A_956 = tpu.memref_squeeze %dma_wait3A_955 : memref<1x128xi32, #tpu.memory_space<vmem>> -> memref<128xi32, #tpu.memory_space<vmem>>
    %dma_wait3A_957 = arith.constant 0 : i32
    %dma_wait3A_958 = tpu.memref_slice %arg7[%dma_wait3A_957] : memref<131072xi32, #tpu.memory_space<hbm>> -> memref<131072xi32, #tpu.memory_space<hbm>>
    tpu.wait_indirect_dma semaphore(%arg14 : memref<!tpu.dma_semaphore, #tpu.memory_space<semaphore_mem>>) src(%dma_wait3A_953 : memref<128xi32, #tpu.memory_space<vmem>>) dst(%dma_wait3A_958 : memref<131072xi32, #tpu.memory_space<hbm>>)
    %dma_wait3A_959 = arith.constant 23 : i32
    %dma_wait3A_960 = arith.constant 2944 : i32
    %dma_wait3A_961 = tpu.memref_slice %arg12[%dma_wait3A_960] : memref<4096xi32, #tpu.memory_space<vmem>> -> memref<128xi32, #tpu.memory_space<vmem>>
    %dma_wait3A_962 = arith.constant 0 : i32
    %dma_wait3A_963 = tpu.memref_slice %arg13[%dma_wait3A_959, %dma_wait3A_962] : memref<32x128xi32, #tpu.memory_space<vmem>> -> memref<1x128xi32, #tpu.memory_space<vmem>>
    %dma_wait3A_964 = tpu.memref_squeeze %dma_wait3A_963 : memref<1x128xi32, #tpu.memory_space<vmem>> -> memref<128xi32, #tpu.memory_space<vmem>>
    %dma_wait3A_965 = arith.constant 0 : i32
    %dma_wait3A_966 = tpu.memref_slice %arg7[%dma_wait3A_965] : memref<131072xi32, #tpu.memory_space<hbm>> -> memref<131072xi32, #tpu.memory_space<hbm>>
    tpu.wait_indirect_dma semaphore(%arg14 : memref<!tpu.dma_semaphore, #tpu.memory_space<semaphore_mem>>) src(%dma_wait3A_961 : memref<128xi32, #tpu.memory_space<vmem>>) dst(%dma_wait3A_966 : memref<131072xi32, #tpu.memory_space<hbm>>)
    %dma_wait3A_967 = arith.constant 24 : i32
    %dma_wait3A_968 = arith.constant 3072 : i32
    %dma_wait3A_969 = tpu.memref_slice %arg12[%dma_wait3A_968] : memref<4096xi32, #tpu.memory_space<vmem>> -> memref<128xi32, #tpu.memory_space<vmem>>
    %dma_wait3A_970 = arith.constant 0 : i32
    %dma_wait3A_971 = tpu.memref_slice %arg13[%dma_wait3A_967, %dma_wait3A_970] : memref<32x128xi32, #tpu.memory_space<vmem>> -> memref<1x128xi32, #tpu.memory_space<vmem>>
    %dma_wait3A_972 = tpu.memref_squeeze %dma_wait3A_971 : memref<1x128xi32, #tpu.memory_space<vmem>> -> memref<128xi32, #tpu.memory_space<vmem>>
    %dma_wait3A_973 = arith.constant 0 : i32
    %dma_wait3A_974 = tpu.memref_slice %arg7[%dma_wait3A_973] : memref<131072xi32, #tpu.memory_space<hbm>> -> memref<131072xi32, #tpu.memory_space<hbm>>
    tpu.wait_indirect_dma semaphore(%arg14 : memref<!tpu.dma_semaphore, #tpu.memory_space<semaphore_mem>>) src(%dma_wait3A_969 : memref<128xi32, #tpu.memory_space<vmem>>) dst(%dma_wait3A_974 : memref<131072xi32, #tpu.memory_space<hbm>>)
    %dma_wait3A_975 = arith.constant 25 : i32
    %dma_wait3A_976 = arith.constant 3200 : i32
    %dma_wait3A_977 = tpu.memref_slice %arg12[%dma_wait3A_976] : memref<4096xi32, #tpu.memory_space<vmem>> -> memref<128xi32, #tpu.memory_space<vmem>>
    %dma_wait3A_978 = arith.constant 0 : i32
    %dma_wait3A_979 = tpu.memref_slice %arg13[%dma_wait3A_975, %dma_wait3A_978] : memref<32x128xi32, #tpu.memory_space<vmem>> -> memref<1x128xi32, #tpu.memory_space<vmem>>
    %dma_wait3A_980 = tpu.memref_squeeze %dma_wait3A_979 : memref<1x128xi32, #tpu.memory_space<vmem>> -> memref<128xi32, #tpu.memory_space<vmem>>
    %dma_wait3A_981 = arith.constant 0 : i32
    %dma_wait3A_982 = tpu.memref_slice %arg7[%dma_wait3A_981] : memref<131072xi32, #tpu.memory_space<hbm>> -> memref<131072xi32, #tpu.memory_space<hbm>>
    tpu.wait_indirect_dma semaphore(%arg14 : memref<!tpu.dma_semaphore, #tpu.memory_space<semaphore_mem>>) src(%dma_wait3A_977 : memref<128xi32, #tpu.memory_space<vmem>>) dst(%dma_wait3A_982 : memref<131072xi32, #tpu.memory_space<hbm>>)
    %dma_wait3A_983 = arith.constant 26 : i32
    %dma_wait3A_984 = arith.constant 3328 : i32
    %dma_wait3A_985 = tpu.memref_slice %arg12[%dma_wait3A_984] : memref<4096xi32, #tpu.memory_space<vmem>> -> memref<128xi32, #tpu.memory_space<vmem>>
    %dma_wait3A_986 = arith.constant 0 : i32
    %dma_wait3A_987 = tpu.memref_slice %arg13[%dma_wait3A_983, %dma_wait3A_986] : memref<32x128xi32, #tpu.memory_space<vmem>> -> memref<1x128xi32, #tpu.memory_space<vmem>>
    %dma_wait3A_988 = tpu.memref_squeeze %dma_wait3A_987 : memref<1x128xi32, #tpu.memory_space<vmem>> -> memref<128xi32, #tpu.memory_space<vmem>>
    %dma_wait3A_989 = arith.constant 0 : i32
    %dma_wait3A_990 = tpu.memref_slice %arg7[%dma_wait3A_989] : memref<131072xi32, #tpu.memory_space<hbm>> -> memref<131072xi32, #tpu.memory_space<hbm>>
    tpu.wait_indirect_dma semaphore(%arg14 : memref<!tpu.dma_semaphore, #tpu.memory_space<semaphore_mem>>) src(%dma_wait3A_985 : memref<128xi32, #tpu.memory_space<vmem>>) dst(%dma_wait3A_990 : memref<131072xi32, #tpu.memory_space<hbm>>)
    %dma_wait3A_991 = arith.constant 27 : i32
    %dma_wait3A_992 = arith.constant 3456 : i32
    %dma_wait3A_993 = tpu.memref_slice %arg12[%dma_wait3A_992] : memref<4096xi32, #tpu.memory_space<vmem>> -> memref<128xi32, #tpu.memory_space<vmem>>
    %dma_wait3A_994 = arith.constant 0 : i32
    %dma_wait3A_995 = tpu.memref_slice %arg13[%dma_wait3A_991, %dma_wait3A_994] : memref<32x128xi32, #tpu.memory_space<vmem>> -> memref<1x128xi32, #tpu.memory_space<vmem>>
    %dma_wait3A_996 = tpu.memref_squeeze %dma_wait3A_995 : memref<1x128xi32, #tpu.memory_space<vmem>> -> memref<128xi32, #tpu.memory_space<vmem>>
    %dma_wait3A_997 = arith.constant 0 : i32
    %dma_wait3A_998 = tpu.memref_slice %arg7[%dma_wait3A_997] : memref<131072xi32, #tpu.memory_space<hbm>> -> memref<131072xi32, #tpu.memory_space<hbm>>
    tpu.wait_indirect_dma semaphore(%arg14 : memref<!tpu.dma_semaphore, #tpu.memory_space<semaphore_mem>>) src(%dma_wait3A_993 : memref<128xi32, #tpu.memory_space<vmem>>) dst(%dma_wait3A_998 : memref<131072xi32, #tpu.memory_space<hbm>>)
    %dma_wait3A_999 = arith.constant 28 : i32
    %dma_wait3A_1000 = arith.constant 3584 : i32
    %dma_wait3A_1001 = tpu.memref_slice %arg12[%dma_wait3A_1000] : memref<4096xi32, #tpu.memory_space<vmem>> -> memref<128xi32, #tpu.memory_space<vmem>>
    %dma_wait3A_1002 = arith.constant 0 : i32
    %dma_wait3A_1003 = tpu.memref_slice %arg13[%dma_wait3A_999, %dma_wait3A_1002] : memref<32x128xi32, #tpu.memory_space<vmem>> -> memref<1x128xi32, #tpu.memory_space<vmem>>
    %dma_wait3A_1004 = tpu.memref_squeeze %dma_wait3A_1003 : memref<1x128xi32, #tpu.memory_space<vmem>> -> memref<128xi32, #tpu.memory_space<vmem>>
    %dma_wait3A_1005 = arith.constant 0 : i32
    %dma_wait3A_1006 = tpu.memref_slice %arg7[%dma_wait3A_1005] : memref<131072xi32, #tpu.memory_space<hbm>> -> memref<131072xi32, #tpu.memory_space<hbm>>
    tpu.wait_indirect_dma semaphore(%arg14 : memref<!tpu.dma_semaphore, #tpu.memory_space<semaphore_mem>>) src(%dma_wait3A_1001 : memref<128xi32, #tpu.memory_space<vmem>>) dst(%dma_wait3A_1006 : memref<131072xi32, #tpu.memory_space<hbm>>)
    %dma_wait3A_1007 = arith.constant 29 : i32
    %dma_wait3A_1008 = arith.constant 3712 : i32
    %dma_wait3A_1009 = tpu.memref_slice %arg12[%dma_wait3A_1008] : memref<4096xi32, #tpu.memory_space<vmem>> -> memref<128xi32, #tpu.memory_space<vmem>>
    %dma_wait3A_1010 = arith.constant 0 : i32
    %dma_wait3A_1011 = tpu.memref_slice %arg13[%dma_wait3A_1007, %dma_wait3A_1010] : memref<32x128xi32, #tpu.memory_space<vmem>> -> memref<1x128xi32, #tpu.memory_space<vmem>>
    %dma_wait3A_1012 = tpu.memref_squeeze %dma_wait3A_1011 : memref<1x128xi32, #tpu.memory_space<vmem>> -> memref<128xi32, #tpu.memory_space<vmem>>
    %dma_wait3A_1013 = arith.constant 0 : i32
    %dma_wait3A_1014 = tpu.memref_slice %arg7[%dma_wait3A_1013] : memref<131072xi32, #tpu.memory_space<hbm>> -> memref<131072xi32, #tpu.memory_space<hbm>>
    tpu.wait_indirect_dma semaphore(%arg14 : memref<!tpu.dma_semaphore, #tpu.memory_space<semaphore_mem>>) src(%dma_wait3A_1009 : memref<128xi32, #tpu.memory_space<vmem>>) dst(%dma_wait3A_1014 : memref<131072xi32, #tpu.memory_space<hbm>>)
    %dma_wait3A_1015 = arith.constant 30 : i32
    %dma_wait3A_1016 = arith.constant 3840 : i32
    %dma_wait3A_1017 = tpu.memref_slice %arg12[%dma_wait3A_1016] : memref<4096xi32, #tpu.memory_space<vmem>> -> memref<128xi32, #tpu.memory_space<vmem>>
    %dma_wait3A_1018 = arith.constant 0 : i32
    %dma_wait3A_1019 = tpu.memref_slice %arg13[%dma_wait3A_1015, %dma_wait3A_1018] : memref<32x128xi32, #tpu.memory_space<vmem>> -> memref<1x128xi32, #tpu.memory_space<vmem>>
    %dma_wait3A_1020 = tpu.memref_squeeze %dma_wait3A_1019 : memref<1x128xi32, #tpu.memory_space<vmem>> -> memref<128xi32, #tpu.memory_space<vmem>>
    %dma_wait3A_1021 = arith.constant 0 : i32
    %dma_wait3A_1022 = tpu.memref_slice %arg7[%dma_wait3A_1021] : memref<131072xi32, #tpu.memory_space<hbm>> -> memref<131072xi32, #tpu.memory_space<hbm>>
    tpu.wait_indirect_dma semaphore(%arg14 : memref<!tpu.dma_semaphore, #tpu.memory_space<semaphore_mem>>) src(%dma_wait3A_1017 : memref<128xi32, #tpu.memory_space<vmem>>) dst(%dma_wait3A_1022 : memref<131072xi32, #tpu.memory_space<hbm>>)
    %dma_wait3A_1023 = arith.constant 31 : i32
    %dma_wait3A_1024 = arith.constant 3968 : i32
    %dma_wait3A_1025 = tpu.memref_slice %arg12[%dma_wait3A_1024] : memref<4096xi32, #tpu.memory_space<vmem>> -> memref<128xi32, #tpu.memory_space<vmem>>
    %dma_wait3A_1026 = arith.constant 0 : i32
    %dma_wait3A_1027 = tpu.memref_slice %arg13[%dma_wait3A_1023, %dma_wait3A_1026] : memref<32x128xi32, #tpu.memory_space<vmem>> -> memref<1x128xi32, #tpu.memory_space<vmem>>
    %dma_wait3A_1028 = tpu.memref_squeeze %dma_wait3A_1027 : memref<1x128xi32, #tpu.memory_space<vmem>> -> memref<128xi32, #tpu.memory_space<vmem>>
    %dma_wait3A_1029 = arith.constant 0 : i32
    %dma_wait3A_1030 = tpu.memref_slice %arg7[%dma_wait3A_1029] : memref<131072xi32, #tpu.memory_space<hbm>> -> memref<131072xi32, #tpu.memory_space<hbm>>
    tpu.wait_indirect_dma semaphore(%arg14 : memref<!tpu.dma_semaphore, #tpu.memory_space<semaphore_mem>>) src(%dma_wait3A_1025 : memref<128xi32, #tpu.memory_space<vmem>>) dst(%dma_wait3A_1030 : memref<131072xi32, #tpu.memory_space<hbm>>)
    return
  }
}

module attributes {stable_mosaic.version = 14 : i64} {
  func.func @_router_block_kernel(%arg0: i32, %arg1: memref<256x4096xf32, #tpu.memory_space<vmem>>, %arg2: memref<64x4096xf32, #tpu.memory_space<vmem>>, %arg3: memref<256x8xf32, #tpu.memory_space<vmem>>, %arg4: memref<256x8xi32, #tpu.memory_space<vmem>>, %arg5: memref<256x8xi32, #tpu.memory_space<vmem>>, %arg6: memref<8x64xi32, #tpu.memory_space<vmem>>, %arg7: memref<8x64xi32, #tpu.memory_space<vmem>>, %arg8: memref<8x128xf32, #tpu.memory_space<vmem>>) attributes {dimension_semantics = [#tpu.dimension_semantics<arbitrary>], iteration_bounds = array<i64: 64>, scalar_prefetch = 0 : i64, scratch_operands = 1 : i64, tpu.core_type = #tpu.core_type<tc>, window_params = [{transform_indices = @transform_0, window_bounds = array<i64: 256, 4096>}, {pipeline_mode = #tpu.pipeline_mode<synchronous>, transform_indices = @transform_1, window_bounds = array<i64: 64, 4096>}, {transform_indices = @transform_2, window_bounds = array<i64: 256, 8>}, {transform_indices = @transform_3, window_bounds = array<i64: 256, 8>}, {transform_indices = @transform_4, window_bounds = array<i64: 256, 8>}, {pipeline_mode = #tpu.pipeline_mode<synchronous>, transform_indices = @transform_5, window_bounds = array<i64: 8, 64>}, {pipeline_mode = #tpu.pipeline_mode<synchronous>, transform_indices = @transform_6, window_bounds = array<i64: 8, 64>}]} {
    %eq3A = arith.constant 0 : i32
    %eq3A_0 = arith.cmpi eq, %arg0, %eq3A : i32
    %convert_element_type3A = arith.extui %eq3A_0 : i1 to i32
    %cond3A = arith.constant 0 : i32
    %cond3A_1 = arith.cmpi ne, %convert_element_type3A, %cond3A : i32
    scf.if %cond3A_1 {
      %broadcast_in_dim3A_241 = arith.constant 0.000000e+00 : f32
      %broadcast_in_dim3A_242 = vector.broadcast %broadcast_in_dim3A_241 : f32 to vector<8x128xf32>
      %swap3A_243 = arith.constant 0 : index
      %swap3A_244 = arith.constant 0 : index
      %swap3A_245 = vector.load %arg8[%swap3A_243, %swap3A_244] : memref<8x128xf32, #tpu.memory_space<vmem>>, vector<8x128xf32>
      tpu.vector_store %arg8[%swap3A_243, %swap3A_244], %broadcast_in_dim3A_242 {strides = array<i32>} : memref<8x128xf32, #tpu.memory_space<vmem>>, vector<8x128xf32>,
    } else {
    }
    %get3A = arith.constant 0 : index
    %get3A_2 = arith.constant 0 : index
    %get3A_3 = vector.load %arg1[%get3A, %get3A_2] : memref<256x4096xf32, #tpu.memory_space<vmem>>, vector<256x4096xf32>
    %get3A_4 = arith.constant 0 : index
    %get3A_5 = arith.constant 0 : index
    %get3A_6 = vector.load %arg2[%get3A_4, %get3A_5] : memref<64x4096xf32, #tpu.memory_space<vmem>>, vector<64x4096xf32>
    %dot_general3A = arith.constant dense<0.000000e+00> : vector<256x64xf32>
    %dot_general3A_7 = tpu.matmul %get3A_3, %get3A_6, %dot_general3A {dimension_numbers = #tpu.dot_dimension_numbers<[1], [1], [0], [0], [0, 0, 1, 0], [], []>, transpose_lhs_hint = false} : vector<256x4096xf32>, vector<64x4096xf32>, vector<256x64xf32> -> vector<256x64xf32>
    %reduce_max3A = arith.constant dense<0xFF800000> : vector<256xf32>
    %reduce_max3A_8 = vector.multi_reduction <maximumf>, %dot_general3A_7, %reduce_max3A [1] : vector<256x64xf32> to vector<256xf32>
    %broadcast_in_dim3A = vector.shape_cast %reduce_max3A_8 : vector<256xf32> to vector<256x1xf32>
    %sub3A = vector.broadcast %broadcast_in_dim3A : vector<256x1xf32> to vector<256x64xf32>
    %sub3A_9 = arith.subf %dot_general3A_7, %sub3A : vector<256x64xf32>
    %exp3A = math.exp %sub3A_9 : vector<256x64xf32>
    %reduce_sum3A = arith.constant dense<0.000000e+00> : vector<256xf32>
    %reduce_sum3A_10 = vector.multi_reduction <add>, %exp3A, %reduce_sum3A [1] : vector<256x64xf32> to vector<256xf32>
    %broadcast_in_dim3A_11 = vector.shape_cast %reduce_sum3A_10 : vector<256xf32> to vector<256x1xf32>
    %div3A = vector.broadcast %broadcast_in_dim3A_11 : vector<256x1xf32> to vector<256x64xf32>
    %div3A_12 = arith.divf %exp3A, %div3A : vector<256x64xf32>
    %iota3A = tpu.iota {dimensions = array<i32: 1>} : vector<256x64xi32>
    %broadcast_in_dim3A_13 = arith.constant 0.000000e+00 : f32
    %broadcast_in_dim3A_14 = vector.broadcast %broadcast_in_dim3A_13 : f32 to vector<256x64xf32>
    %reduce_max3A_15 = arith.constant dense<0xFF800000> : vector<256xf32>
    %reduce_max3A_16 = vector.multi_reduction <maximumf>, %div3A_12, %reduce_max3A_15 [1] : vector<256x64xf32> to vector<256xf32>
    %broadcast_in_dim3A_17 = vector.shape_cast %reduce_max3A_16 : vector<256xf32> to vector<256x1xf32>
    %eq3A_18 = vector.broadcast %broadcast_in_dim3A_17 : vector<256x1xf32> to vector<256x64xf32>
    %eq3A_19 = arith.cmpf oeq, %div3A_12, %eq3A_18 : vector<256x64xf32>
    %jit3A = arith.constant 64 : i32
    %broadcast_in_dim3A_20 = vector.broadcast %jit3A : i32 to vector<256x64xi32>
    %select_n3A = arith.select %eq3A_19, %iota3A, %broadcast_in_dim3A_20 : vector<256x64xi1>, vector<256x64xi32>
    %reduce_min3A = arith.constant dense<2147483647> : vector<256xi32>
    %reduce_min3A_21 = vector.multi_reduction <minsi>, %select_n3A, %reduce_min3A [1] : vector<256x64xi32> to vector<256xi32>
    %broadcast_in_dim3A_22 = vector.shape_cast %reduce_min3A_21 : vector<256xi32> to vector<256x1xi32>
    %eq3A_23 = vector.broadcast %broadcast_in_dim3A_22 : vector<256x1xi32> to vector<256x64xi32>
    %eq3A_24 = arith.cmpi eq, %iota3A, %eq3A_23 : vector<256x64xi32>
    %convert_element_type3A_25 = arith.extui %eq3A_24 : vector<256x64xi1> to vector<256x64xi32>
    %convert_element_type3A_26 = arith.sitofp %convert_element_type3A_25 : vector<256x64xi32> to vector<256x64xf32>
    %add3A = arith.addf %broadcast_in_dim3A_14, %convert_element_type3A_26 : vector<256x64xf32>
    %jit3A_27 = arith.constant 0xFF800000 : f32
    %broadcast_in_dim3A_28 = vector.broadcast %jit3A_27 : f32 to vector<256x64xf32>
    %select_n3A_29 = arith.select %eq3A_24, %broadcast_in_dim3A_28, %div3A_12 : vector<256x64xi1>, vector<256x64xf32>
    %reduce_max3A_30 = arith.constant dense<0xFF800000> : vector<256xf32>
    %reduce_max3A_31 = vector.multi_reduction <maximumf>, %select_n3A_29, %reduce_max3A_30 [1] : vector<256x64xf32> to vector<256xf32>
    %broadcast_in_dim3A_32 = vector.shape_cast %reduce_max3A_31 : vector<256xf32> to vector<256x1xf32>
    %eq3A_33 = vector.broadcast %broadcast_in_dim3A_32 : vector<256x1xf32> to vector<256x64xf32>
    %eq3A_34 = arith.cmpf oeq, %select_n3A_29, %eq3A_33 : vector<256x64xf32>
    %jit3A_35 = arith.constant 64 : i32
    %broadcast_in_dim3A_36 = vector.broadcast %jit3A_35 : i32 to vector<256x64xi32>
    %select_n3A_37 = arith.select %eq3A_34, %iota3A, %broadcast_in_dim3A_36 : vector<256x64xi1>, vector<256x64xi32>
    %reduce_min3A_38 = arith.constant dense<2147483647> : vector<256xi32>
    %reduce_min3A_39 = vector.multi_reduction <minsi>, %select_n3A_37, %reduce_min3A_38 [1] : vector<256x64xi32> to vector<256xi32>
    %broadcast_in_dim3A_40 = vector.shape_cast %reduce_min3A_39 : vector<256xi32> to vector<256x1xi32>
    %eq3A_41 = vector.broadcast %broadcast_in_dim3A_40 : vector<256x1xi32> to vector<256x64xi32>
    %eq3A_42 = arith.cmpi eq, %iota3A, %eq3A_41 : vector<256x64xi32>
    %convert_element_type3A_43 = arith.extui %eq3A_42 : vector<256x64xi1> to vector<256x64xi32>
    %convert_element_type3A_44 = arith.sitofp %convert_element_type3A_43 : vector<256x64xi32> to vector<256x64xf32>
    %add3A_45 = arith.addf %add3A, %convert_element_type3A_44 : vector<256x64xf32>
    %jit3A_46 = arith.constant 0xFF800000 : f32
    %broadcast_in_dim3A_47 = vector.broadcast %jit3A_46 : f32 to vector<256x64xf32>
    %select_n3A_48 = arith.select %eq3A_42, %broadcast_in_dim3A_47, %select_n3A_29 : vector<256x64xi1>, vector<256x64xf32>
    %reduce_max3A_49 = arith.constant dense<0xFF800000> : vector<256xf32>
    %reduce_max3A_50 = vector.multi_reduction <maximumf>, %select_n3A_48, %reduce_max3A_49 [1] : vector<256x64xf32> to vector<256xf32>
    %broadcast_in_dim3A_51 = vector.shape_cast %reduce_max3A_50 : vector<256xf32> to vector<256x1xf32>
    %eq3A_52 = vector.broadcast %broadcast_in_dim3A_51 : vector<256x1xf32> to vector<256x64xf32>
    %eq3A_53 = arith.cmpf oeq, %select_n3A_48, %eq3A_52 : vector<256x64xf32>
    %jit3A_54 = arith.constant 64 : i32
    %broadcast_in_dim3A_55 = vector.broadcast %jit3A_54 : i32 to vector<256x64xi32>
    %select_n3A_56 = arith.select %eq3A_53, %iota3A, %broadcast_in_dim3A_55 : vector<256x64xi1>, vector<256x64xi32>
    %reduce_min3A_57 = arith.constant dense<2147483647> : vector<256xi32>
    %reduce_min3A_58 = vector.multi_reduction <minsi>, %select_n3A_56, %reduce_min3A_57 [1] : vector<256x64xi32> to vector<256xi32>
    %broadcast_in_dim3A_59 = vector.shape_cast %reduce_min3A_58 : vector<256xi32> to vector<256x1xi32>
    %eq3A_60 = vector.broadcast %broadcast_in_dim3A_59 : vector<256x1xi32> to vector<256x64xi32>
    %eq3A_61 = arith.cmpi eq, %iota3A, %eq3A_60 : vector<256x64xi32>
    %convert_element_type3A_62 = arith.extui %eq3A_61 : vector<256x64xi1> to vector<256x64xi32>
    %convert_element_type3A_63 = arith.sitofp %convert_element_type3A_62 : vector<256x64xi32> to vector<256x64xf32>
    %add3A_64 = arith.addf %add3A_45, %convert_element_type3A_63 : vector<256x64xf32>
    %jit3A_65 = arith.constant 0xFF800000 : f32
    %broadcast_in_dim3A_66 = vector.broadcast %jit3A_65 : f32 to vector<256x64xf32>
    %select_n3A_67 = arith.select %eq3A_61, %broadcast_in_dim3A_66, %select_n3A_48 : vector<256x64xi1>, vector<256x64xf32>
    %reduce_max3A_68 = arith.constant dense<0xFF800000> : vector<256xf32>
    %reduce_max3A_69 = vector.multi_reduction <maximumf>, %select_n3A_67, %reduce_max3A_68 [1] : vector<256x64xf32> to vector<256xf32>
    %broadcast_in_dim3A_70 = vector.shape_cast %reduce_max3A_69 : vector<256xf32> to vector<256x1xf32>
    %eq3A_71 = vector.broadcast %broadcast_in_dim3A_70 : vector<256x1xf32> to vector<256x64xf32>
    %eq3A_72 = arith.cmpf oeq, %select_n3A_67, %eq3A_71 : vector<256x64xf32>
    %jit3A_73 = arith.constant 64 : i32
    %broadcast_in_dim3A_74 = vector.broadcast %jit3A_73 : i32 to vector<256x64xi32>
    %select_n3A_75 = arith.select %eq3A_72, %iota3A, %broadcast_in_dim3A_74 : vector<256x64xi1>, vector<256x64xi32>
    %reduce_min3A_76 = arith.constant dense<2147483647> : vector<256xi32>
    %reduce_min3A_77 = vector.multi_reduction <minsi>, %select_n3A_75, %reduce_min3A_76 [1] : vector<256x64xi32> to vector<256xi32>
    %broadcast_in_dim3A_78 = vector.shape_cast %reduce_min3A_77 : vector<256xi32> to vector<256x1xi32>
    %eq3A_79 = vector.broadcast %broadcast_in_dim3A_78 : vector<256x1xi32> to vector<256x64xi32>
    %eq3A_80 = arith.cmpi eq, %iota3A, %eq3A_79 : vector<256x64xi32>
    %convert_element_type3A_81 = arith.extui %eq3A_80 : vector<256x64xi1> to vector<256x64xi32>
    %convert_element_type3A_82 = arith.sitofp %convert_element_type3A_81 : vector<256x64xi32> to vector<256x64xf32>
    %add3A_83 = arith.addf %add3A_64, %convert_element_type3A_82 : vector<256x64xf32>
    %jit3A_84 = arith.constant 0xFF800000 : f32
    %broadcast_in_dim3A_85 = vector.broadcast %jit3A_84 : f32 to vector<256x64xf32>
    %select_n3A_86 = arith.select %eq3A_80, %broadcast_in_dim3A_85, %select_n3A_67 : vector<256x64xi1>, vector<256x64xf32>
    %reduce_max3A_87 = arith.constant dense<0xFF800000> : vector<256xf32>
    %reduce_max3A_88 = vector.multi_reduction <maximumf>, %select_n3A_86, %reduce_max3A_87 [1] : vector<256x64xf32> to vector<256xf32>
    %broadcast_in_dim3A_89 = vector.shape_cast %reduce_max3A_88 : vector<256xf32> to vector<256x1xf32>
    %eq3A_90 = vector.broadcast %broadcast_in_dim3A_89 : vector<256x1xf32> to vector<256x64xf32>
    %eq3A_91 = arith.cmpf oeq, %select_n3A_86, %eq3A_90 : vector<256x64xf32>
    %jit3A_92 = arith.constant 64 : i32
    %broadcast_in_dim3A_93 = vector.broadcast %jit3A_92 : i32 to vector<256x64xi32>
    %select_n3A_94 = arith.select %eq3A_91, %iota3A, %broadcast_in_dim3A_93 : vector<256x64xi1>, vector<256x64xi32>
    %reduce_min3A_95 = arith.constant dense<2147483647> : vector<256xi32>
    %reduce_min3A_96 = vector.multi_reduction <minsi>, %select_n3A_94, %reduce_min3A_95 [1] : vector<256x64xi32> to vector<256xi32>
    %broadcast_in_dim3A_97 = vector.shape_cast %reduce_min3A_96 : vector<256xi32> to vector<256x1xi32>
    %eq3A_98 = vector.broadcast %broadcast_in_dim3A_97 : vector<256x1xi32> to vector<256x64xi32>
    %eq3A_99 = arith.cmpi eq, %iota3A, %eq3A_98 : vector<256x64xi32>
    %convert_element_type3A_100 = arith.extui %eq3A_99 : vector<256x64xi1> to vector<256x64xi32>
    %convert_element_type3A_101 = arith.sitofp %convert_element_type3A_100 : vector<256x64xi32> to vector<256x64xf32>
    %add3A_102 = arith.addf %add3A_83, %convert_element_type3A_101 : vector<256x64xf32>
    %jit3A_103 = arith.constant 0xFF800000 : f32
    %broadcast_in_dim3A_104 = vector.broadcast %jit3A_103 : f32 to vector<256x64xf32>
    %select_n3A_105 = arith.select %eq3A_99, %broadcast_in_dim3A_104, %select_n3A_86 : vector<256x64xi1>, vector<256x64xf32>
    %reduce_max3A_106 = arith.constant dense<0xFF800000> : vector<256xf32>
    %reduce_max3A_107 = vector.multi_reduction <maximumf>, %select_n3A_105, %reduce_max3A_106 [1] : vector<256x64xf32> to vector<256xf32>
    %broadcast_in_dim3A_108 = vector.shape_cast %reduce_max3A_107 : vector<256xf32> to vector<256x1xf32>
    %eq3A_109 = vector.broadcast %broadcast_in_dim3A_108 : vector<256x1xf32> to vector<256x64xf32>
    %eq3A_110 = arith.cmpf oeq, %select_n3A_105, %eq3A_109 : vector<256x64xf32>
    %jit3A_111 = arith.constant 64 : i32
    %broadcast_in_dim3A_112 = vector.broadcast %jit3A_111 : i32 to vector<256x64xi32>
    %select_n3A_113 = arith.select %eq3A_110, %iota3A, %broadcast_in_dim3A_112 : vector<256x64xi1>, vector<256x64xi32>
    %reduce_min3A_114 = arith.constant dense<2147483647> : vector<256xi32>
    %reduce_min3A_115 = vector.multi_reduction <minsi>, %select_n3A_113, %reduce_min3A_114 [1] : vector<256x64xi32> to vector<256xi32>
    %broadcast_in_dim3A_116 = vector.shape_cast %reduce_min3A_115 : vector<256xi32> to vector<256x1xi32>
    %eq3A_117 = vector.broadcast %broadcast_in_dim3A_116 : vector<256x1xi32> to vector<256x64xi32>
    %eq3A_118 = arith.cmpi eq, %iota3A, %eq3A_117 : vector<256x64xi32>
    %convert_element_type3A_119 = arith.extui %eq3A_118 : vector<256x64xi1> to vector<256x64xi32>
    %convert_element_type3A_120 = arith.sitofp %convert_element_type3A_119 : vector<256x64xi32> to vector<256x64xf32>
    %add3A_121 = arith.addf %add3A_102, %convert_element_type3A_120 : vector<256x64xf32>
    %jit3A_122 = arith.constant 0xFF800000 : f32
    %broadcast_in_dim3A_123 = vector.broadcast %jit3A_122 : f32 to vector<256x64xf32>
    %select_n3A_124 = arith.select %eq3A_118, %broadcast_in_dim3A_123, %select_n3A_105 : vector<256x64xi1>, vector<256x64xf32>
    %reduce_max3A_125 = arith.constant dense<0xFF800000> : vector<256xf32>
    %reduce_max3A_126 = vector.multi_reduction <maximumf>, %select_n3A_124, %reduce_max3A_125 [1] : vector<256x64xf32> to vector<256xf32>
    %broadcast_in_dim3A_127 = vector.shape_cast %reduce_max3A_126 : vector<256xf32> to vector<256x1xf32>
    %eq3A_128 = vector.broadcast %broadcast_in_dim3A_127 : vector<256x1xf32> to vector<256x64xf32>
    %eq3A_129 = arith.cmpf oeq, %select_n3A_124, %eq3A_128 : vector<256x64xf32>
    %jit3A_130 = arith.constant 64 : i32
    %broadcast_in_dim3A_131 = vector.broadcast %jit3A_130 : i32 to vector<256x64xi32>
    %select_n3A_132 = arith.select %eq3A_129, %iota3A, %broadcast_in_dim3A_131 : vector<256x64xi1>, vector<256x64xi32>
    %reduce_min3A_133 = arith.constant dense<2147483647> : vector<256xi32>
    %reduce_min3A_134 = vector.multi_reduction <minsi>, %select_n3A_132, %reduce_min3A_133 [1] : vector<256x64xi32> to vector<256xi32>
    %broadcast_in_dim3A_135 = vector.shape_cast %reduce_min3A_134 : vector<256xi32> to vector<256x1xi32>
    %eq3A_136 = vector.broadcast %broadcast_in_dim3A_135 : vector<256x1xi32> to vector<256x64xi32>
    %eq3A_137 = arith.cmpi eq, %iota3A, %eq3A_136 : vector<256x64xi32>
    %convert_element_type3A_138 = arith.extui %eq3A_137 : vector<256x64xi1> to vector<256x64xi32>
    %convert_element_type3A_139 = arith.sitofp %convert_element_type3A_138 : vector<256x64xi32> to vector<256x64xf32>
    %add3A_140 = arith.addf %add3A_121, %convert_element_type3A_139 : vector<256x64xf32>
    %jit3A_141 = arith.constant 0xFF800000 : f32
    %broadcast_in_dim3A_142 = vector.broadcast %jit3A_141 : f32 to vector<256x64xf32>
    %select_n3A_143 = arith.select %eq3A_137, %broadcast_in_dim3A_142, %select_n3A_124 : vector<256x64xi1>, vector<256x64xf32>
    %reduce_max3A_144 = arith.constant dense<0xFF800000> : vector<256xf32>
    %reduce_max3A_145 = vector.multi_reduction <maximumf>, %select_n3A_143, %reduce_max3A_144 [1] : vector<256x64xf32> to vector<256xf32>
    %broadcast_in_dim3A_146 = vector.shape_cast %reduce_max3A_145 : vector<256xf32> to vector<256x1xf32>
    %eq3A_147 = vector.broadcast %broadcast_in_dim3A_146 : vector<256x1xf32> to vector<256x64xf32>
    %eq3A_148 = arith.cmpf oeq, %select_n3A_143, %eq3A_147 : vector<256x64xf32>
    %jit3A_149 = arith.constant 64 : i32
    %broadcast_in_dim3A_150 = vector.broadcast %jit3A_149 : i32 to vector<256x64xi32>
    %select_n3A_151 = arith.select %eq3A_148, %iota3A, %broadcast_in_dim3A_150 : vector<256x64xi1>, vector<256x64xi32>
    %reduce_min3A_152 = arith.constant dense<2147483647> : vector<256xi32>
    %reduce_min3A_153 = vector.multi_reduction <minsi>, %select_n3A_151, %reduce_min3A_152 [1] : vector<256x64xi32> to vector<256xi32>
    %broadcast_in_dim3A_154 = vector.shape_cast %reduce_min3A_153 : vector<256xi32> to vector<256x1xi32>
    %eq3A_155 = vector.broadcast %broadcast_in_dim3A_154 : vector<256x1xi32> to vector<256x64xi32>
    %eq3A_156 = arith.cmpi eq, %iota3A, %eq3A_155 : vector<256x64xi32>
    %convert_element_type3A_157 = arith.extui %eq3A_156 : vector<256x64xi1> to vector<256x64xi32>
    %convert_element_type3A_158 = arith.sitofp %convert_element_type3A_157 : vector<256x64xi32> to vector<256x64xf32>
    %add3A_159 = arith.addf %add3A_140, %convert_element_type3A_158 : vector<256x64xf32>
    %iota3A_160 = tpu.iota {dimensions = array<i32: 0>} : vector<256x256xi32>
    %iota3A_161 = tpu.iota {dimensions = array<i32: 1>} : vector<256x256xi32>
    %gt3A = arith.cmpi sgt, %iota3A_160, %iota3A_161 : vector<256x256xi32>
    %convert_element_type3A_162 = arith.extui %gt3A : vector<256x256xi1> to vector<256x256xi32>
    %convert_element_type3A_163 = arith.sitofp %convert_element_type3A_162 : vector<256x256xi32> to vector<256x256xf32>
    %dot_general3A_164 = arith.constant dense<0.000000e+00> : vector<256x64xf32>
    %dot_general3A_165 = tpu.matmul %convert_element_type3A_163, %add3A_159, %dot_general3A_164 {dimension_numbers = #tpu.dot_dimension_numbers<[1], [0], [0], [1], [0, 0, 1, 1], [], []>, transpose_lhs_hint = false} : vector<256x256xf32>, vector<256x64xf32>, vector<256x64xf32> -> vector<256x64xf32>
    %get3A_166 = arith.constant 0 : index
    %get3A_167 = arith.constant 0 : index
    %get3A_168 = vector.load %arg8[%get3A_166, %get3A_167] : memref<8x128xf32, #tpu.memory_space<vmem>>, vector<1x64xf32>
    %add3A_169 = vector.broadcast %get3A_168 : vector<1x64xf32> to vector<256x64xf32>
    %add3A_170 = arith.addf %dot_general3A_165, %add3A_169 : vector<256x64xf32>
    %mul3A = arith.mulf %add3A_170, %convert_element_type3A_26 : vector<256x64xf32>
    %reduce_sum3A_171 = arith.constant dense<0.000000e+00> : vector<256xf32>
    %reduce_sum3A_172 = vector.multi_reduction <add>, %mul3A, %reduce_sum3A_171 [1] : vector<256x64xf32> to vector<256xf32>
    %broadcast_in_dim3A_173 = vector.shape_cast %reduce_sum3A_172 : vector<256xf32> to vector<256x1xf32>
    %mul3A_174 = arith.mulf %add3A_170, %convert_element_type3A_44 : vector<256x64xf32>
    %reduce_sum3A_175 = arith.constant dense<0.000000e+00> : vector<256xf32>
    %reduce_sum3A_176 = vector.multi_reduction <add>, %mul3A_174, %reduce_sum3A_175 [1] : vector<256x64xf32> to vector<256xf32>
    %broadcast_in_dim3A_177 = vector.shape_cast %reduce_sum3A_176 : vector<256xf32> to vector<256x1xf32>
    %mul3A_178 = arith.mulf %add3A_170, %convert_element_type3A_63 : vector<256x64xf32>
    %reduce_sum3A_179 = arith.constant dense<0.000000e+00> : vector<256xf32>
    %reduce_sum3A_180 = vector.multi_reduction <add>, %mul3A_178, %reduce_sum3A_179 [1] : vector<256x64xf32> to vector<256xf32>
    %broadcast_in_dim3A_181 = vector.shape_cast %reduce_sum3A_180 : vector<256xf32> to vector<256x1xf32>
    %mul3A_182 = arith.mulf %add3A_170, %convert_element_type3A_82 : vector<256x64xf32>
    %reduce_sum3A_183 = arith.constant dense<0.000000e+00> : vector<256xf32>
    %reduce_sum3A_184 = vector.multi_reduction <add>, %mul3A_182, %reduce_sum3A_183 [1] : vector<256x64xf32> to vector<256xf32>
    %broadcast_in_dim3A_185 = vector.shape_cast %reduce_sum3A_184 : vector<256xf32> to vector<256x1xf32>
    %mul3A_186 = arith.mulf %add3A_170, %convert_element_type3A_101 : vector<256x64xf32>
    %reduce_sum3A_187 = arith.constant dense<0.000000e+00> : vector<256xf32>
    %reduce_sum3A_188 = vector.multi_reduction <add>, %mul3A_186, %reduce_sum3A_187 [1] : vector<256x64xf32> to vector<256xf32>
    %broadcast_in_dim3A_189 = vector.shape_cast %reduce_sum3A_188 : vector<256xf32> to vector<256x1xf32>
    %mul3A_190 = arith.mulf %add3A_170, %convert_element_type3A_120 : vector<256x64xf32>
    %reduce_sum3A_191 = arith.constant dense<0.000000e+00> : vector<256xf32>
    %reduce_sum3A_192 = vector.multi_reduction <add>, %mul3A_190, %reduce_sum3A_191 [1] : vector<256x64xf32> to vector<256xf32>
    %broadcast_in_dim3A_193 = vector.shape_cast %reduce_sum3A_192 : vector<256xf32> to vector<256x1xf32>
    %mul3A_194 = arith.mulf %add3A_170, %convert_element_type3A_139 : vector<256x64xf32>
    %reduce_sum3A_195 = arith.constant dense<0.000000e+00> : vector<256xf32>
    %reduce_sum3A_196 = vector.multi_reduction <add>, %mul3A_194, %reduce_sum3A_195 [1] : vector<256x64xf32> to vector<256xf32>
    %broadcast_in_dim3A_197 = vector.shape_cast %reduce_sum3A_196 : vector<256xf32> to vector<256x1xf32>
    %mul3A_198 = arith.mulf %add3A_170, %convert_element_type3A_158 : vector<256x64xf32>
    %reduce_sum3A_199 = arith.constant dense<0.000000e+00> : vector<256xf32>
    %reduce_sum3A_200 = vector.multi_reduction <add>, %mul3A_198, %reduce_sum3A_199 [1] : vector<256x64xf32> to vector<256xf32>
    %broadcast_in_dim3A_201 = vector.shape_cast %reduce_sum3A_200 : vector<256xf32> to vector<256x1xf32>
    %concatenate3A = tpu.concatenate %broadcast_in_dim3A_17, %broadcast_in_dim3A_32, %broadcast_in_dim3A_51, %broadcast_in_dim3A_70, %broadcast_in_dim3A_89, %broadcast_in_dim3A_108, %broadcast_in_dim3A_127, %broadcast_in_dim3A_146 in 1 : vector<256x1xf32>, vector<256x1xf32>, vector<256x1xf32>, vector<256x1xf32>, vector<256x1xf32>, vector<256x1xf32>, vector<256x1xf32>, vector<256x1xf32> -> vector<256x8xf32>
    %swap3A = arith.constant 0 : index
    %swap3A_202 = arith.constant 0 : index
    %swap3A_203 = vector.load %arg3[%swap3A, %swap3A_202] : memref<256x8xf32, #tpu.memory_space<vmem>>, vector<256x8xf32>
    tpu.vector_store %arg3[%swap3A, %swap3A_202], %concatenate3A {strides = array<i32>} : memref<256x8xf32, #tpu.memory_space<vmem>>, vector<256x8xf32>,
    %concatenate3A_204 = tpu.concatenate %broadcast_in_dim3A_22, %broadcast_in_dim3A_40, %broadcast_in_dim3A_59, %broadcast_in_dim3A_78, %broadcast_in_dim3A_97, %broadcast_in_dim3A_116, %broadcast_in_dim3A_135, %broadcast_in_dim3A_154 in 1 : vector<256x1xi32>, vector<256x1xi32>, vector<256x1xi32>, vector<256x1xi32>, vector<256x1xi32>, vector<256x1xi32>, vector<256x1xi32>, vector<256x1xi32> -> vector<256x8xi32>
    %swap3A_205 = arith.constant 0 : index
    %swap3A_206 = arith.constant 0 : index
    %swap3A_207 = vector.load %arg4[%swap3A_205, %swap3A_206] : memref<256x8xi32, #tpu.memory_space<vmem>>, vector<256x8xi32>
    tpu.vector_store %arg4[%swap3A_205, %swap3A_206], %concatenate3A_204 {strides = array<i32>} : memref<256x8xi32, #tpu.memory_space<vmem>>, vector<256x8xi32>,
    %concatenate3A_208 = tpu.concatenate %broadcast_in_dim3A_173, %broadcast_in_dim3A_177, %broadcast_in_dim3A_181, %broadcast_in_dim3A_185, %broadcast_in_dim3A_189, %broadcast_in_dim3A_193, %broadcast_in_dim3A_197, %broadcast_in_dim3A_201 in 1 : vector<256x1xf32>, vector<256x1xf32>, vector<256x1xf32>, vector<256x1xf32>, vector<256x1xf32>, vector<256x1xf32>, vector<256x1xf32>, vector<256x1xf32> -> vector<256x8xf32>
    %convert_element_type3A_209 = arith.fptosi %concatenate3A_208 : vector<256x8xf32> to vector<256x8xi32>
    %swap3A_210 = arith.constant 0 : index
    %swap3A_211 = arith.constant 0 : index
    %swap3A_212 = vector.load %arg5[%swap3A_210, %swap3A_211] : memref<256x8xi32, #tpu.memory_space<vmem>>, vector<256x8xi32>
    tpu.vector_store %arg5[%swap3A_210, %swap3A_211], %convert_element_type3A_209 {strides = array<i32>} : memref<256x8xi32, #tpu.memory_space<vmem>>, vector<256x8xi32>,
    %get3A_213 = arith.constant 0 : index
    %get3A_214 = arith.constant 0 : index
    %get3A_215 = vector.load %arg8[%get3A_213, %get3A_214] : memref<8x128xf32, #tpu.memory_space<vmem>>, vector<1x64xf32>
    %reduce_sum3A_216 = arith.constant dense<0.000000e+00> : vector<64xf32>
    %reduce_sum3A_217 = vector.multi_reduction <add>, %add3A_159, %reduce_sum3A_216 [0] : vector<256x64xf32> to vector<64xf32>
    %broadcast_in_dim3A_218 = vector.shape_cast %reduce_sum3A_217 : vector<64xf32> to vector<1x64xf32>
    %add3A_219 = arith.addf %get3A_215, %broadcast_in_dim3A_218 : vector<1x64xf32>
    %swap3A_220 = arith.constant 0 : index
    %swap3A_221 = arith.constant 0 : index
    %swap3A_222 = vector.load %arg8[%swap3A_220, %swap3A_221] : memref<8x128xf32, #tpu.memory_space<vmem>>, vector<1x64xf32>
    tpu.vector_store %arg8[%swap3A_220, %swap3A_221], %add3A_219 {strides = array<i32>} : memref<8x128xf32, #tpu.memory_space<vmem>>, vector<1x64xf32>,
    %broadcast_in_dim3A_223 = vector.shape_cast %add3A_219 : vector<1x64xf32> to vector<1x64xf32>
    %broadcast_in_dim3A_224 = vector.broadcast %broadcast_in_dim3A_223 : vector<1x64xf32> to vector<8x64xf32>
    %convert_element_type3A_225 = arith.fptosi %broadcast_in_dim3A_224 : vector<8x64xf32> to vector<8x64xi32>
    %swap3A_226 = arith.constant 0 : index
    %swap3A_227 = arith.constant 0 : index
    %swap3A_228 = vector.load %arg6[%swap3A_226, %swap3A_227] : memref<8x64xi32, #tpu.memory_space<vmem>>, vector<8x64xi32>
    tpu.vector_store %arg6[%swap3A_226, %swap3A_227], %convert_element_type3A_225 {strides = array<i32>} : memref<8x64xi32, #tpu.memory_space<vmem>>, vector<8x64xi32>,
    %iota3A_229 = tpu.iota {dimensions = array<i32: 0>} : vector<64x64xi32>
    %iota3A_230 = tpu.iota {dimensions = array<i32: 1>} : vector<64x64xi32>
    %lt3A = arith.cmpi slt, %iota3A_229, %iota3A_230 : vector<64x64xi32>
    %convert_element_type3A_231 = arith.extui %lt3A : vector<64x64xi1> to vector<64x64xi32>
    %convert_element_type3A_232 = arith.sitofp %convert_element_type3A_231 : vector<64x64xi32> to vector<64x64xf32>
    %dot_general3A_233 = arith.constant dense<0.000000e+00> : vector<1x64xf32>
    %dot_general3A_234 = tpu.matmul %add3A_219, %convert_element_type3A_232, %dot_general3A_233 {dimension_numbers = #tpu.dot_dimension_numbers<[1], [0], [0], [1], [0, 0, 1, 1], [], []>, precision = #tpu.contract_precision<fp32>, transpose_lhs_hint = false} : vector<1x64xf32>, vector<64x64xf32>, vector<1x64xf32> -> vector<1x64xf32>
    %broadcast_in_dim3A_235 = vector.shape_cast %dot_general3A_234 : vector<1x64xf32> to vector<1x64xf32>
    %broadcast_in_dim3A_236 = vector.broadcast %broadcast_in_dim3A_235 : vector<1x64xf32> to vector<8x64xf32>
    %convert_element_type3A_237 = arith.fptosi %broadcast_in_dim3A_236 : vector<8x64xf32> to vector<8x64xi32>
    %swap3A_238 = arith.constant 0 : index
    %swap3A_239 = arith.constant 0 : index
    %swap3A_240 = vector.load %arg7[%swap3A_238, %swap3A_239] : memref<8x64xi32, #tpu.memory_space<vmem>>, vector<8x64xi32>
    tpu.vector_store %arg7[%swap3A_238, %swap3A_239], %convert_element_type3A_237 {strides = array<i32>} : memref<8x64xi32, #tpu.memory_space<vmem>>, vector<8x64xi32>,
    return
  }
  func.func @transform_0(%arg0: i32) -> (i32, i32) {
    %c0_i32 = arith.constant 0 : i32
    %c0_i32_0 = arith.constant 0 : i32
    return %arg0, %c0_i32 : i32, i32
  }
  func.func @transform_1(%arg0: i32) -> (i32, i32) {
    %c0_i32 = arith.constant 0 : i32
    %c0_i32_0 = arith.constant 0 : i32
    %c0_i32_1 = arith.constant 0 : i32
    return %c0_i32, %c0_i32_0 : i32, i32
  }
  func.func @transform_2(%arg0: i32) -> (i32, i32) {
    %c0_i32 = arith.constant 0 : i32
    %c0_i32_0 = arith.constant 0 : i32
    return %arg0, %c0_i32 : i32, i32
  }
  func.func @transform_3(%arg0: i32) -> (i32, i32) {
    %c0_i32 = arith.constant 0 : i32
    %c0_i32_0 = arith.constant 0 : i32
    return %arg0, %c0_i32 : i32, i32
  }
  func.func @transform_4(%arg0: i32) -> (i32, i32) {
    %c0_i32 = arith.constant 0 : i32
    %c0_i32_0 = arith.constant 0 : i32
    return %arg0, %c0_i32 : i32, i32
  }
  func.func @transform_5(%arg0: i32) -> (i32, i32) {
    %c0_i32 = arith.constant 0 : i32
    %c0_i32_0 = arith.constant 0 : i32
    %c0_i32_1 = arith.constant 0 : i32
    return %c0_i32, %c0_i32_0 : i32, i32
  }
  func.func @transform_6(%arg0: i32) -> (i32, i32) {
    %c0_i32 = arith.constant 0 : i32
    %c0_i32_0 = arith.constant 0 : i32
    %c0_i32_1 = arith.constant 0 : i32
    return %c0_i32, %c0_i32_0 : i32, i32
  }
}

</mosaic_0001>

<sc_bundles>
// kernel: kernel.4.cloned.1.call-start
scs
__scs_entry_jumppad:
0x0: {  	(pc) =	sbr.rel $0x88, $3  }
0x1: {  	(tag) =	ssettag $0x0;
	lr =	simm.s32 $0x1  }
0x2: {  	[smem:$0x3F9F] =	sst lr;
	_ =	strace $0xD0000000  }
0x3: {  	_ = 	snop  }
0x4: {  	_ = 	snop  }
0x5: {  	_ = 	snop  }
0x6: {  	_ = 	snop  }
0x7: {  	_ = 	snop  }
__scs_overlays_trampoline_lowered:
0x8: {  	[smem:$0x3FAE] =	sst s0  }
0x9: {  	[smem:$0x3FAF] =	sst s1  }
0xa: {  	[smem:$0x3FB0] =	sst s2  }
0xb: {  	[smem:$0x3FB1] =	sst s3  }
0xc: {  	[smem:$0x3FB2] =	sst s4  }
0xd: {  	[smem:$0x3FB3] =	sst s5  }
0xe: {  	[smem:$0x3FB4] =	sst s6  }
0xf: {  	[smem:$0x3FB5] =	sst s7  }
0x10: {  	[smem:$0x3FB6] =	sst s8  }
0x11: {  	[smem:$0x3FB7] =	sst s9;
	s0 =	simm.s32 @!p0 $0x0  }
0x12: {  	s1 =	sld [smem:$0x3F9D];
	s0 =	simm.s32 @p0 $0x1  }
0x13: {  	[smem:$0x3FB8] =	sst s0;
	s0 =	simm.s32 @!p1 $0x0  }
0x14: {  	s2 =	sld [smem:$0x3F9C];
	s0 =	simm.s32 @p1 $0x1  }
0x15: {  	[smem:$0x3FB9] =	sst s0;
	s0 =	simm.s32 @!p2 $0x0  }
0x16: {  	s3 =	sld [smem:$0x3FDB];
	s0 =	simm.s32 @p2 $0x1  }
0x17: {  	s4 =	simm.s32 $0x1BF5;
	[smem:$0x3FBB] =	sst s0  }
0x18: {  	s0 =	sld [smem:$0x3F9E];
	_ =	swait.ge [sflag:s4], $0x0  }
0x19: {  	s7 =	sld [smem:$0x3F9F]  }
0x1a: {  	s8 =	sadd.s32 $0xFFFFE003, lr  }
0x1b: {  	s9 =	sadd.s32 $0xFFFFFEF7, lr;
	s5 =	simm.s32 $0xFFFFFFFF;
	p2 =	slt.u32 s8, $0xFFFFF086  }
0x1c: {  	p1 =	slt.u32 s9, $0xF7A;
	s5 =	simm.s32 @!p2 $0x0  }
0x1d: {  	s5 =	simm.s32 @p1 $0x1;
	p0 =	seq.s32 s7, s2  }
0x1e: {  	s7 =	smul.u32 @!p0 $0xF7A, s2;
	p2 =	seq.s32 @!p0 s5, $0x0  }
0x1f: {  	s9 =	smul.u32 $0xF7A, s1;
	s8 =	simm.s32 @!p0 $0x1BF5;
	p2 =	por !p2, p0  }
0x20: {  	[sflag:s8] =	ssyncset.s32 @!p0 $0xFFFFF086;
	s6 =	sadd.s32 @!p0 s3, s7;
	s7 =	simm.s32 @!p0 $0x108  }
0x21: {  	s3 =	sadd.s32 s3, s9;
	s6 =	sadd.s32 @!p0 $0x88, s6;
	s7 =	simm.s32 @p2 $0x1082  }
0x22: {  	[simem:s7], [sflag:s8] =	dma.local @!p0 [hbm:s6], $0xF7A  }
0x23: {  	s9 =	sor.u32 $0xD0000000, s2;
	s6 =	simm.s32 $0x108;
	_ =	swait.ge @!p0 [sflag:s8], $0x0  }
0x24: {  	s3 =	sadd.s32 $0x88, s3;
	s6 =	simm.s32 @!p1 $0x1082;
	[sflag:s4] =	ssyncset.s32 $0xFFFFF086  }
0x25: {  	[simem:s6], [sflag:s4] =	dma.local [hbm:s3], $0xF7A  }
0x26: {  	[smem:$0x3F9F] =	sst s1;
	(tag) =	ssettag s2;
	_ =	strace s9  }
0x27: {  	s1 =	sld [smem:$0x3FAF]  }
0x28: {  	s2 =	sld [smem:$0x3FB0]  }
0x29: {  	s4 =	sld [smem:$0x3FB2]  }
0x2a: {  	p0 =	seq.s32 s5, $0x0;
	s5 =	sld [smem:$0x3FB3]  }
0x2b: {  	s6 =	sld [smem:$0x3FB4]  }
0x2c: {  	s7 =	sld [smem:$0x3FB5]  }
0x2d: {  	s3 =	simm.s32 $0x108;
	s8 =	sld [smem:$0x3FB6]  }
0x2e: {  	s3 =	simm.s32 @!p0 $0x1082;
	s9 =	sld [smem:$0x3FB7]  }
0x2f: {  	lr =	sadd.s32 s0, s3;
	s0 =	sld [smem:$0x3FAE]  }
0x30: {  	s3 =	sld [smem:$0x3FB1]  }
0x31: {  	[smem:$0x3FBA] =	sst s10  }
0x32: {  	s10 =	sld [smem:$0x3FB8];
	_ =	sdelay $0x3  }
0x33: {  	p0 =	seq.s32 s10, $0x1;
	s10 =	sld [smem:$0x3FBA];
	_ =	sdelay $0x3  }
0x34: {  	[smem:$0x3FBA] =	sst s10  }
0x35: {  	s10 =	sld [smem:$0x3FB9];
	_ =	sdelay $0x3  }
0x36: {  	p1 =	seq.s32 s10, $0x1;
	s10 =	sld [smem:$0x3FBA];
	_ =	sdelay $0x3  }
0x37: {  	[smem:$0x3FBA] =	sst s10  }
0x38: {  	s10 =	sld [smem:$0x3FBB]  }
0x39: {  	_ = 	snop;
	(pc) =	sbr.ind lr, $3  }
0x3a: {  	_ = 	snop  }
0x3b: {  	_ = 	snop  }
0x3c: {  	p2 =	seq.s32 s10, $0x1;
	s10 =	sld [smem:$0x3FBA]  }
0x3d: {  	_ =	shalt  }
0x3e: {  	_ =	shalt  }
0x3f: {  	_ =	shalt  }
0x40: {  	_ =	shalt  }
0x41: {  	_ =	shalt  }
0x42: {  	_ =	shalt  }
0x43: {  	_ =	shalt  }
0x44: {  	_ =	shalt  }
0x45: {  	_ =	shalt  }
0x46: {  	_ =	shalt  }
0x47: {  	_ =	shalt  }
0x48: {  	_ =	shalt  }
0x49: {  	_ =	shalt  }
0x4a: {  	_ =	shalt  }
0x4b: {  	_ =	shalt  }
0x4c: {  	_ =	shalt  }
0x4d: {  	_ =	shalt  }
0x4e: {  	_ =	shalt  }
0x4f: {  	_ =	shalt  }
0x50: {  	_ =	shalt  }
0x51: {  	_ =	shalt  }
0x52: {  	_ =	shalt  }
0x53: {  	_ =	shalt  }
0x54: {  	_ =	shalt  }
0x55: {  	_ =	shalt  }
0x56: {  	_ =	shalt  }
0x57: {  	_ =	shalt  }
0x58: {  	_ =	shalt  }
0x59: {  	_ =	shalt  }
0x5a: {  	_ =	shalt  }
0x5b: {  	_ =	shalt  }
0x5c: {  	_ =	shalt  }
0x5d: {  	_ =	shalt  }
0x5e: {  	_ =	shalt  }
0x5f: {  	_ =	shalt  }
0x60: {  	_ =	shalt  }
0x61: {  	_ =	shalt  }
0x62: {  	_ =	shalt  }
0x63: {  	_ =	shalt  }
0x64: {  	_ =	shalt  }
0x65: {  	_ =	shalt  }
0x66: {  	_ =	shalt  }
0x67: {  	_ =	shalt  }
0x68: {  	_ =	shalt  }
0x69: {  	_ =	shalt  }
0x6a: {  	_ =	shalt  }
0x6b: {  	_ =	shalt  }
0x6c: {  	_ =	shalt  }
0x6d: {  	_ =	shalt  }
0x6e: {  	_ =	shalt  }
0x6f: {  	_ =	shalt  }
0x70: {  	_ =	shalt  }
0x71: {  	_ =	shalt  }
0x72: {  	_ =	shalt  }
0x73: {  	_ =	shalt  }
0x74: {  	_ =	shalt  }
0x75: {  	_ =	shalt  }
0x76: {  	_ =	shalt  }
0x77: {  	_ =	shalt  }
0x78: {  	_ =	shalt  }
0x79: {  	_ =	shalt  }
0x7a: {  	_ =	shalt  }
0x7b: {  	_ =	shalt  }
0x7c: {  	_ =	shalt  }
0x7d: {  	_ =	shalt  }
0x7e: {  	_ =	shalt  }
0x7f: {  	_ =	shalt  }
0x80: {  	_ =	shalt  }
0x81: {  	_ =	shalt  }
0x82: {  	_ =	shalt  }
0x83: {  	_ =	shalt  }
0x84: {  	_ =	shalt  }
0x85: {  	_ =	shalt  }
0x86: {  	_ =	shalt  }
0x87: {  	_ =	shalt  }
.Lfunc_end0:
.L_simem_size_0:
called_computation_lowered:
.L_overlay_start_0:
0x88: {  	s2 =	sld [smem:$0x3FD9]  }
0x89: {  	s3 =	sld [smem:$0x3FFE];
	_ =	sdelay $0x1  }
0x8a: {  	s1 =	srdreg.scid  }
0x8b: {  	s0 =	sand.u32 $0x1, s1  }
0x8c: {  	s14 =	sshll.u32 s0, $0xA;
	s2 =	sadd.s32 s3, s2  }
0x8d: {  	s2 =	sadd.s32 s2, s14  }
0x8e: {  	[smem:$0x3FC6] =	sst s2  }
0x8f: {  	_ = 	snop  }
0x90: {  	s2 =	sld [smem:$0x3FD0];
	_ =	sdelay $0x2  }
0x91: {  	s15 =	simm.s32 $0xA;
	s4 =	simm.s32 $0x10  }
0x92: {  	[smem:s4], [sflag:s15] =	dma.local [hbm:s2], $0x1  }
0x93: {  	_ =	swait.eq [sflag:s15], $0x1  }
0x94: {  	[sflag:s15] =	ssyncset.done $0x0  }
0x95: {  	s16 =	sld [smem:$0x10];
	[sflag:s15] =	ssyncadd.s32 $0xFFFFFFFF  }
0x96: {  	s17 =	sld [smem:$0x11];
	(tm) =	ssettm $0x1  }
0x97: {  	s18 =	sld [smem:$0x3FFB];
	_ =	sdelay $0x3  }
0x98: {  	_ =	strace s18  }
0x99: {  	s4 =	sld [smem:$0x3FFC];
	_ =	sdelay $0x3  }
0x9a: {  	_ =	strace s4  }
0x9b: {  	s4 =	sld [smem:$0x3FFD];
	_ =	sdelay $0x3  }
0x9c: {  	_ =	strace s4  }
0x9d: {  	_ =	strace $0x8FFFFFFF  }
0x9e: {  	s19 =	sld [smem:$0x3FDB];
	_ =	sdelay $0x1  }
0x9f: {  	s5 =	simm.s32 $_scs_section_size  }
0xa0: {  	s6 =	simm.s32 $_size__tile_overlayer_lowered;
	s7 =	simm.s32 $_tile_overlayer_lowered  }
0xa1: {  	s22 =	simm.s32 $0x1BFF;
	s21 =	sshll.u32 s7, $0x1;
	s4 =	sadd.s32 s5, s19  }
0xa2: {  	s8 =	simm.s32 $0x0;
	s20 =	sshll.u32 s6, $0x1;
	s6 =	sadd.s32 s21, s4  }
0xa3: {  	[timem:s8], [sflag:s22] =	dma.local [hbm:s6], s20  }
0xa4: {  	_ =	swait.ge [sflag:s22], s20  }
0xa5: {  	s5 =	ssub.s32 $0x0, s20;
	[sflag:s22] =	ssyncset.done $0x0  }
0xa6: {  	[sflag:s22] =	ssyncadd.s32 s5;
	_ =	sdelay $0x1  }
0xa7: {  	s23 =	simm.s32 $0x1B8B  }
0xa8: {  	_ =	swait.ge [sflag:s23], $0x1  }
0xa9: {  	[sflag:s23] =	ssyncset.done $0x0  }
0xaa: {  	s25 =	simm.s32 $0x1B8E;
	s24 =	sld [smem:$0x3FFE];
	[sflag:s23] =	ssyncadd.s32 $0xFFFFFFFF  }
0xab: {  	s26 =	simm.s32 $execute0_lowered;
	[smem:$0x3FD2] =	sst s25  }
0xac: {  	s6 =	sshll.u32 s26, $0x1;
	_ =	strace $0x80000046;
	[dreg:$0x1] =	wrdreg $0xFFFFFFFF  }
0xad: {  	s28 =	simm.s32 $_size_execute0_lowered;
	s4 =	sadd.s32 s4, s6;
	[dreg:$0x0] =	wrdreg $0x0  }
0xae: {  	s6 =	sshll.u32 s28, $0x1;
	[dreg:$0x2] =	wrdreg s4  }
0xaf: {  	[dreg:$0x3] =	wrdreg s6  }
0xb0: {  	[dreg:$0x4] =	wrdreg $0xC0  }
0xb1: {  	_ =	task [dreg:s8], $0x5FFFF  }
0xb2: {  	[dreg:$0x1] =	wrdreg $0xFFFFFFFF  }
0xb3: {  	[dreg:$0x0] =	wrdreg $0x60  }
0xb4: {  	[dreg:$0x2] =	wrdreg s24  }
0xb5: {  	[dreg:$0x3] =	wrdreg s16  }
0xb6: {  	[dreg:$0x4] =	wrdreg s17  }
0xb7: {  	[dreg:$0x5] =	wrdreg $0x9  }
0xb8: {  	_ =	task.clear_ibuf [dreg:s8], $0x6FFFF;
	_ =	strace $0x90000046  }
0xb9: {  	s29 =	simm.s32 $0x9;
	_ =	strace $0x80000048  }
0xba: {  	_ =	swait.ge [sflag:s29], $0x1  }
0xbb: {  	[sflag:s29] =	ssyncadd.s32 $0xFFFFFFFF  }
0xbc: {  	_ =	strace $0x90000048  }
0xbd: {  	_ =	sfence  }
0xbe: {  	s30 =	sld [smem:$0x0];
	_ =	sdelay $0x2  }
0xbf: {  	s31 =	sshll.u32 s1, $0xD;
	s1 =	sshrl.u32 s1, $0x2  }
0xc0: {  	s3 =	sand.u32 $0x4000, s31;
	s1 =	sadd.s32 s1, s30  }
0xc1: {  	s0 =	sor.u32 s3, s0;
	s1 =	sshll.u32 s1, $0x11  }
0xc2: {  	s0 =	sor.u32 s1, s0  }
0xc3: {  	s0 =	sadd.s32 $0x8F2B, s0  }
0xc4: {  	[sflag:s0] =	ssyncadd.remote.s32 $0x1  }
0xc5: {  	_ =	sfence.sel $0xFFFF  }
0xc6: {  	[dreg:$0x0] =	wrdreg $0xFFFFFFFF;
	(pc) =	sbr.abs _section_cstart, $3  }
0xc7: {  	[dreg:$0x1] =	wrdreg $0xFFFFFFFF  }
0xc8: {  	_ =	task.clear_ibuf [dreg:s8], $0x2FFFF;
	_ =	strace $0x9FFFFFFF  }
0xc9: {  	(tm) =	ssettm $0x7FFFFFFF  }
tec
execute0_lowered:
.L_overlay_start_1:
0x0: {  	(tag) =	ssettag $0x1  }
0x1: {  	s1 =	srdreg.scid  }
0x2: {  	s0 =	rddreg [dreg:$0x0];
	s5 =	stileid.u32;
	s1 =	sand.u32 $0x1, s1  }
0x3: {  	s2 =	rddreg [dreg:$0x1];
	s5 =	sshll.u32 s5, $0xD;
	s6 =	sshll.u32 s1, $0xC  }
0x4: {  	s3 =	rddreg [dreg:$0x2];
	s4 =	simm.s32 $0x0;
	s5 =	sor.u32 s6, s5  }
0x5: {  	s12 =	simm.s32 $0x80;
	[smem:$0x7FF] =	sst s4;
	s6 =	sshrl.u32 s5, $0x3  }
0x6: {  	s1 =	ssub.s32 $0x2, s1;
	s6 =	sadd.s32 s6, s0;
	s0 =	sadd.s32 $0x5600, s0  }
0x7: {  	_ =	strace $0x80000047;
	[dreg:$0x4] =	wrdreg s0;
	s28 =	sadd.s32 $0x45600, s6  }
0x8: {  	s7 =	sshrl.u32 s1, $0x1;
	s30 =	sadd.s32 $0x1600, s6;
	[dreg:$0x5] =	wrdreg s28  }
0x9: {  	s26 =	ssub.s32 s1, s7;
	s31 =	sadd.s32 $0x41600, s6;
	[dreg:$0x6] =	wrdreg s30  }
0xa: {  	vm0 =	vcmask $0x3F24;
	vm1 =	vcmask $0x1F04;
	s29 =	simm.s32 $0x1;
	s0 =	smax.u32 s26, $0x1;
	[dreg:$0x7] =	wrdreg s31  }
0xb: {  	v0 =	vlaneseq.u32;
	v1 =	vimm.s32 $0x0;
	vm0 =	vmor vm1, vm0;
	s6 =	simm.s32 $0x2080;
	[dreg:$0x8] =	wrdreg s0;
	s0 =	simm.s32 $0x0  }
.LBB2_1:
0xc: {  	[dreg:$0x9] =	wrdreg s0  }
0xd: {  	s1 =	rddreg [dreg:$0x4];
	s25 =	simm.s32 $0x2  }
0xe: {  	[tilespmem:s4], [sflag:$0x2] =	stream.linear.gather [hbm4b:s1+s4], $0x80, $0x38;
	[tilespmem:$0x5080] =	vst v63  }
0xf: {  	_ =	swait.ge [sflag:s25], $0x80  }
0x10: {  	[sflag:s25] =	ssyncset.done $0x0  }
0x11: {  	s26 =	rddreg [dreg:$0x5];
	[sflag:s25] =	ssyncadd.s32 $0xFFFFFF80  }
0x12: {  	[tilespmem:s12], [sflag:$0x2] =	stream.linear.gather [hbm4b:s26+s4], $0x1000, $0x38;
	[tilespmem:$0x5080] =	vst v63  }
0x13: {  	_ =	swait.ge [sflag:s25], $0x1000  }
0x14: {  	[sflag:s25] =	ssyncset.done $0x0  }
0x15: {  	s13 =	simm.s32 $0x1080;
	s28 =	rddreg [dreg:$0x6];
	[sflag:s25] =	ssyncadd.s32 $0xFFFFF000  }
0x16: {  	[tilespmem:s13], [sflag:$0x2] =	stream.linear.gather [hbm4b:s28+s4], $0x1000, $0x38;
	[tilespmem:$0x5080] =	vst v63  }
0x17: {  	_ =	swait.ge [sflag:s25], $0x1000  }
0x18: {  	[sflag:s25] =	ssyncset.done $0x0  }
0x19: {  	s31 =	rddreg [dreg:$0x7];
	[sflag:s25] =	ssyncadd.s32 $0xFFFFF000  }
0x1a: {  	[tilespmem:s6], [sflag:$0x2] =	stream.linear.gather [hbm4b:s31+s4], $0x1000, $0x38;
	[tilespmem:$0x5080] =	vst v63  }
0x1b: {  	s17 =	simm.s32 $0x30C0;
	_ =	swait.ge [sflag:s25], $0x1000  }
0x1c: {  	s21 =	simm.s32 $0x10C0;
	s30 =	simm.s32 $0x0;
	[sflag:s25] =	ssyncset.done $0x0  }
0x1d: {  	s1 =	simm.s32 $0x40C0;
	[sflag:s25] =	ssyncadd.s32 $0xFFFFF000;
	s25 =	simm.s32 $0xC0  }
.LBB2_2:
0x1e: {  	v2 =	vld [tilespmem:s25+$0xFFFFFFC0];
	_ =	sdelay $0x6  }
0x1f: {  	v3 =	vld [tilespmem:s21+$0xFFFFFFC0]  }
0x20: {  	v2 =	vld.idx.msk [tilespmem:v2+s4+$0x0], $0xffff  }
0x21: {  	s13 =	sadd.s32 s30, s5  }
0x22: {  	v4 =	vmov s13  }
0x23: {  	vm1 =	veq.s32 v4, v0  }
0x24: {  	v62 =	vor.u32 s13, v0;
	vm1 =	vmand vm1, vm0  }
0x25: {  	v63 =	vsel vm1, $0xFFFFFFFF, v1;
	v2 =	vadd.s32 v3, v2;
	v3 =	vshrl.u32 v62, $0x3  }
0x26: {  	[tilespmem:s1+$0xFFFFFFC0] =	vst v2;
	v2 =	vadd.s32 v63, v3  }
0x27: {  	[tilespmem:s17+$0xFFFFFFC0] =	vst v2  }
0x28: {  	v2 =	vld [tilespmem:s25+$0xFFFFFFD0];
	_ =	sdelay $0x6  }
0x29: {  	v3 =	vld [tilespmem:s21+$0xFFFFFFD0]  }
0x2a: {  	v2 =	vld.idx.msk [tilespmem:v2+s4+$0x0], $0xffff;
	_ =	sdelay $0x3  }
0x2b: {  	s23 =	sadd.s32 $0x10, s13  }
0x2c: {  	v2 =	vadd.s32 v3, v2;
	v3 =	vor.u32 s23, v0  }
0x2d: {  	[tilespmem:s1+$0xFFFFFFD0] =	vst v2;
	v2 =	vshrl.u32 v3, $0x3  }
0x2e: {  	[tilespmem:s17+$0xFFFFFFD0] =	vst v2  }
0x2f: {  	v2 =	vld [tilespmem:s25+$0xFFFFFFE0];
	_ =	sdelay $0x6  }
0x30: {  	v3 =	vld [tilespmem:s21+$0xFFFFFFE0]  }
0x31: {  	v2 =	vld.idx.msk [tilespmem:v2+s4+$0x0], $0xffff;
	_ =	sdelay $0x3  }
0x32: {  	s22 =	sadd.s32 $0x20, s13  }
0x33: {  	v2 =	vadd.s32 v3, v2;
	v3 =	vor.u32 s22, v0  }
0x34: {  	[tilespmem:s1+$0xFFFFFFE0] =	vst v2;
	v2 =	vshrl.u32 v3, $0x3  }
0x35: {  	[tilespmem:s17+$0xFFFFFFE0] =	vst v2  }
0x36: {  	v2 =	vld [tilespmem:s25+$0xFFFFFFF0];
	_ =	sdelay $0x6  }
0x37: {  	v3 =	vld [tilespmem:s21+$0xFFFFFFF0]  }
0x38: {  	v2 =	vld.idx.msk [tilespmem:v2+s4+$0x0], $0xffff;
	_ =	sdelay $0x3  }
0x39: {  	s24 =	sadd.s32 $0x30, s13  }
0x3a: {  	v2 =	vadd.s32 v3, v2;
	v3 =	vor.u32 s24, v0  }
0x3b: {  	[tilespmem:s1+$0xFFFFFFF0] =	vst v2;
	v2 =	vshrl.u32 v3, $0x3  }
0x3c: {  	[tilespmem:s17+$0xFFFFFFF0] =	vst v2  }
0x3d: {  	v2 =	vld [tilespmem:s25+$0x0];
	_ =	sdelay $0x6  }
0x3e: {  	v3 =	vld [tilespmem:s21+$0x0]  }
0x3f: {  	v2 =	vld.idx.msk [tilespmem:v2+s4+$0x0], $0xffff;
	_ =	sdelay $0x3  }
0x40: {  	s26 =	sadd.s32 $0x40, s13  }
0x41: {  	v2 =	vadd.s32 v3, v2;
	v3 =	vor.u32 s26, v0  }
0x42: {  	[tilespmem:s1+$0x0] =	vst v2;
	v2 =	vshrl.u32 v3, $0x3  }
0x43: {  	[tilespmem:s17+$0x0] =	vst v2  }
0x44: {  	v2 =	vld [tilespmem:s25+$0x10];
	_ =	sdelay $0x6  }
0x45: {  	v3 =	vld [tilespmem:s21+$0x10]  }
0x46: {  	v2 =	vld.idx.msk [tilespmem:v2+s4+$0x0], $0xffff;
	_ =	sdelay $0x3  }
0x47: {  	s28 =	sadd.s32 $0x50, s13  }
0x48: {  	v2 =	vadd.s32 v3, v2;
	v3 =	vor.u32 s28, v0  }
0x49: {  	[tilespmem:s1+$0x10] =	vst v2;
	v2 =	vshrl.u32 v3, $0x3  }
0x4a: {  	[tilespmem:s17+$0x10] =	vst v2  }
0x4b: {  	v2 =	vld [tilespmem:s25+$0x20];
	_ =	sdelay $0x6  }
0x4c: {  	v3 =	vld [tilespmem:s21+$0x20]  }
0x4d: {  	v2 =	vld.idx.msk [tilespmem:v2+s4+$0x0], $0xffff;
	_ =	sdelay $0x3  }
0x4e: {  	s31 =	sadd.s32 $0x60, s13  }
0x4f: {  	v2 =	vadd.s32 v3, v2;
	v3 =	vor.u32 s31, v0  }
0x50: {  	[tilespmem:s1+$0x20] =	vst v2;
	v2 =	vshrl.u32 v3, $0x3  }
0x51: {  	[tilespmem:s17+$0x20] =	vst v2  }
0x52: {  	v2 =	vld [tilespmem:s25+$0x30];
	_ =	sdelay $0x6  }
0x53: {  	v3 =	vld [tilespmem:s21+$0x30]  }
0x54: {  	v2 =	vld.idx.msk [tilespmem:v2+s4+$0x0], $0xffff;
	_ =	sdelay $0x1  }
0x55: {  	p0 =	sne.s32 s30, $0xF80  }
.Ltmp0:
0x56: {  	_ = 	snop;
	(pc) =	sbr.rel @p0 .LBB2_2-.Ltmp0, $4  }
0x57: {  	s13 =	sadd.s32 $0x70, s13  }
0x58: {  	v2 =	vadd.s32 v3, v2;
	v3 =	vor.u32 s13, v0  }
0x59: {  	s30 =	sadd.s32 $0x80, s30;
	s21 =	sadd.s32 $0x80, s21;
	[tilespmem:s1+$0x30] =	vst v2;
	v2 =	vshrl.u32 v3, $0x3  }
0x5a: {  	s25 =	sadd.s32 $0x80, s25;
	s1 =	sadd.s32 $0x80, s1;
	[tilespmem:s17+$0x30] =	vst v2;
	s17 =	sadd.s32 $0x80, s17  }
0x5b: {  	s0 =	simm.s32 $0x2080;
	s13 =	simm.s32 $0x4080  }
0x5c: {  	[hbm4b:s2+s12] =	stream.indirect.scatter [tilespmem:s0], [sflag:$0x1], $0x1, s13, s12, $0xb8;
	[tilespmem:$0x5080] =	vst v63  }
0x5d: {  	s26 =	simm.s32 $0x4100;
	s21 =	simm.s32 $0x2100  }
0x5e: {  	[hbm4b:s2+s12] =	stream.indirect.scatter [tilespmem:s21], [sflag:$0x1], $0x1, s26, s12, $0xb8;
	[tilespmem:$0x5080] =	vst v63  }
0x5f: {  	s23 =	simm.s32 $0x2180;
	s21 =	simm.s32 $0x4180  }
0x60: {  	[hbm4b:s2+s12] =	stream.indirect.scatter [tilespmem:s23], [sflag:$0x1], $0x1, s21, s12, $0xb8;
	[tilespmem:$0x5080] =	vst v63  }
0x61: {  	s25 =	simm.s32 $0x2200;
	s23 =	simm.s32 $0x4200  }
0x62: {  	[hbm4b:s2+s12] =	stream.indirect.scatter [tilespmem:s25], [sflag:$0x1], $0x1, s23, s12, $0xb8;
	[tilespmem:$0x5080] =	vst v63  }
0x63: {  	s30 =	simm.s32 $0x2280;
	s25 =	simm.s32 $0x4280  }
0x64: {  	[hbm4b:s2+s12] =	stream.indirect.scatter [tilespmem:s30], [sflag:$0x1], $0x1, s25, s12, $0xb8;
	[tilespmem:$0x5080] =	vst v63  }
0x65: {  	s28 =	simm.s32 $0x2300;
	s30 =	simm.s32 $0x4300  }
0x66: {  	[hbm4b:s2+s12] =	stream.indirect.scatter [tilespmem:s28], [sflag:$0x1], $0x1, s30, s12, $0xb8;
	[tilespmem:$0x5080] =	vst v63  }
0x67: {  	s31 =	simm.s32 $0x4380;
	s28 =	simm.s32 $0x2380  }
0x68: {  	[hbm4b:s2+s12] =	stream.indirect.scatter [tilespmem:s28], [sflag:$0x1], $0x1, s31, s12, $0xb8;
	[tilespmem:$0x5080] =	vst v63  }
0x69: {  	s19 =	simm.s32 $0x2400;
	s28 =	simm.s32 $0x4400  }
0x6a: {  	[hbm4b:s2+s12] =	stream.indirect.scatter [tilespmem:s19], [sflag:$0x1], $0x1, s28, s12, $0xb8;
	[tilespmem:$0x5080] =	vst v63  }
0x6b: {  	s6 =	simm.s32 $0x2480;
	s19 =	simm.s32 $0x4480  }
0x6c: {  	[hbm4b:s2+s12] =	stream.indirect.scatter [tilespmem:s6], [sflag:$0x1], $0x1, s19, s12, $0xb8;
	[tilespmem:$0x5080] =	vst v63  }
0x6d: {  	s14 =	simm.s32 $0x2500;
	s6 =	simm.s32 $0x4500  }
0x6e: {  	[hbm4b:s2+s12] =	stream.indirect.scatter [tilespmem:s14], [sflag:$0x1], $0x1, s6, s12, $0xb8;
	[tilespmem:$0x5080] =	vst v63  }
0x6f: {  	s7 =	simm.s32 $0x2580;
	s14 =	simm.s32 $0x4580  }
0x70: {  	[hbm4b:s2+s12] =	stream.indirect.scatter [tilespmem:s7], [sflag:$0x1], $0x1, s14, s12, $0xb8;
	[tilespmem:$0x5080] =	vst v63  }
0x71: {  	s15 =	simm.s32 $0x2600;
	s7 =	simm.s32 $0x4600  }
0x72: {  	[hbm4b:s2+s12] =	stream.indirect.scatter [tilespmem:s15], [sflag:$0x1], $0x1, s7, s12, $0xb8;
	[tilespmem:$0x5080] =	vst v63  }
0x73: {  	s8 =	simm.s32 $0x2680;
	s15 =	simm.s32 $0x4680  }
0x74: {  	[hbm4b:s2+s12] =	stream.indirect.scatter [tilespmem:s8], [sflag:$0x1], $0x1, s15, s12, $0xb8;
	[tilespmem:$0x5080] =	vst v63  }
0x75: {  	s16 =	simm.s32 $0x2700;
	s8 =	simm.s32 $0x4700  }
0x76: {  	[hbm4b:s2+s12] =	stream.indirect.scatter [tilespmem:s16], [sflag:$0x1], $0x1, s8, s12, $0xb8;
	[tilespmem:$0x5080] =	vst v63  }
0x77: {  	s9 =	simm.s32 $0x2780;
	s16 =	simm.s32 $0x4780  }
0x78: {  	[hbm4b:s2+s12] =	stream.indirect.scatter [tilespmem:s9], [sflag:$0x1], $0x1, s16, s12, $0xb8;
	[tilespmem:$0x5080] =	vst v63  }
0x79: {  	s10 =	simm.s32 $0x2800;
	s9 =	simm.s32 $0x4800  }
0x7a: {  	[hbm4b:s2+s12] =	stream.indirect.scatter [tilespmem:s10], [sflag:$0x1], $0x1, s9, s12, $0xb8;
	[tilespmem:$0x5080] =	vst v63  }
0x7b: {  	s18 =	simm.s32 $0x2880;
	s10 =	simm.s32 $0x4880  }
0x7c: {  	[hbm4b:s2+s12] =	stream.indirect.scatter [tilespmem:s18], [sflag:$0x1], $0x1, s10, s12, $0xb8;
	[tilespmem:$0x5080] =	vst v63  }
0x7d: {  	s20 =	simm.s32 $0x2900;
	s18 =	simm.s32 $0x4900  }
0x7e: {  	[hbm4b:s2+s12] =	stream.indirect.scatter [tilespmem:s20], [sflag:$0x1], $0x1, s18, s12, $0xb8;
	[tilespmem:$0x5080] =	vst v63  }
0x7f: {  	s22 =	simm.s32 $0x2980;
	s20 =	simm.s32 $0x4980  }
0x80: {  	[hbm4b:s2+s12] =	stream.indirect.scatter [tilespmem:s22], [sflag:$0x1], $0x1, s20, s12, $0xb8;
	[tilespmem:$0x5080] =	vst v63  }
0x81: {  	s24 =	simm.s32 $0x2A00;
	s22 =	simm.s32 $0x4A00  }
0x82: {  	[hbm4b:s2+s12] =	stream.indirect.scatter [tilespmem:s24], [sflag:$0x1], $0x1, s22, s12, $0xb8;
	[tilespmem:$0x5080] =	vst v63  }
0x83: {  	s26 =	simm.s32 $0x2A80;
	s24 =	simm.s32 $0x4A80  }
0x84: {  	[hbm4b:s2+s12] =	stream.indirect.scatter [tilespmem:s26], [sflag:$0x1], $0x1, s24, s12, $0xb8;
	[tilespmem:$0x5080] =	vst v63  }
0x85: {  	s11 =	simm.s32 $0x2B00;
	s26 =	simm.s32 $0x4B00  }
0x86: {  	[hbm4b:s2+s12] =	stream.indirect.scatter [tilespmem:s11], [sflag:$0x1], $0x1, s26, s12, $0xb8;
	[tilespmem:$0x5080] =	vst v63  }
0x87: {  	s17 =	simm.s32 $0x2B80;
	s11 =	simm.s32 $0x4B80  }
0x88: {  	[hbm4b:s2+s12] =	stream.indirect.scatter [tilespmem:s17], [sflag:$0x1], $0x1, s11, s12, $0xb8;
	[tilespmem:$0x5080] =	vst v63  }
0x89: {  	s31 =	simm.s32 $0x2C00;
	s17 =	simm.s32 $0x4C00  }
0x8a: {  	[hbm4b:s2+s12] =	stream.indirect.scatter [tilespmem:s31], [sflag:$0x1], $0x1, s17, s12, $0xb8;
	[tilespmem:$0x5080] =	vst v63  }
0x8b: {  	s1 =	simm.s32 $0x2C80;
	s31 =	simm.s32 $0x4C80  }
0x8c: {  	[hbm4b:s2+s12] =	stream.indirect.scatter [tilespmem:s1], [sflag:$0x1], $0x1, s31, s12, $0xb8;
	[tilespmem:$0x5080] =	vst v63  }
0x8d: {  	s0 =	simm.s32 $0x2D00;
	s1 =	simm.s32 $0x4D00  }
0x8e: {  	[hbm4b:s2+s12] =	stream.indirect.scatter [tilespmem:s0], [sflag:$0x1], $0x1, s1, s12, $0xb8;
	[tilespmem:$0x5080] =	vst v63  }
0x8f: {  	s1 =	simm.s32 $0x4D80;
	s0 =	simm.s32 $0x2D80  }
0x90: {  	[hbm4b:s2+s12] =	stream.indirect.scatter [tilespmem:s0], [sflag:$0x1], $0x1, s1, s12, $0xb8;
	[tilespmem:$0x5080] =	vst v63  }
0x91: {  	s1 =	simm.s32 $0x4E00;
	s0 =	simm.s32 $0x2E00  }
0x92: {  	[hbm4b:s2+s12] =	stream.indirect.scatter [tilespmem:s0], [sflag:$0x1], $0x1, s1, s12, $0xb8;
	[tilespmem:$0x5080] =	vst v63  }
0x93: {  	s1 =	simm.s32 $0x4E80;
	s0 =	simm.s32 $0x2E80  }
0x94: {  	[hbm4b:s2+s12] =	stream.indirect.scatter [tilespmem:s0], [sflag:$0x1], $0x1, s1, s12, $0xb8;
	[tilespmem:$0x5080] =	vst v63  }
0x95: {  	s1 =	simm.s32 $0x4F00;
	s0 =	simm.s32 $0x2F00  }
0x96: {  	[hbm4b:s2+s12] =	stream.indirect.scatter [tilespmem:s0], [sflag:$0x1], $0x1, s1, s12, $0xb8;
	[tilespmem:$0x5080] =	vst v63  }
0x97: {  	s1 =	simm.s32 $0x4F80;
	s0 =	simm.s32 $0x2F80  }
0x98: {  	[hbm4b:s2+s12] =	stream.indirect.scatter [tilespmem:s0], [sflag:$0x1], $0x1, s1, s12, $0xb8;
	[tilespmem:$0x5080] =	vst v63  }
0x99: {  	s1 =	simm.s32 $0x5000;
	s0 =	simm.s32 $0x3000  }
0x9a: {  	[hbm4b:s2+s12] =	stream.indirect.scatter [tilespmem:s0], [sflag:$0x1], $0x1, s1, s12, $0xb8;
	[tilespmem:$0x5080] =	vst v63  }
0x9b: {  	s0 =	simm.s32 $0x3080  }
0x9c: {  	[hbm4b:s3+s12] =	stream.indirect.scatter [tilespmem:s0], [sflag:$0x1], $0x1, s13, s12, $0xb8;
	[tilespmem:$0x5080] =	vst v63  }
0x9d: {  	s0 =	simm.s32 $0x3100;
	s13 =	simm.s32 $0x4100  }
0x9e: {  	[hbm4b:s3+s12] =	stream.indirect.scatter [tilespmem:s0], [sflag:$0x1], $0x1, s13, s12, $0xb8;
	[tilespmem:$0x5080] =	vst v63  }
0x9f: {  	s13 =	simm.s32 $0x3180  }
0xa0: {  	[hbm4b:s3+s12] =	stream.indirect.scatter [tilespmem:s13], [sflag:$0x1], $0x1, s21, s12, $0xb8;
	[tilespmem:$0x5080] =	vst v63  }
0xa1: {  	s21 =	simm.s32 $0x3200  }
0xa2: {  	[hbm4b:s3+s12] =	stream.indirect.scatter [tilespmem:s21], [sflag:$0x1], $0x1, s23, s12, $0xb8;
	[tilespmem:$0x5080] =	vst v63  }
0xa3: {  	s23 =	simm.s32 $0x3280  }
0xa4: {  	[hbm4b:s3+s12] =	stream.indirect.scatter [tilespmem:s23], [sflag:$0x1], $0x1, s25, s12, $0xb8;
	[tilespmem:$0x5080] =	vst v63  }
0xa5: {  	s25 =	simm.s32 $0x3300  }
0xa6: {  	[hbm4b:s3+s12] =	stream.indirect.scatter [tilespmem:s25], [sflag:$0x1], $0x1, s30, s12, $0xb8;
	[tilespmem:$0x5080] =	vst v63  }
0xa7: {  	s13 =	simm.s32 $0x3380;
	s21 =	simm.s32 $0x4380  }
0xa8: {  	[hbm4b:s3+s12] =	stream.indirect.scatter [tilespmem:s13], [sflag:$0x1], $0x1, s21, s12, $0xb8;
	[tilespmem:$0x5080] =	vst v63  }
0xa9: {  	s23 =	simm.s32 $0x3400  }
0xaa: {  	[hbm4b:s3+s12] =	stream.indirect.scatter [tilespmem:s23], [sflag:$0x1], $0x1, s28, s12, $0xb8;
	[tilespmem:$0x5080] =	vst v63  }
0xab: {  	s25 =	simm.s32 $0x3480  }
0xac: {  	[hbm4b:s3+s12] =	stream.indirect.scatter [tilespmem:s25], [sflag:$0x1], $0x1, s19, s12, $0xb8;
	[tilespmem:$0x5080] =	vst v63  }
0xad: {  	s28 =	simm.s32 $0x3500  }
0xae: {  	[hbm4b:s3+s12] =	stream.indirect.scatter [tilespmem:s28], [sflag:$0x1], $0x1, s6, s12, $0xb8;
	[tilespmem:$0x5080] =	vst v63  }
0xaf: {  	s30 =	simm.s32 $0x3580  }
0xb0: {  	[hbm4b:s3+s12] =	stream.indirect.scatter [tilespmem:s30], [sflag:$0x1], $0x1, s14, s12, $0xb8;
	[tilespmem:$0x5080] =	vst v63  }
0xb1: {  	s13 =	simm.s32 $0x3600  }
0xb2: {  	[hbm4b:s3+s12] =	stream.indirect.scatter [tilespmem:s13], [sflag:$0x1], $0x1, s7, s12, $0xb8;
	[tilespmem:$0x5080] =	vst v63  }
0xb3: {  	s14 =	simm.s32 $0x3680  }
0xb4: {  	[hbm4b:s3+s12] =	stream.indirect.scatter [tilespmem:s14], [sflag:$0x1], $0x1, s15, s12, $0xb8;
	[tilespmem:$0x5080] =	vst v63  }
0xb5: {  	s19 =	simm.s32 $0x3700  }
0xb6: {  	[hbm4b:s3+s12] =	stream.indirect.scatter [tilespmem:s19], [sflag:$0x1], $0x1, s8, s12, $0xb8;
	[tilespmem:$0x5080] =	vst v63  }
0xb7: {  	s21 =	simm.s32 $0x3780  }
0xb8: {  	[hbm4b:s3+s12] =	stream.indirect.scatter [tilespmem:s21], [sflag:$0x1], $0x1, s16, s12, $0xb8;
	[tilespmem:$0x5080] =	vst v63  }
0xb9: {  	s23 =	simm.s32 $0x3800  }
0xba: {  	[hbm4b:s3+s12] =	stream.indirect.scatter [tilespmem:s23], [sflag:$0x1], $0x1, s9, s12, $0xb8;
	[tilespmem:$0x5080] =	vst v63  }
0xbb: {  	s25 =	simm.s32 $0x3880  }
0xbc: {  	[hbm4b:s3+s12] =	stream.indirect.scatter [tilespmem:s25], [sflag:$0x1], $0x1, s10, s12, $0xb8;
	[tilespmem:$0x5080] =	vst v63  }
0xbd: {  	s28 =	simm.s32 $0x3900  }
0xbe: {  	[hbm4b:s3+s12] =	stream.indirect.scatter [tilespmem:s28], [sflag:$0x1], $0x1, s18, s12, $0xb8;
	[tilespmem:$0x5080] =	vst v63  }
0xbf: {  	s30 =	simm.s32 $0x3980  }
0xc0: {  	[hbm4b:s3+s12] =	stream.indirect.scatter [tilespmem:s30], [sflag:$0x1], $0x1, s20, s12, $0xb8;
	[tilespmem:$0x5080] =	vst v63  }
0xc1: {  	s7 =	simm.s32 $0x3A00  }
0xc2: {  	[hbm4b:s3+s12] =	stream.indirect.scatter [tilespmem:s7], [sflag:$0x1], $0x1, s22, s12, $0xb8;
	[tilespmem:$0x5080] =	vst v63  }
0xc3: {  	s8 =	simm.s32 $0x3A80  }
0xc4: {  	[hbm4b:s3+s12] =	stream.indirect.scatter [tilespmem:s8], [sflag:$0x1], $0x1, s24, s12, $0xb8;
	[tilespmem:$0x5080] =	vst v63  }
0xc5: {  	s9 =	simm.s32 $0x3B00  }
0xc6: {  	[hbm4b:s3+s12] =	stream.indirect.scatter [tilespmem:s9], [sflag:$0x1], $0x1, s26, s12, $0xb8;
	[tilespmem:$0x5080] =	vst v63  }
0xc7: {  	s10 =	simm.s32 $0x3B80  }
0xc8: {  	[hbm4b:s3+s12] =	stream.indirect.scatter [tilespmem:s10], [sflag:$0x1], $0x1, s11, s12, $0xb8;
	[tilespmem:$0x5080] =	vst v63  }
0xc9: {  	s13 =	simm.s32 $0x3C00  }
0xca: {  	[hbm4b:s3+s12] =	stream.indirect.scatter [tilespmem:s13], [sflag:$0x1], $0x1, s17, s12, $0xb8;
	[tilespmem:$0x5080] =	vst v63  }
0xcb: {  	s14 =	simm.s32 $0x3C80  }
0xcc: {  	[hbm4b:s3+s12] =	stream.indirect.scatter [tilespmem:s14], [sflag:$0x1], $0x1, s31, s12, $0xb8;
	[tilespmem:$0x5080] =	vst v63  }
0xcd: {  	s15 =	simm.s32 $0x3D00;
	s16 =	simm.s32 $0x4D00  }
0xce: {  	[hbm4b:s3+s12] =	stream.indirect.scatter [tilespmem:s15], [sflag:$0x1], $0x1, s16, s12, $0xb8;
	[tilespmem:$0x5080] =	vst v63  }
0xcf: {  	s18 =	simm.s32 $0x4D80;
	s17 =	simm.s32 $0x3D80  }
0xd0: {  	[hbm4b:s3+s12] =	stream.indirect.scatter [tilespmem:s17], [sflag:$0x1], $0x1, s18, s12, $0xb8;
	[tilespmem:$0x5080] =	vst v63  }
0xd1: {  	s19 =	simm.s32 $0x3E00;
	s20 =	simm.s32 $0x4E00  }
0xd2: {  	[hbm4b:s3+s12] =	stream.indirect.scatter [tilespmem:s19], [sflag:$0x1], $0x1, s20, s12, $0xb8;
	[tilespmem:$0x5080] =	vst v63  }
0xd3: {  	s21 =	simm.s32 $0x3E80;
	s22 =	simm.s32 $0x4E80  }
0xd4: {  	[hbm4b:s3+s12] =	stream.indirect.scatter [tilespmem:s21], [sflag:$0x1], $0x1, s22, s12, $0xb8;
	[tilespmem:$0x5080] =	vst v63  }
0xd5: {  	s23 =	simm.s32 $0x3F00;
	s24 =	simm.s32 $0x4F00  }
0xd6: {  	[hbm4b:s3+s12] =	stream.indirect.scatter [tilespmem:s23], [sflag:$0x1], $0x1, s24, s12, $0xb8;
	[tilespmem:$0x5080] =	vst v63  }
0xd7: {  	s25 =	simm.s32 $0x3F80;
	s26 =	simm.s32 $0x4F80  }
0xd8: {  	[hbm4b:s3+s12] =	stream.indirect.scatter [tilespmem:s25], [sflag:$0x1], $0x1, s26, s12, $0xb8;
	[tilespmem:$0x5080] =	vst v63  }
0xd9: {  	s1 =	simm.s32 $0x5000;
	s28 =	simm.s32 $0x4000  }
0xda: {  	[hbm4b:s3+s12] =	stream.indirect.scatter [tilespmem:s28], [sflag:$0x1], $0x1, s1, s12, $0xb8;
	[tilespmem:$0x5080] =	vst v63  }
0xdb: {  	_ =	swait.ge [sflag:s29], $0x80  }
0xdc: {  	[sflag:s29] =	ssyncset.done $0x0  }
0xdd: {  	[sflag:s29] =	ssyncadd.s32 $0xFFFFFF80  }
0xde: {  	_ =	swait.ge [sflag:s29], $0x80  }
0xdf: {  	[sflag:s29] =	ssyncset.done $0x0  }
0xe0: {  	[sflag:s29] =	ssyncadd.s32 $0xFFFFFF80  }
0xe1: {  	_ =	swait.ge [sflag:s29], $0x80  }
0xe2: {  	[sflag:s29] =	ssyncset.done $0x0  }
0xe3: {  	[sflag:s29] =	ssyncadd.s32 $0xFFFFFF80  }
0xe4: {  	_ =	swait.ge [sflag:s29], $0x80  }
0xe5: {  	[sflag:s29] =	ssyncset.done $0x0  }
0xe6: {  	[sflag:s29] =	ssyncadd.s32 $0xFFFFFF80  }
0xe7: {  	_ =	swait.ge [sflag:s29], $0x80  }
0xe8: {  	[sflag:s29] =	ssyncset.done $0x0  }
0xe9: {  	[sflag:s29] =	ssyncadd.s32 $0xFFFFFF80  }
0xea: {  	_ =	swait.ge [sflag:s29], $0x80  }
0xeb: {  	[sflag:s29] =	ssyncset.done $0x0  }
0xec: {  	[sflag:s29] =	ssyncadd.s32 $0xFFFFFF80  }
0xed: {  	_ =	swait.ge [sflag:s29], $0x80  }
0xee: {  	[sflag:s29] =	ssyncset.done $0x0  }
0xef: {  	[sflag:s29] =	ssyncadd.s32 $0xFFFFFF80  }
0xf0: {  	_ =	swait.ge [sflag:s29], $0x80  }
0xf1: {  	[sflag:s29] =	ssyncset.done $0x0  }
0xf2: {  	[sflag:s29] =	ssyncadd.s32 $0xFFFFFF80  }
0xf3: {  	_ =	swait.ge [sflag:s29], $0x80  }
0xf4: {  	[sflag:s29] =	ssyncset.done $0x0  }
0xf5: {  	[sflag:s29] =	ssyncadd.s32 $0xFFFFFF80  }
0xf6: {  	_ =	swait.ge [sflag:s29], $0x80  }
0xf7: {  	[sflag:s29] =	ssyncset.done $0x0  }
0xf8: {  	[sflag:s29] =	ssyncadd.s32 $0xFFFFFF80  }
0xf9: {  	_ =	swait.ge [sflag:s29], $0x80  }
0xfa: {  	[sflag:s29] =	ssyncset.done $0x0  }
0xfb: {  	[sflag:s29] =	ssyncadd.s32 $0xFFFFFF80  }
0xfc: {  	_ =	swait.ge [sflag:s29], $0x80  }
0xfd: {  	[sflag:s29] =	ssyncset.done $0x0  }
0xfe: {  	[sflag:s29] =	ssyncadd.s32 $0xFFFFFF80  }
0xff: {  	_ =	swait.ge [sflag:s29], $0x80  }
0x100: {  	[sflag:s29] =	ssyncset.done $0x0  }
0x101: {  	[sflag:s29] =	ssyncadd.s32 $0xFFFFFF80  }
0x102: {  	_ =	swait.ge [sflag:s29], $0x80  }
0x103: {  	[sflag:s29] =	ssyncset.done $0x0  }
0x104: {  	[sflag:s29] =	ssyncadd.s32 $0xFFFFFF80  }
0x105: {  	_ =	swait.ge [sflag:s29], $0x80  }
0x106: {  	[sflag:s29] =	ssyncset.done $0x0  }
0x107: {  	[sflag:s29] =	ssyncadd.s32 $0xFFFFFF80  }
0x108: {  	_ =	swait.ge [sflag:s29], $0x80  }
0x109: {  	[sflag:s29] =	ssyncset.done $0x0  }
0x10a: {  	[sflag:s29] =	ssyncadd.s32 $0xFFFFFF80  }
0x10b: {  	_ =	swait.ge [sflag:s29], $0x80  }
0x10c: {  	[sflag:s29] =	ssyncset.done $0x0  }
0x10d: {  	[sflag:s29] =	ssyncadd.s32 $0xFFFFFF80  }
0x10e: {  	_ =	swait.ge [sflag:s29], $0x80  }
0x10f: {  	[sflag:s29] =	ssyncset.done $0x0  }
0x110: {  	[sflag:s29] =	ssyncadd.s32 $0xFFFFFF80  }
0x111: {  	_ =	swait.ge [sflag:s29], $0x80  }
0x112: {  	[sflag:s29] =	ssyncset.done $0x0  }
0x113: {  	[sflag:s29] =	ssyncadd.s32 $0xFFFFFF80  }
0x114: {  	_ =	swait.ge [sflag:s29], $0x80  }
0x115: {  	[sflag:s29] =	ssyncset.done $0x0  }
0x116: {  	[sflag:s29] =	ssyncadd.s32 $0xFFFFFF80  }
0x117: {  	_ =	swait.ge [sflag:s29], $0x80  }
0x118: {  	[sflag:s29] =	ssyncset.done $0x0  }
0x119: {  	[sflag:s29] =	ssyncadd.s32 $0xFFFFFF80  }
0x11a: {  	_ =	swait.ge [sflag:s29], $0x80  }
0x11b: {  	[sflag:s29] =	ssyncset.done $0x0  }
0x11c: {  	[sflag:s29] =	ssyncadd.s32 $0xFFFFFF80  }
0x11d: {  	_ =	swait.ge [sflag:s29], $0x80  }
0x11e: {  	[sflag:s29] =	ssyncset.done $0x0  }
0x11f: {  	[sflag:s29] =	ssyncadd.s32 $0xFFFFFF80  }
0x120: {  	_ =	swait.ge [sflag:s29], $0x80  }
0x121: {  	[sflag:s29] =	ssyncset.done $0x0  }
0x122: {  	[sflag:s29] =	ssyncadd.s32 $0xFFFFFF80  }
0x123: {  	_ =	swait.ge [sflag:s29], $0x80  }
0x124: {  	[sflag:s29] =	ssyncset.done $0x0  }
0x125: {  	[sflag:s29] =	ssyncadd.s32 $0xFFFFFF80  }
0x126: {  	_ =	swait.ge [sflag:s29], $0x80  }
0x127: {  	[sflag:s29] =	ssyncset.done $0x0  }
0x128: {  	[sflag:s29] =	ssyncadd.s32 $0xFFFFFF80  }
0x129: {  	_ =	swait.ge [sflag:s29], $0x80  }
0x12a: {  	[sflag:s29] =	ssyncset.done $0x0  }
0x12b: {  	[sflag:s29] =	ssyncadd.s32 $0xFFFFFF80  }
0x12c: {  	_ =	swait.ge [sflag:s29], $0x80  }
0x12d: {  	[sflag:s29] =	ssyncset.done $0x0  }
0x12e: {  	[sflag:s29] =	ssyncadd.s32 $0xFFFFFF80  }
0x12f: {  	_ =	swait.ge [sflag:s29], $0x80  }
0x130: {  	[sflag:s29] =	ssyncset.done $0x0  }
0x131: {  	[sflag:s29] =	ssyncadd.s32 $0xFFFFFF80  }
0x132: {  	_ =	swait.ge [sflag:s29], $0x80  }
0x133: {  	[sflag:s29] =	ssyncset.done $0x0  }
0x134: {  	[sflag:s29] =	ssyncadd.s32 $0xFFFFFF80  }
0x135: {  	_ =	swait.ge [sflag:s29], $0x80  }
0x136: {  	[sflag:s29] =	ssyncset.done $0x0  }
0x137: {  	[sflag:s29] =	ssyncadd.s32 $0xFFFFFF80  }
0x138: {  	_ =	swait.ge [sflag:s29], $0x80  }
0x139: {  	[sflag:s29] =	ssyncset.done $0x0  }
0x13a: {  	[sflag:s29] =	ssyncadd.s32 $0xFFFFFF80  }
0x13b: {  	_ =	swait.ge [sflag:s29], $0x80  }
0x13c: {  	[sflag:s29] =	ssyncset.done $0x0  }
0x13d: {  	[sflag:s29] =	ssyncadd.s32 $0xFFFFFF80  }
0x13e: {  	_ =	swait.ge [sflag:s29], $0x80  }
0x13f: {  	[sflag:s29] =	ssyncset.done $0x0  }
0x140: {  	[sflag:s29] =	ssyncadd.s32 $0xFFFFFF80  }
0x141: {  	_ =	swait.ge [sflag:s29], $0x80  }
0x142: {  	[sflag:s29] =	ssyncset.done $0x0  }
0x143: {  	[sflag:s29] =	ssyncadd.s32 $0xFFFFFF80  }
0x144: {  	_ =	swait.ge [sflag:s29], $0x80  }
0x145: {  	[sflag:s29] =	ssyncset.done $0x0  }
0x146: {  	[sflag:s29] =	ssyncadd.s32 $0xFFFFFF80  }
0x147: {  	_ =	swait.ge [sflag:s29], $0x80  }
0x148: {  	[sflag:s29] =	ssyncset.done $0x0  }
0x149: {  	[sflag:s29] =	ssyncadd.s32 $0xFFFFFF80  }
0x14a: {  	_ =	swait.ge [sflag:s29], $0x80  }
0x14b: {  	[sflag:s29] =	ssyncset.done $0x0  }
0x14c: {  	[sflag:s29] =	ssyncadd.s32 $0xFFFFFF80  }
0x14d: {  	_ =	swait.ge [sflag:s29], $0x80  }
0x14e: {  	[sflag:s29] =	ssyncset.done $0x0  }
0x14f: {  	[sflag:s29] =	ssyncadd.s32 $0xFFFFFF80  }
0x150: {  	_ =	swait.ge [sflag:s29], $0x80  }
0x151: {  	[sflag:s29] =	ssyncset.done $0x0  }
0x152: {  	[sflag:s29] =	ssyncadd.s32 $0xFFFFFF80  }
0x153: {  	_ =	swait.ge [sflag:s29], $0x80  }
0x154: {  	[sflag:s29] =	ssyncset.done $0x0  }
0x155: {  	[sflag:s29] =	ssyncadd.s32 $0xFFFFFF80  }
0x156: {  	_ =	swait.ge [sflag:s29], $0x80  }
0x157: {  	[sflag:s29] =	ssyncset.done $0x0  }
0x158: {  	[sflag:s29] =	ssyncadd.s32 $0xFFFFFF80  }
0x159: {  	_ =	swait.ge [sflag:s29], $0x80  }
0x15a: {  	[sflag:s29] =	ssyncset.done $0x0  }
0x15b: {  	[sflag:s29] =	ssyncadd.s32 $0xFFFFFF80  }
0x15c: {  	_ =	swait.ge [sflag:s29], $0x80  }
0x15d: {  	[sflag:s29] =	ssyncset.done $0x0  }
0x15e: {  	[sflag:s29] =	ssyncadd.s32 $0xFFFFFF80  }
0x15f: {  	_ =	swait.ge [sflag:s29], $0x80  }
0x160: {  	[sflag:s29] =	ssyncset.done $0x0  }
0x161: {  	[sflag:s29] =	ssyncadd.s32 $0xFFFFFF80  }
0x162: {  	_ =	swait.ge [sflag:s29], $0x80  }
0x163: {  	[sflag:s29] =	ssyncset.done $0x0  }
0x164: {  	[sflag:s29] =	ssyncadd.s32 $0xFFFFFF80  }
0x165: {  	_ =	swait.ge [sflag:s29], $0x80  }
0x166: {  	[sflag:s29] =	ssyncset.done $0x0  }
0x167: {  	[sflag:s29] =	ssyncadd.s32 $0xFFFFFF80  }
0x168: {  	_ =	swait.ge [sflag:s29], $0x80  }
0x169: {  	[sflag:s29] =	ssyncset.done $0x0  }
0x16a: {  	[sflag:s29] =	ssyncadd.s32 $0xFFFFFF80  }
0x16b: {  	_ =	swait.ge [sflag:s29], $0x80  }
0x16c: {  	[sflag:s29] =	ssyncset.done $0x0  }
0x16d: {  	[sflag:s29] =	ssyncadd.s32 $0xFFFFFF80  }
0x16e: {  	_ =	swait.ge [sflag:s29], $0x80  }
0x16f: {  	[sflag:s29] =	ssyncset.done $0x0  }
0x170: {  	[sflag:s29] =	ssyncadd.s32 $0xFFFFFF80  }
0x171: {  	_ =	swait.ge [sflag:s29], $0x80  }
0x172: {  	[sflag:s29] =	ssyncset.done $0x0  }
0x173: {  	[sflag:s29] =	ssyncadd.s32 $0xFFFFFF80  }
0x174: {  	_ =	swait.ge [sflag:s29], $0x80  }
0x175: {  	[sflag:s29] =	ssyncset.done $0x0  }
0x176: {  	[sflag:s29] =	ssyncadd.s32 $0xFFFFFF80  }
0x177: {  	_ =	swait.ge [sflag:s29], $0x80  }
0x178: {  	[sflag:s29] =	ssyncset.done $0x0  }
0x179: {  	[sflag:s29] =	ssyncadd.s32 $0xFFFFFF80  }
0x17a: {  	_ =	swait.ge [sflag:s29], $0x80  }
0x17b: {  	[sflag:s29] =	ssyncset.done $0x0  }
0x17c: {  	[sflag:s29] =	ssyncadd.s32 $0xFFFFFF80  }
0x17d: {  	_ =	swait.ge [sflag:s29], $0x80  }
0x17e: {  	[sflag:s29] =	ssyncset.done $0x0  }
0x17f: {  	[sflag:s29] =	ssyncadd.s32 $0xFFFFFF80  }
0x180: {  	_ =	swait.ge [sflag:s29], $0x80  }
0x181: {  	[sflag:s29] =	ssyncset.done $0x0  }
0x182: {  	[sflag:s29] =	ssyncadd.s32 $0xFFFFFF80  }
0x183: {  	_ =	swait.ge [sflag:s29], $0x80  }
0x184: {  	[sflag:s29] =	ssyncset.done $0x0  }
0x185: {  	[sflag:s29] =	ssyncadd.s32 $0xFFFFFF80  }
0x186: {  	_ =	swait.ge [sflag:s29], $0x80  }
0x187: {  	[sflag:s29] =	ssyncset.done $0x0  }
0x188: {  	[sflag:s29] =	ssyncadd.s32 $0xFFFFFF80  }
0x189: {  	_ =	swait.ge [sflag:s29], $0x80  }
0x18a: {  	[sflag:s29] =	ssyncset.done $0x0  }
0x18b: {  	[sflag:s29] =	ssyncadd.s32 $0xFFFFFF80  }
0x18c: {  	_ =	swait.ge [sflag:s29], $0x80  }
0x18d: {  	[sflag:s29] =	ssyncset.done $0x0  }
0x18e: {  	[sflag:s29] =	ssyncadd.s32 $0xFFFFFF80  }
0x18f: {  	_ =	swait.ge [sflag:s29], $0x80  }
0x190: {  	[sflag:s29] =	ssyncset.done $0x0  }
0x191: {  	[sflag:s29] =	ssyncadd.s32 $0xFFFFFF80  }
0x192: {  	_ =	swait.ge [sflag:s29], $0x80  }
0x193: {  	[sflag:s29] =	ssyncset.done $0x0  }
0x194: {  	[sflag:s29] =	ssyncadd.s32 $0xFFFFFF80  }
0x195: {  	_ =	swait.ge [sflag:s29], $0x80  }
0x196: {  	[sflag:s29] =	ssyncset.done $0x0  }
0x197: {  	[sflag:s29] =	ssyncadd.s32 $0xFFFFFF80  }
0x198: {  	_ =	swait.ge [sflag:s29], $0x80  }
0x199: {  	s30 =	rddreg [dreg:$0x9]  }
0x19a: {  	s31 =	rddreg [dreg:$0x8];
	s0 =	sadd.s32 $0x1, s30  }
0x19b: {  	p0 =	sne.s32 s0, s31  }
.Ltmp1:
0x19c: {  	_ = 	snop;
	(pc) =	sbr.rel @p0 .LBB2_1-.Ltmp1, $3  }
0x19d: {  	_ =	sdelay $0x1  }
0x19e: {  	[sflag:s29] =	ssyncset.done $0x0  }
0x19f: {  	s6 =	simm.s32 $0x2080;
	[sflag:s29] =	ssyncadd.s32 $0xFFFFFF80  }
0x1a0: {  	_ =	sfence.sel $0x180000  }
0x1a1: {  	[bflag:$0x0] =	sbarrier.arrive $0xFFFF  }
0x1a2: {  	_ =	strace $0x90000047  }
0x1a3: {  	s0 =	stileid.u32;
	[bflag:$0x2] =	sbarrier.arrive $0xFFFF  }
0x1a4: {  	p0 =	sne.s32 s0, $0x0;
	s0 =	rddreg [dreg:$0x3]  }
0x1a5: {  	s0 =	sadd.s32 @!p0 $0x100000, s0  }
0x1a6: {  	[sflag:s0] =	ssyncadd.tile.s32 @!p0 $0x1;
	_ =	shalt  }
.Lfunc_end2:
_tile_overlayer_lowered:
.L_overlay_start_2:
0x1a7: {  	(tag) =	ssettag $0x2  }
0x1a8: {  	s0 =	rddreg [dreg:$0x0];
	s2 =	stileid.u32  }
0x1a9: {  	s1 =	rddreg [dreg:$0x1];
	p0 =	sne.s32 s2, $0x0  }
0x1aa: {  	s3 =	rddreg [dreg:$0x2];
	[bflag:$0x3] =	sbarrier.arrive $0xFFFF;
	s2 =	simm.s32 @!p0 $0x1C02  }
0x1ab: {  	[timem:s3], [sflag:s2] =	dma.local @!p0 [hbm:s0], s1  }
0x1ac: {  	s0 =	simm.s32 @!p0 $0x2  }
0x1ad: {  	_ =	swait.ge @!p0 [sflag:s0], s1  }
0x1ae: {  	s1 =	ssub.s32 @!p0 $0x0, s1;
	[sflag:s0] =	ssyncset.done @!p0 $0x0  }
0x1af: {  	[sflag:s0] =	ssyncadd.s32 @!p0 s1  }
0x1b0: {  	[bflag:$0x3] =	sbarrier.arrive $0xFFFF  }
0x1b1: {  	_ =	shalt  }

</sc_bundles>
